<compile_context>
chip_gen: v7x
topology: tpu7x:2x2x1
jax: 0.10.2.dev20260603
libtpu: 0.0.44.dev20260713+nightly
codegen_flags: <defaults>
</compile_context>

<pallas_src>
import jax
import jax.numpy as jnp
from jax import lax
from jax.experimental import pallas as pl
from jax.experimental.pallas import tpu as pltpu
from jax.experimental.pallas import tpu_sc as plsc

N = 10000
E = 100000
F_IN = 64
H = 64
D_E = 16
G = 32
W = 128

NC = 2
NS = 16
NW = NC * NS

CH_E = 128
NCHUNK = 13
EPADH = NW * NCHUNK * CH_E
EPAD = 2 * EPADH
NPAD = 10240
DUMP = NPAD - 8

CB = 1024
CN = 2048

_MESH = dict(core_axis_name="c", subcore_axis_name="s")


def _sc_gather(table, idx4d):

    def body(table_hbm, idx_hbm, out_hbm, idx_v, rows_v, sem):
        cid = lax.axis_index("c")
        sid = lax.axis_index("s")
        wid = sid * NC + cid
        pltpu.sync_copy(idx_hbm.at[wid], idx_v)

        @pl.loop(0, NCHUNK)
        def _chunk(j):
            pltpu.async_copy(table_hbm.at[idx_v.at[j, 0]], rows_v, sem).wait()
            pltpu.sync_copy(
                rows_v, out_hbm.at[pl.ds((wid * NCHUNK + j) * CH_E, CH_E)])

    f = pl.kernel(
        body,
        out_type=jax.ShapeDtypeStruct((EPADH, W), jnp.float32),
        mesh=plsc.VectorSubcoreMesh(**_MESH),
        scratch_types=[
            pltpu.VMEM((NCHUNK, 1, CH_E), jnp.int32),
            pltpu.VMEM((CH_E, W), jnp.float32),
            pltpu.SemaphoreType.DMA,
        ],
    )
    return f(table, idx4d)


def _sc_scatter(msg, dst4d, zinit):
    rpt = NPAD // NS

    def body(msg_hbm, dst_hbm, z_hbm, agg_hbm, dst_v, rows_v, acc_sh, sem):
        cid = lax.axis_index("c")
        sid = lax.axis_index("s")
        wid = sid * NC + cid
        pltpu.sync_copy(z_hbm.at[pl.ds(sid * rpt, rpt)],
                        acc_sh.at[pl.ds(sid * rpt, rpt)])
        pltpu.sync_copy(dst_hbm.at[wid], dst_v)
        plsc.subcore_barrier()

        @pl.loop(0, NCHUNK)
        def _chunk(j):
            pltpu.async_copy(
                msg_hbm.at[pl.ds((wid * NCHUNK + j) * CH_E, CH_E)], rows_v,
                sem).wait()
            pltpu.sync_copy(rows_v, acc_sh.at[dst_v.at[j, 0]], add=True)

        plsc.subcore_barrier()
        pltpu.sync_copy(acc_sh.at[pl.ds(sid * rpt, rpt)],
                        agg_hbm.at[cid, pl.ds(sid * rpt, rpt)])

    f = pl.kernel(
        body,
        out_type=jax.ShapeDtypeStruct((NC, NPAD, W), jnp.float32),
        mesh=plsc.VectorSubcoreMesh(**_MESH),
        scratch_types=[
            pltpu.VMEM((NCHUNK, 1, CH_E), jnp.int32),
            pltpu.VMEM((CH_E, W), jnp.float32),
            pltpu.VMEM_SHARED((NPAD, W), jnp.float32),
            pltpu.SemaphoreType.DMA,
        ],
    )
    return f(msg, dst4d, zinit)


def _msg_body(ea_ref, xj_ref, W1_ref, b1_ref, W2r_ref, B2_ref, exp_ref,
              out_ref):
    h = jnp.maximum(
        jnp.dot(ea_ref[...], W1_ref[...], preferred_element_type=jnp.float32)
        + b1_ref[...], 0.0)
    xj = xj_ref[:, :F_IN]
    hrep = jnp.dot(h, exp_ref[...], preferred_element_type=jnp.float32)
    z = hrep * jnp.tile(xj, (1, H))
    msg = (jnp.dot(z, W2r_ref[...], preferred_element_type=jnp.float32)
           + jnp.dot(xj, B2_ref[...], preferred_element_type=jnp.float32))
    tail = jnp.where(
        lax.broadcasted_iota(jnp.int32, (CB, W - H), 1) == 0, 1.0, 0.0)
    out_ref[...] = jnp.concatenate([msg, tail], axis=1)


def _msg(ea, xj, W1, b1, W2r, B2, expand):
    return pl.pallas_call(
        _msg_body,
        out_shape=jax.ShapeDtypeStruct((EPADH, W), jnp.float32),
        grid=(EPADH // CB,),
        in_specs=[
            pl.BlockSpec((CB, D_E), lambda i: (i, 0)),
            pl.BlockSpec((CB, W), lambda i: (i, 0)),
            pl.BlockSpec((D_E, H), lambda i: (0, 0)),
            pl.BlockSpec((1, H), lambda i: (0, 0)),
            pl.BlockSpec((F_IN * H, H), lambda i: (0, 0)),
            pl.BlockSpec((F_IN, H), lambda i: (0, 0)),
            pl.BlockSpec((H, F_IN * H), lambda i: (0, 0)),
        ],
        out_specs=pl.BlockSpec((CB, W), lambda i: (i, 0)),
    )(ea, xj, W1, b1, W2r, B2, expand)


def _node_body(aggp_ref, aggq_ref, xin_ref, R_ref, bc_ref, out_ref):
    agg = (aggp_ref[0, :, :H] + aggp_ref[1, :, :H]
           + aggq_ref[0, :, :H] + aggq_ref[1, :, :H])
    cnt = (aggp_ref[0, :, H:H + 1] + aggp_ref[1, :, H:H + 1]
           + aggq_ref[0, :, H:H + 1] + aggq_ref[1, :, H:H + 1])
    agg = agg / jnp.maximum(cnt, 1.0)
    h1 = jnp.maximum(
        agg + jnp.dot(xin_ref[:, :F_IN], R_ref[...],
                      preferred_element_type=jnp.float32) + bc_ref[...], 0.0)
    pad = jnp.concatenate(
        [cnt, jnp.zeros((CN, W - H - 1), jnp.float32)], axis=1)
    out_ref[...] = jnp.concatenate([h1, pad], axis=1)


def _node(aggp, aggq, xin, R, bc):
    return pl.pallas_call(
        _node_body,
        out_shape=jax.ShapeDtypeStruct((NPAD, W), jnp.float32),
        grid=(NPAD // CN,),
        in_specs=[
            pl.BlockSpec((NC, CN, W), lambda i: (0, i, 0)),
            pl.BlockSpec((NC, CN, W), lambda i: (0, i, 0)),
            pl.BlockSpec((CN, W), lambda i: (i, 0)),
            pl.BlockSpec((H, H), lambda i: (0, 0)),
            pl.BlockSpec((1, H), lambda i: (0, 0)),
        ],
        out_specs=pl.BlockSpec((CN, W), lambda i: (i, 0)),
    )(aggp, aggq, xin, R, bc)


def _final_body(aggp_ref, aggq_ref, h1_ref, R_ref, bc_ref, bat_ref, L1_ref,
                bl1_ref, L2_ref, bl2_ref, out_ref, pool_acc, pcnt_acc):
    i = pl.program_id(0)
    agg = (aggp_ref[0, :, :H] + aggp_ref[1, :, :H]
           + aggq_ref[0, :, :H] + aggq_ref[1, :, :H])
    cnt = h1_ref[:, H:H + 1]
    agg = agg / jnp.maximum(cnt, 1.0)
    h2 = jnp.maximum(
        agg + jnp.dot(h1_ref[:, :H], R_ref[...],
                      preferred_element_type=jnp.float32) + bc_ref[...], 0.0)
    bat = bat_ref[...]
    gid = lax.broadcasted_iota(jnp.int32, (G, CN), 0)
    M = (gid == bat).astype(jnp.float32)

    @pl.when(i == 0)
    def _init():
        pool_acc[...] = jnp.zeros_like(pool_acc)
        pcnt_acc[...] = jnp.zeros_like(pcnt_acc)

    pool_acc[...] += jnp.dot(M, h2, preferred_element_type=jnp.float32,
                             precision=lax.Precision.HIGHEST)
    pcnt_acc[...] += jnp.sum(M, axis=1, keepdims=True)

    @pl.when(i == pl.num_programs(0) - 1)
    def _readout():
        pooled = pool_acc[...] / jnp.maximum(pcnt_acc[...], 1.0)
        hid = jnp.maximum(
            jnp.dot(pooled, L1_ref[...], preferred_element_type=jnp.float32)
            + bl1_ref[...], 0.0)
        out_ref[...] = (
            jnp.dot(hid, L2_ref[...], preferred_element_type=jnp.float32)
            + bl2_ref[...])


def _final(aggp, aggq, h1, R, bc, batT, L1, bl1, L2, bl2):
    return pl.pallas_call(
        _final_body,
        out_shape=jax.ShapeDtypeStruct((G, 2), jnp.float32),
        grid=(NPAD // CN,),
        in_specs=[
            pl.BlockSpec((NC, CN, W), lambda i: (0, i, 0)),
            pl.BlockSpec((NC, CN, W), lambda i: (0, i, 0)),
            pl.BlockSpec((CN, W), lambda i: (i, 0)),
            pl.BlockSpec((H, H), lambda i: (0, 0)),
            pl.BlockSpec((1, H), lambda i: (0, 0)),
            pl.BlockSpec((1, CN), lambda i: (0, i)),
            pl.BlockSpec((H, H), lambda i: (0, 0)),
            pl.BlockSpec((1, H), lambda i: (0, 0)),
            pl.BlockSpec((H, 2), lambda i: (0, 0)),
            pl.BlockSpec((1, 2), lambda i: (0, 0)),
        ],
        out_specs=pl.BlockSpec((G, 2), lambda i: (0, 0)),
        scratch_shapes=[
            pltpu.VMEM((G, H), jnp.float32),
            pltpu.VMEM((G, 1), jnp.float32),
        ],
    )(aggp, aggq, h1, R, bc, batT, L1, bl1, L2, bl2)


def _chain(arr, dep):
    return arr + (dep.reshape(-1)[0] * 0.0).astype(arr.dtype)


def kernel(x, edge_index, edge_attr, batch, W1, b1, W2, b2, R1, bc1, R2, bc2,
           L1, bl1, L2, bl2):
    src = edge_index[0]
    dst = edge_index[1]

    x_pad = jnp.pad(x, ((0, NPAD - N), (0, W - F_IN)))
    ea_pad = jnp.pad(edge_attr, ((0, EPAD - E), (0, 0)))
    eaA, eaB = ea_pad[:EPADH], ea_pad[EPADH:]
    src_pad = jnp.pad(src, (0, EPAD - E))
    dst_pad = jnp.pad(dst, (0, EPAD - E), constant_values=DUMP)
    srcA = src_pad[:EPADH].reshape(NW, NCHUNK, 1, CH_E)
    srcB = src_pad[EPADH:].reshape(NW, NCHUNK, 1, CH_E)
    dstA = dst_pad[:EPADH].reshape(NW, NCHUNK, 1, CH_E)
    dstB = dst_pad[EPADH:].reshape(NW, NCHUNK, 1, CH_E)
    batT = jnp.pad(batch, (0, NPAD - N), constant_values=G).reshape(1, NPAD)

    W2r = W2.reshape(H, F_IN, H).reshape(F_IN * H, H)
    B2 = b2.reshape(F_IN, H)
    b1r = b1.reshape(1, H)
    bc1r = bc1.reshape(1, H)
    bc2r = bc2.reshape(1, H)
    bl1r = bl1.reshape(1, H)
    bl2r = bl2.reshape(1, 2)

    zinit = jnp.zeros((NPAD, W), jnp.float32)
    expand = jnp.repeat(jnp.eye(H, dtype=jnp.float32), H, axis=1)

    xjA = _sc_gather(x_pad, srcA)
    xjB = _sc_gather(_chain(x_pad, xjA), srcB)
    msg1A = _msg(eaA, xjA, W1, b1r, W2r, B2, expand)
    msg1B = _msg(eaB, xjB, W1, b1r, W2r, B2, expand)
    agg1A = _sc_scatter(_chain(msg1A, xjB), dstA, zinit)
    agg1B = _sc_scatter(_chain(msg1B, agg1A), dstB, zinit)
    h1 = _node(agg1A, agg1B, x_pad, R1, bc1r)

    hjA = _sc_gather(h1, srcA)
    hjB = _sc_gather(_chain(h1, hjA), srcB)
    msg2A = _msg(eaA, hjA, W1, b1r, W2r, B2, expand)
    msg2B = _msg(eaB, hjB, W1, b1r, W2r, B2, expand)
    agg2A = _sc_scatter(_chain(msg2A, hjB), dstA, zinit)
    agg2B = _sc_scatter(_chain(msg2B, agg2A), dstB, zinit)

    return _final(agg2A, agg2B, h1, R2, bc2r, batT, L1, bl1r, L2, bl2r)

# --- scband reference (transcript-rebuilt; emitter-appended) ---
"""Pipeline reference for scband-gnnmalware-detector-37306085933669 (READ-ONLY COPY).

The authoritative reference and input builder live on the scoring server;
editing this copy changes nothing except your own understanding.
"""

import jax, jax.numpy as jnp
import numpy as np

N = 10000
E = 100000
F_IN = 64
H = 64
D_E = 16
G = 32

def setup_inputs(seed: int = 0):
    key = jax.random.key(seed)
    ks = jax.random.split(key, 20)
    s = lambda i, shape: jax.random.normal(ks[i], shape, dtype=jnp.float32)
    inp = {}
    inp["x"] = s(0, (N, F_IN))
    inp["edge_index"] = jax.random.randint(ks[1], (2, E), 0, N, dtype=jnp.int32)
    inp["edge_attr"] = s(2, (E, D_E))
    inp["batch"] = jnp.sort(jax.random.randint(ks[3], (N,), 0, G, dtype=jnp.int32))
    # edge_mlp: Linear(D_E,H) -> ReLU -> Linear(H, F_IN*H)
    inp["W1"] = s(4, (D_E, H)) * 0.1
    inp["b1"] = jnp.zeros((H,), jnp.float32)
    inp["W2"] = s(5, (H, F_IN * H)) * 0.02
    inp["b2"] = jnp.zeros((F_IN * H,), jnp.float32)
    # NNConv root weights + biases
    inp["R1"] = s(6, (F_IN, H)) * 0.1
    inp["bc1"] = jnp.zeros((H,), jnp.float32)
    inp["R2"] = s(7, (H, H)) * 0.1
    inp["bc2"] = jnp.zeros((H,), jnp.float32)
    # readout MLP: Linear(H,H) -> ReLU -> Linear(H,2)
    inp["L1"] = s(8, (H, H)) * 0.1
    inp["bl1"] = jnp.zeros((H,), jnp.float32)
    inp["L2"] = s(9, (H, 2)) * 0.1
    inp["bl2"] = jnp.zeros((2,), jnp.float32)
    return inp

def _edge_mlp(edge_attr, W1, b1, W2, b2):
    h = jax.nn.relu(edge_attr @ W1 + b1)
    return h @ W2 + b2

def _nnconv(x, src, dst, ew, root, bias, in_ch, out_ch):
    # NNConv: message = x_j @ nn(edge_attr).reshape(in,out); aggr='mean'; plus root transform + bias
    Wm = ew.reshape(E, in_ch, out_ch)
    x_j = x[src]
    msg = jnp.einsum('ei,eio->eo', x_j, Wm)
    agg = jax.ops.segment_sum(msg, dst, num_segments=N)
    cnt = jax.ops.segment_sum(jnp.ones((E,), jnp.float32), dst, num_segments=N)
    agg = agg / jnp.maximum(cnt, 1.0)[:, None]
    return agg + x @ root + bias

def reference(x, edge_index, edge_attr, batch, W1, b1, W2, b2, R1, bc1, R2, bc2, L1, bl1, L2, bl2):
    src = edge_index[0]
    dst = edge_index[1]
    # the module shares one edge_mlp between both convs; same edge_attr -> same per-edge weights
    ew = _edge_mlp(edge_attr, W1, b1, W2, b2)
    h = jax.nn.relu(_nnconv(x, src, dst, ew, R1, bc1, F_IN, H))
    h = jax.nn.relu(_nnconv(h, src, dst, ew, R2, bc2, H, H))
    # global_mean_pool over batch
    psum = jax.ops.segment_sum(h, batch, num_segments=G)
    pcnt = jax.ops.segment_sum(jnp.ones((N,), jnp.float32), batch, num_segments=G)
    pooled = psum / jnp.maximum(pcnt, 1.0)[:, None]
    hid = jax.nn.relu(pooled @ L1 + bl1)
    return hid @ L2 + bl2

if __name__ == "__main__":
    import jax
    _d = setup_inputs()
    print(jax.jit(kernel)(*tuple(_d.values())))

</pallas_src>

<mosaic_0001>
#map = affine_map<(d0, d1) -> (0, 0)>
#map1 = affine_map<(d0, d1) -> (0, 0, 0, 0)>
module attributes {stable_mosaic.version = 14 : i64} {
  func.func @body(%arg0: i32, %arg1: i32, %arg2: memref<10240x128xf32, #tpu.memory_space<hbm>>, %arg3: memref<32x13x1x128xi32, #tpu.memory_space<hbm>>, %arg4: memref<53248x128xf32, #tpu.memory_space<hbm>>, %arg5: memref<13x1x128xi32, #tpu.memory_space<vmem>>, %arg6: memref<128x128xf32, #tpu.memory_space<vmem>>, %arg7: memref<!tpu.dma_semaphore, #tpu.memory_space<semaphore_mem>>) attributes {dimension_semantics = [#tpu.dimension_semantics<core_parallel>, #tpu.dimension_semantics<subcore_parallel>], iteration_bounds = array<i64: 2, 16>, scalar_prefetch = 0 : i64, scratch_operands = 3 : i64, tpu.core_type = #tpu.core_type<sc_vector_subcore>, window_params = [{transform_indices = #map}, {transform_indices = #map1}, {transform_indices = #map}]} {
    %mul3A = arith.constant 2 : i32
    %mul3A_0 = arith.muli %arg1, %mul3A : i32
    %add3A = arith.addi %mul3A_0, %arg0 : i32
    "tpu.region"() ({
      %run_scoped3A = tpu.sem_alloc : memref<!tpu.dma_semaphore, #tpu.memory_space<semaphore_mem>>
      %dma_start3A = arith.constant 0 : i32
      %dma_start3A_5 = arith.constant 0 : i32
      %dma_start3A_6 = arith.constant 0 : i32
      %dma_start3A_7 = tpu.memref_slice %arg3[%add3A, %dma_start3A, %dma_start3A_5, %dma_start3A_6] : memref<32x13x1x128xi32, #tpu.memory_space<hbm>> -> memref<1x13x1x128xi32, #tpu.memory_space<hbm>>
      %dma_start3A_8 = tpu.memref_squeeze %dma_start3A_7 : memref<1x13x1x128xi32, #tpu.memory_space<hbm>> -> memref<13x1x128xi32, #tpu.memory_space<hbm>>
      %dma_start3A_9 = arith.constant 0 : i32
      %dma_start3A_10 = arith.constant 0 : i32
      %dma_start3A_11 = arith.constant 0 : i32
      %dma_start3A_12 = tpu.memref_slice %arg3[%add3A, %dma_start3A_9, %dma_start3A_10, %dma_start3A_11] : memref<32x13x1x128xi32, #tpu.memory_space<hbm>> -> memref<1x13x1x128xi32, #tpu.memory_space<hbm>>
      %dma_start3A_13 = tpu.memref_squeeze %dma_start3A_12 : memref<1x13x1x128xi32, #tpu.memory_space<hbm>> -> memref<13x1x128xi32, #tpu.memory_space<hbm>>
      tpu.enqueue_dma source(%dma_start3A_13 : memref<13x1x128xi32, #tpu.memory_space<hbm>>) target(%arg5 : memref<13x1x128xi32, #tpu.memory_space<vmem>>) target_semaphore(%run_scoped3A : memref<!tpu.dma_semaphore, #tpu.memory_space<semaphore_mem>>)
      %dma_wait3A = arith.constant 0 : i32
      %dma_wait3A_14 = arith.constant 0 : i32
      %dma_wait3A_15 = arith.constant 0 : i32
      %dma_wait3A_16 = tpu.memref_slice %arg3[%add3A, %dma_wait3A, %dma_wait3A_14, %dma_wait3A_15] : memref<32x13x1x128xi32, #tpu.memory_space<hbm>> -> memref<1x13x1x128xi32, #tpu.memory_space<hbm>>
      %dma_wait3A_17 = tpu.memref_squeeze %dma_wait3A_16 : memref<1x13x1x128xi32, #tpu.memory_space<hbm>> -> memref<13x1x128xi32, #tpu.memory_space<hbm>>
      %dma_wait3A_18 = arith.constant 0 : i32
      %dma_wait3A_19 = arith.constant 0 : i32
      %dma_wait3A_20 = arith.constant 0 : i32
      %dma_wait3A_21 = tpu.memref_slice %arg3[%add3A, %dma_wait3A_18, %dma_wait3A_19, %dma_wait3A_20] : memref<32x13x1x128xi32, #tpu.memory_space<hbm>> -> memref<1x13x1x128xi32, #tpu.memory_space<hbm>>
      %dma_wait3A_22 = tpu.memref_squeeze %dma_wait3A_21 : memref<1x13x1x128xi32, #tpu.memory_space<hbm>> -> memref<13x1x128xi32, #tpu.memory_space<hbm>>
      tpu.wait_dma2 semaphore(%run_scoped3A : memref<!tpu.dma_semaphore, #tpu.memory_space<semaphore_mem>>) src(%dma_wait3A_22 : memref<13x1x128xi32, #tpu.memory_space<hbm>>) dst(%arg5 : memref<13x1x128xi32, #tpu.memory_space<vmem>>)
      tpu.yield
    }) : () -> ()
    %scan3A = arith.constant 0 : i32
    %scan3A_1 = arith.constant 13 : i32
    %scan3A_2 = arith.addi %scan3A, %scan3A_1 : i32
    %scan3A_3 = arith.constant 1 : i32
    scf.for %scan3A_5 = %scan3A to %scan3A_2 step %scan3A_3  : i32 {
      %mul3A_6 = arith.constant 1 : i32
      %mul3A_7 = arith.muli %scan3A_5, %mul3A_6 : i32
      %add3A_8 = arith.constant 0 : i32
      %add3A_9 = arith.addi %add3A_8, %mul3A_7 : i32
      %dma_start3A = arith.constant 0 : i32
      %dma_start3A_10 = arith.constant 0 : i32
      %dma_start3A_11 = tpu.memref_slice %arg5[%add3A_9, %dma_start3A, %dma_start3A_10] : memref<13x1x128xi32, #tpu.memory_space<vmem>> -> memref<1x1x128xi32, #tpu.memory_space<vmem>>
      %dma_start3A_12 = tpu.memref_squeeze %dma_start3A_11 : memref<1x1x128xi32, #tpu.memory_space<vmem>> -> memref<128xi32, #tpu.memory_space<vmem>>
      %dma_start3A_13 = arith.constant 0 : i32
      %dma_start3A_14 = arith.constant 0 : i32
      %dma_start3A_15 = tpu.memref_slice %arg2[%dma_start3A_13, %dma_start3A_14] : memref<10240x128xf32, #tpu.memory_space<hbm>> -> memref<10240x128xf32, #tpu.memory_space<hbm>>
      tpu.enqueue_indirect_dma source(%dma_start3A_15 : memref<10240x128xf32, #tpu.memory_space<hbm>>) target(%arg6 : memref<128x128xf32, #tpu.memory_space<vmem>>) offsets(%dma_start3A_12 : memref<128xi32, #tpu.memory_space<vmem>>) semaphore(%arg7 : memref<!tpu.dma_semaphore, #tpu.memory_space<semaphore_mem>>)
      %dma_wait3A = arith.constant 0 : i32
      %dma_wait3A_16 = arith.constant 0 : i32
      %dma_wait3A_17 = tpu.memref_slice %arg5[%add3A_9, %dma_wait3A, %dma_wait3A_16] : memref<13x1x128xi32, #tpu.memory_space<vmem>> -> memref<1x1x128xi32, #tpu.memory_space<vmem>>
      %dma_wait3A_18 = tpu.memref_squeeze %dma_wait3A_17 : memref<1x1x128xi32, #tpu.memory_space<vmem>> -> memref<128xi32, #tpu.memory_space<vmem>>
      %dma_wait3A_19 = arith.constant 0 : i32
      %dma_wait3A_20 = arith.constant 0 : i32
      %dma_wait3A_21 = tpu.memref_slice %arg2[%dma_wait3A_19, %dma_wait3A_20] : memref<10240x128xf32, #tpu.memory_space<hbm>> -> memref<10240x128xf32, #tpu.memory_space<hbm>>
      tpu.wait_indirect_dma semaphore(%arg7 : memref<!tpu.dma_semaphore, #tpu.memory_space<semaphore_mem>>) src(%dma_wait3A_21 : memref<10240x128xf32, #tpu.memory_space<hbm>>) dst(%arg6 : memref<128x128xf32, #tpu.memory_space<vmem>>)
      %mul3A_22 = arith.constant 13 : i32
      %mul3A_23 = arith.muli %add3A, %mul3A_22 : i32
      %add3A_24 = arith.addi %mul3A_23, %add3A_9 : i32
      %mul3A_25 = arith.constant 128 : i32
      %mul3A_26 = arith.muli %add3A_24, %mul3A_25 : i32
      "tpu.region"() ({
        %run_scoped3A = tpu.sem_alloc : memref<!tpu.dma_semaphore, #tpu.memory_space<semaphore_mem>>
        %dma_start3A_27 = arith.constant 0 : i32
        %dma_start3A_28 = tpu.memref_slice %arg4[%mul3A_26, %dma_start3A_27] : memref<53248x128xf32, #tpu.memory_space<hbm>> -> memref<128x128xf32, #tpu.memory_space<hbm>>
        %dma_start3A_29 = arith.constant 0 : i32
        %dma_start3A_30 = tpu.memref_slice %arg4[%mul3A_26, %dma_start3A_29] : memref<53248x128xf32, #tpu.memory_space<hbm>> -> memref<128x128xf32, #tpu.memory_space<hbm>>
        tpu.enqueue_dma source(%arg6 : memref<128x128xf32, #tpu.memory_space<vmem>>) target(%dma_start3A_30 : memref<128x128xf32, #tpu.memory_space<hbm>>) target_semaphore(%run_scoped3A : memref<!tpu.dma_semaphore, #tpu.memory_space<semaphore_mem>>)
        %dma_wait3A_31 = arith.constant 0 : i32
        %dma_wait3A_32 = tpu.memref_slice %arg4[%mul3A_26, %dma_wait3A_31] : memref<53248x128xf32, #tpu.memory_space<hbm>> -> memref<128x128xf32, #tpu.memory_space<hbm>>
        %dma_wait3A_33 = arith.constant 0 : i32
        %dma_wait3A_34 = tpu.memref_slice %arg4[%mul3A_26, %dma_wait3A_33] : memref<53248x128xf32, #tpu.memory_space<hbm>> -> memref<128x128xf32, #tpu.memory_space<hbm>>
        tpu.wait_dma2 semaphore(%run_scoped3A : memref<!tpu.dma_semaphore, #tpu.memory_space<semaphore_mem>>) src(%arg6 : memref<128x128xf32, #tpu.memory_space<vmem>>) dst(%dma_wait3A_34 : memref<128x128xf32, #tpu.memory_space<hbm>>)
        tpu.yield
      }) : () -> ()
    }
    %scan3A_4 = arith.constant 13 : i32
    return
  }
}

#map = affine_map<(d0, d1) -> (0, 0)>
#map1 = affine_map<(d0, d1) -> (0, 0, 0, 0)>
#map2 = affine_map<(d0, d1) -> (0, 0, 0)>
module attributes {stable_mosaic.version = 14 : i64} {
  func.func @body(%arg0: i32, %arg1: i32, %arg2: memref<53248x128xf32, #tpu.memory_space<hbm>>, %arg3: memref<32x13x1x128xi32, #tpu.memory_space<hbm>>, %arg4: memref<10240x128xf32, #tpu.memory_space<hbm>>, %arg5: memref<2x10240x128xf32, #tpu.memory_space<hbm>>, %arg6: memref<13x1x128xi32, #tpu.memory_space<vmem>>, %arg7: memref<128x128xf32, #tpu.memory_space<vmem>>, %arg8: memref<10240x128xf32, #tpu.memory_space<vmem_shared>>, %arg9: memref<!tpu.dma_semaphore, #tpu.memory_space<semaphore_mem>>) attributes {dimension_semantics = [#tpu.dimension_semantics<core_parallel>, #tpu.dimension_semantics<subcore_parallel>], iteration_bounds = array<i64: 2, 16>, scalar_prefetch = 0 : i64, scratch_operands = 4 : i64, tpu.core_type = #tpu.core_type<sc_vector_subcore>, window_params = [{transform_indices = #map}, {transform_indices = #map1}, {transform_indices = #map}, {transform_indices = #map2}]} {
    %mul3A = arith.constant 2 : i32
    %mul3A_0 = arith.muli %arg1, %mul3A : i32
    %add3A = arith.addi %mul3A_0, %arg0 : i32
    %mul3A_1 = arith.constant 640 : i32
    %mul3A_2 = arith.muli %arg1, %mul3A_1 : i32
    %mul3A_3 = arith.constant 640 : i32
    %mul3A_4 = arith.muli %arg1, %mul3A_3 : i32
    "tpu.region"() ({
      %run_scoped3A = tpu.sem_alloc : memref<!tpu.dma_semaphore, #tpu.memory_space<semaphore_mem>>
      %dma_start3A = arith.constant 0 : i32
      %dma_start3A_14 = tpu.memref_slice %arg8[%mul3A_4, %dma_start3A] : memref<10240x128xf32, #tpu.memory_space<vmem_shared>> -> memref<640x128xf32, #tpu.memory_space<vmem_shared>>
      %dma_start3A_15 = arith.constant 0 : i32
      %dma_start3A_16 = tpu.memref_slice %arg4[%mul3A_2, %dma_start3A_15] : memref<10240x128xf32, #tpu.memory_space<hbm>> -> memref<640x128xf32, #tpu.memory_space<hbm>>
      tpu.enqueue_dma source(%dma_start3A_16 : memref<640x128xf32, #tpu.memory_space<hbm>>) target(%dma_start3A_14 : memref<640x128xf32, #tpu.memory_space<vmem_shared>>) target_semaphore(%run_scoped3A : memref<!tpu.dma_semaphore, #tpu.memory_space<semaphore_mem>>)
      %dma_wait3A = arith.constant 0 : i32
      %dma_wait3A_17 = tpu.memref_slice %arg8[%mul3A_4, %dma_wait3A] : memref<10240x128xf32, #tpu.memory_space<vmem_shared>> -> memref<640x128xf32, #tpu.memory_space<vmem_shared>>
      %dma_wait3A_18 = arith.constant 0 : i32
      %dma_wait3A_19 = tpu.memref_slice %arg4[%mul3A_2, %dma_wait3A_18] : memref<10240x128xf32, #tpu.memory_space<hbm>> -> memref<640x128xf32, #tpu.memory_space<hbm>>
      tpu.wait_dma2 semaphore(%run_scoped3A : memref<!tpu.dma_semaphore, #tpu.memory_space<semaphore_mem>>) src(%dma_wait3A_19 : memref<640x128xf32, #tpu.memory_space<hbm>>) dst(%dma_wait3A_17 : memref<640x128xf32, #tpu.memory_space<vmem_shared>>)
      tpu.yield
    }) : () -> ()
    "tpu.region"() ({
      %run_scoped3A = tpu.sem_alloc : memref<!tpu.dma_semaphore, #tpu.memory_space<semaphore_mem>>
      %dma_start3A = arith.constant 0 : i32
      %dma_start3A_14 = arith.constant 0 : i32
      %dma_start3A_15 = arith.constant 0 : i32
      %dma_start3A_16 = tpu.memref_slice %arg3[%add3A, %dma_start3A, %dma_start3A_14, %dma_start3A_15] : memref<32x13x1x128xi32, #tpu.memory_space<hbm>> -> memref<1x13x1x128xi32, #tpu.memory_space<hbm>>
      %dma_start3A_17 = tpu.memref_squeeze %dma_start3A_16 : memref<1x13x1x128xi32, #tpu.memory_space<hbm>> -> memref<13x1x128xi32, #tpu.memory_space<hbm>>
      %dma_start3A_18 = arith.constant 0 : i32
      %dma_start3A_19 = arith.constant 0 : i32
      %dma_start3A_20 = arith.constant 0 : i32
      %dma_start3A_21 = tpu.memref_slice %arg3[%add3A, %dma_start3A_18, %dma_start3A_19, %dma_start3A_20] : memref<32x13x1x128xi32, #tpu.memory_space<hbm>> -> memref<1x13x1x128xi32, #tpu.memory_space<hbm>>
      %dma_start3A_22 = tpu.memref_squeeze %dma_start3A_21 : memref<1x13x1x128xi32, #tpu.memory_space<hbm>> -> memref<13x1x128xi32, #tpu.memory_space<hbm>>
      tpu.enqueue_dma source(%dma_start3A_22 : memref<13x1x128xi32, #tpu.memory_space<hbm>>) target(%arg6 : memref<13x1x128xi32, #tpu.memory_space<vmem>>) target_semaphore(%run_scoped3A : memref<!tpu.dma_semaphore, #tpu.memory_space<semaphore_mem>>)
      %dma_wait3A = arith.constant 0 : i32
      %dma_wait3A_23 = arith.constant 0 : i32
      %dma_wait3A_24 = arith.constant 0 : i32
      %dma_wait3A_25 = tpu.memref_slice %arg3[%add3A, %dma_wait3A, %dma_wait3A_23, %dma_wait3A_24] : memref<32x13x1x128xi32, #tpu.memory_space<hbm>> -> memref<1x13x1x128xi32, #tpu.memory_space<hbm>>
      %dma_wait3A_26 = tpu.memref_squeeze %dma_wait3A_25 : memref<1x13x1x128xi32, #tpu.memory_space<hbm>> -> memref<13x1x128xi32, #tpu.memory_space<hbm>>
      %dma_wait3A_27 = arith.constant 0 : i32
      %dma_wait3A_28 = arith.constant 0 : i32
      %dma_wait3A_29 = arith.constant 0 : i32
      %dma_wait3A_30 = tpu.memref_slice %arg3[%add3A, %dma_wait3A_27, %dma_wait3A_28, %dma_wait3A_29] : memref<32x13x1x128xi32, #tpu.memory_space<hbm>> -> memref<1x13x1x128xi32, #tpu.memory_space<hbm>>
      %dma_wait3A_31 = tpu.memref_squeeze %dma_wait3A_30 : memref<1x13x1x128xi32, #tpu.memory_space<hbm>> -> memref<13x1x128xi32, #tpu.memory_space<hbm>>
      tpu.wait_dma2 semaphore(%run_scoped3A : memref<!tpu.dma_semaphore, #tpu.memory_space<semaphore_mem>>) src(%dma_wait3A_31 : memref<13x1x128xi32, #tpu.memory_space<hbm>>) dst(%arg6 : memref<13x1x128xi32, #tpu.memory_space<vmem>>)
      tpu.yield
    }) : () -> ()
    %barrier3A = arith.constant 0 : index
    tpu.barrier barrier_id(%barrier3A)
    %scan3A = arith.constant 0 : i32
    %scan3A_5 = arith.constant 13 : i32
    %scan3A_6 = arith.addi %scan3A, %scan3A_5 : i32
    %scan3A_7 = arith.constant 1 : i32
    scf.for %scan3A_14 = %scan3A to %scan3A_6 step %scan3A_7  : i32 {
      %mul3A_15 = arith.constant 1 : i32
      %mul3A_16 = arith.muli %scan3A_14, %mul3A_15 : i32
      %add3A_17 = arith.constant 0 : i32
      %add3A_18 = arith.addi %add3A_17, %mul3A_16 : i32
      %mul3A_19 = arith.constant 13 : i32
      %mul3A_20 = arith.muli %add3A, %mul3A_19 : i32
      %add3A_21 = arith.addi %mul3A_20, %add3A_18 : i32
      %mul3A_22 = arith.constant 128 : i32
      %mul3A_23 = arith.muli %add3A_21, %mul3A_22 : i32
      %dma_start3A = arith.constant 0 : i32
      %dma_start3A_24 = tpu.memref_slice %arg2[%mul3A_23, %dma_start3A] : memref<53248x128xf32, #tpu.memory_space<hbm>> -> memref<128x128xf32, #tpu.memory_space<hbm>>
      %dma_start3A_25 = arith.constant 0 : i32
      %dma_start3A_26 = tpu.memref_slice %arg2[%mul3A_23, %dma_start3A_25] : memref<53248x128xf32, #tpu.memory_space<hbm>> -> memref<128x128xf32, #tpu.memory_space<hbm>>
      tpu.enqueue_dma source(%dma_start3A_26 : memref<128x128xf32, #tpu.memory_space<hbm>>) target(%arg7 : memref<128x128xf32, #tpu.memory_space<vmem>>) target_semaphore(%arg9 : memref<!tpu.dma_semaphore, #tpu.memory_space<semaphore_mem>>)
      %dma_wait3A = arith.constant 0 : i32
      %dma_wait3A_27 = tpu.memref_slice %arg2[%mul3A_23, %dma_wait3A] : memref<53248x128xf32, #tpu.memory_space<hbm>> -> memref<128x128xf32, #tpu.memory_space<hbm>>
      %dma_wait3A_28 = arith.constant 0 : i32
      %dma_wait3A_29 = tpu.memref_slice %arg2[%mul3A_23, %dma_wait3A_28] : memref<53248x128xf32, #tpu.memory_space<hbm>> -> memref<128x128xf32, #tpu.memory_space<hbm>>
      tpu.wait_dma2 semaphore(%arg9 : memref<!tpu.dma_semaphore, #tpu.memory_space<semaphore_mem>>) src(%dma_wait3A_29 : memref<128x128xf32, #tpu.memory_space<hbm>>) dst(%arg7 : memref<128x128xf32, #tpu.memory_space<vmem>>)
      %run_scoped3A = arith.constant 0 : i32
      "tpu.region"() ({
        %run_scoped3A_30 = tpu.sem_alloc : memref<!tpu.dma_semaphore, #tpu.memory_space<semaphore_mem>>
        %dma_start3A_31 = arith.constant 0 : i32
        %dma_start3A_32 = tpu.memref_slice %arg6[%add3A_18, %run_scoped3A, %dma_start3A_31] : memref<13x1x128xi32, #tpu.memory_space<vmem>> -> memref<1x1x128xi32, #tpu.memory_space<vmem>>
        %dma_start3A_33 = tpu.memref_squeeze %dma_start3A_32 : memref<1x1x128xi32, #tpu.memory_space<vmem>> -> memref<128xi32, #tpu.memory_space<vmem>>
        %dma_start3A_34 = arith.constant 0 : i32
        %dma_start3A_35 = arith.constant 0 : i32
        %dma_start3A_36 = tpu.memref_slice %arg8[%dma_start3A_34, %dma_start3A_35] : memref<10240x128xf32, #tpu.memory_space<vmem_shared>> -> memref<10240x128xf32, #tpu.memory_space<vmem_shared>>
        tpu.enqueue_indirect_dma source(%arg7 : memref<128x128xf32, #tpu.memory_space<vmem>>) target(%dma_start3A_36 : memref<10240x128xf32, #tpu.memory_space<vmem_shared>>) offsets(%dma_start3A_33 : memref<128xi32, #tpu.memory_space<vmem>>) semaphore(%run_scoped3A_30 : memref<!tpu.dma_semaphore, #tpu.memory_space<semaphore_mem>>) {add = true}
        %dma_wait3A_37 = arith.constant 0 : i32
        %dma_wait3A_38 = tpu.memref_slice %arg6[%add3A_18, %run_scoped3A, %dma_wait3A_37] : memref<13x1x128xi32, #tpu.memory_space<vmem>> -> memref<1x1x128xi32, #tpu.memory_space<vmem>>
        %dma_wait3A_39 = tpu.memref_squeeze %dma_wait3A_38 : memref<1x1x128xi32, #tpu.memory_space<vmem>> -> memref<128xi32, #tpu.memory_space<vmem>>
        %dma_wait3A_40 = arith.constant 0 : i32
        %dma_wait3A_41 = arith.constant 0 : i32
        %dma_wait3A_42 = tpu.memref_slice %arg8[%dma_wait3A_40, %dma_wait3A_41] : memref<10240x128xf32, #tpu.memory_space<vmem_shared>> -> memref<10240x128xf32, #tpu.memory_space<vmem_shared>>
        tpu.wait_indirect_dma semaphore(%run_scoped3A_30 : memref<!tpu.dma_semaphore, #tpu.memory_space<semaphore_mem>>) src(%arg7 : memref<128x128xf32, #tpu.memory_space<vmem>>) dst(%dma_wait3A_42 : memref<10240x128xf32, #tpu.memory_space<vmem_shared>>)
        tpu.yield
      }) : () -> ()
    }
    %scan3A_8 = arith.constant 13 : i32
    %barrier3A_9 = arith.constant 0 : index
    tpu.barrier barrier_id(%barrier3A_9)
    %mul3A_10 = arith.constant 640 : i32
    %mul3A_11 = arith.muli %arg1, %mul3A_10 : i32
    %mul3A_12 = arith.constant 640 : i32
    %mul3A_13 = arith.muli %arg1, %mul3A_12 : i32
    "tpu.region"() ({
      %run_scoped3A = tpu.sem_alloc : memref<!tpu.dma_semaphore, #tpu.memory_space<semaphore_mem>>
      %dma_start3A = arith.constant 0 : i32
      %dma_start3A_14 = tpu.memref_slice %arg5[%arg0, %mul3A_13, %dma_start3A] : memref<2x10240x128xf32, #tpu.memory_space<hbm>> -> memref<1x640x128xf32, #tpu.memory_space<hbm>>
      %dma_start3A_15 = tpu.memref_squeeze %dma_start3A_14 : memref<1x640x128xf32, #tpu.memory_space<hbm>> -> memref<640x128xf32, #tpu.memory_space<hbm>>
      %dma_start3A_16 = arith.constant 0 : i32
      %dma_start3A_17 = tpu.memref_slice %arg8[%mul3A_11, %dma_start3A_16] : memref<10240x128xf32, #tpu.memory_space<vmem_shared>> -> memref<640x128xf32, #tpu.memory_space<vmem_shared>>
      tpu.enqueue_dma source(%dma_start3A_17 : memref<640x128xf32, #tpu.memory_space<vmem_shared>>) target(%dma_start3A_15 : memref<640x128xf32, #tpu.memory_space<hbm>>) target_semaphore(%run_scoped3A : memref<!tpu.dma_semaphore, #tpu.memory_space<semaphore_mem>>)
      %dma_wait3A = arith.constant 0 : i32
      %dma_wait3A_18 = tpu.memref_slice %arg5[%arg0, %mul3A_13, %dma_wait3A] : memref<2x10240x128xf32, #tpu.memory_space<hbm>> -> memref<1x640x128xf32, #tpu.memory_space<hbm>>
      %dma_wait3A_19 = tpu.memref_squeeze %dma_wait3A_18 : memref<1x640x128xf32, #tpu.memory_space<hbm>> -> memref<640x128xf32, #tpu.memory_space<hbm>>
      %dma_wait3A_20 = arith.constant 0 : i32
      %dma_wait3A_21 = tpu.memref_slice %arg8[%mul3A_11, %dma_wait3A_20] : memref<10240x128xf32, #tpu.memory_space<vmem_shared>> -> memref<640x128xf32, #tpu.memory_space<vmem_shared>>
      tpu.wait_dma2 semaphore(%run_scoped3A : memref<!tpu.dma_semaphore, #tpu.memory_space<semaphore_mem>>) src(%dma_wait3A_21 : memref<640x128xf32, #tpu.memory_space<vmem_shared>>) dst(%dma_wait3A_19 : memref<640x128xf32, #tpu.memory_space<hbm>>)
      tpu.yield
    }) : () -> ()
    return
  }
}

#map = affine_map<(d0, d1) -> (0, 0)>
#map1 = affine_map<(d0, d1) -> (0, 0, 0, 0)>
module attributes {stable_mosaic.version = 14 : i64} {
  func.func @body(%arg0: i32, %arg1: i32, %arg2: memref<10240x128xf32, #tpu.memory_space<hbm>>, %arg3: memref<32x13x1x128xi32, #tpu.memory_space<hbm>>, %arg4: memref<53248x128xf32, #tpu.memory_space<hbm>>, %arg5: memref<13x1x128xi32, #tpu.memory_space<vmem>>, %arg6: memref<128x128xf32, #tpu.memory_space<vmem>>, %arg7: memref<!tpu.dma_semaphore, #tpu.memory_space<semaphore_mem>>) attributes {dimension_semantics = [#tpu.dimension_semantics<core_parallel>, #tpu.dimension_semantics<subcore_parallel>], iteration_bounds = array<i64: 2, 16>, scalar_prefetch = 0 : i64, scratch_operands = 3 : i64, tpu.core_type = #tpu.core_type<sc_vector_subcore>, window_params = [{transform_indices = #map}, {transform_indices = #map1}, {transform_indices = #map}]} {
    %mul3A = arith.constant 2 : i32
    %mul3A_0 = arith.muli %arg1, %mul3A : i32
    %add3A = arith.addi %mul3A_0, %arg0 : i32
    "tpu.region"() ({
      %run_scoped3A = tpu.sem_alloc : memref<!tpu.dma_semaphore, #tpu.memory_space<semaphore_mem>>
      %dma_start3A = arith.constant 0 : i32
      %dma_start3A_5 = arith.constant 0 : i32
      %dma_start3A_6 = arith.constant 0 : i32
      %dma_start3A_7 = tpu.memref_slice %arg3[%add3A, %dma_start3A, %dma_start3A_5, %dma_start3A_6] : memref<32x13x1x128xi32, #tpu.memory_space<hbm>> -> memref<1x13x1x128xi32, #tpu.memory_space<hbm>>
      %dma_start3A_8 = tpu.memref_squeeze %dma_start3A_7 : memref<1x13x1x128xi32, #tpu.memory_space<hbm>> -> memref<13x1x128xi32, #tpu.memory_space<hbm>>
      %dma_start3A_9 = arith.constant 0 : i32
      %dma_start3A_10 = arith.constant 0 : i32
      %dma_start3A_11 = arith.constant 0 : i32
      %dma_start3A_12 = tpu.memref_slice %arg3[%add3A, %dma_start3A_9, %dma_start3A_10, %dma_start3A_11] : memref<32x13x1x128xi32, #tpu.memory_space<hbm>> -> memref<1x13x1x128xi32, #tpu.memory_space<hbm>>
      %dma_start3A_13 = tpu.memref_squeeze %dma_start3A_12 : memref<1x13x1x128xi32, #tpu.memory_space<hbm>> -> memref<13x1x128xi32, #tpu.memory_space<hbm>>
      tpu.enqueue_dma source(%dma_start3A_13 : memref<13x1x128xi32, #tpu.memory_space<hbm>>) target(%arg5 : memref<13x1x128xi32, #tpu.memory_space<vmem>>) target_semaphore(%run_scoped3A : memref<!tpu.dma_semaphore, #tpu.memory_space<semaphore_mem>>)
      %dma_wait3A = arith.constant 0 : i32
      %dma_wait3A_14 = arith.constant 0 : i32
      %dma_wait3A_15 = arith.constant 0 : i32
      %dma_wait3A_16 = tpu.memref_slice %arg3[%add3A, %dma_wait3A, %dma_wait3A_14, %dma_wait3A_15] : memref<32x13x1x128xi32, #tpu.memory_space<hbm>> -> memref<1x13x1x128xi32, #tpu.memory_space<hbm>>
      %dma_wait3A_17 = tpu.memref_squeeze %dma_wait3A_16 : memref<1x13x1x128xi32, #tpu.memory_space<hbm>> -> memref<13x1x128xi32, #tpu.memory_space<hbm>>
      %dma_wait3A_18 = arith.constant 0 : i32
      %dma_wait3A_19 = arith.constant 0 : i32
      %dma_wait3A_20 = arith.constant 0 : i32
      %dma_wait3A_21 = tpu.memref_slice %arg3[%add3A, %dma_wait3A_18, %dma_wait3A_19, %dma_wait3A_20] : memref<32x13x1x128xi32, #tpu.memory_space<hbm>> -> memref<1x13x1x128xi32, #tpu.memory_space<hbm>>
      %dma_wait3A_22 = tpu.memref_squeeze %dma_wait3A_21 : memref<1x13x1x128xi32, #tpu.memory_space<hbm>> -> memref<13x1x128xi32, #tpu.memory_space<hbm>>
      tpu.wait_dma2 semaphore(%run_scoped3A : memref<!tpu.dma_semaphore, #tpu.memory_space<semaphore_mem>>) src(%dma_wait3A_22 : memref<13x1x128xi32, #tpu.memory_space<hbm>>) dst(%arg5 : memref<13x1x128xi32, #tpu.memory_space<vmem>>)
      tpu.yield
    }) : () -> ()
    %scan3A = arith.constant 0 : i32
    %scan3A_1 = arith.constant 13 : i32
    %scan3A_2 = arith.addi %scan3A, %scan3A_1 : i32
    %scan3A_3 = arith.constant 1 : i32
    scf.for %scan3A_5 = %scan3A to %scan3A_2 step %scan3A_3  : i32 {
      %mul3A_6 = arith.constant 1 : i32
      %mul3A_7 = arith.muli %scan3A_5, %mul3A_6 : i32
      %add3A_8 = arith.constant 0 : i32
      %add3A_9 = arith.addi %add3A_8, %mul3A_7 : i32
      %dma_start3A = arith.constant 0 : i32
      %dma_start3A_10 = arith.constant 0 : i32
      %dma_start3A_11 = tpu.memref_slice %arg5[%add3A_9, %dma_start3A, %dma_start3A_10] : memref<13x1x128xi32, #tpu.memory_space<vmem>> -> memref<1x1x128xi32, #tpu.memory_space<vmem>>
      %dma_start3A_12 = tpu.memref_squeeze %dma_start3A_11 : memref<1x1x128xi32, #tpu.memory_space<vmem>> -> memref<128xi32, #tpu.memory_space<vmem>>
      %dma_start3A_13 = arith.constant 0 : i32
      %dma_start3A_14 = arith.constant 0 : i32
      %dma_start3A_15 = tpu.memref_slice %arg2[%dma_start3A_13, %dma_start3A_14] : memref<10240x128xf32, #tpu.memory_space<hbm>> -> memref<10240x128xf32, #tpu.memory_space<hbm>>
      tpu.enqueue_indirect_dma source(%dma_start3A_15 : memref<10240x128xf32, #tpu.memory_space<hbm>>) target(%arg6 : memref<128x128xf32, #tpu.memory_space<vmem>>) offsets(%dma_start3A_12 : memref<128xi32, #tpu.memory_space<vmem>>) semaphore(%arg7 : memref<!tpu.dma_semaphore, #tpu.memory_space<semaphore_mem>>)
      %dma_wait3A = arith.constant 0 : i32
      %dma_wait3A_16 = arith.constant 0 : i32
      %dma_wait3A_17 = tpu.memref_slice %arg5[%add3A_9, %dma_wait3A, %dma_wait3A_16] : memref<13x1x128xi32, #tpu.memory_space<vmem>> -> memref<1x1x128xi32, #tpu.memory_space<vmem>>
      %dma_wait3A_18 = tpu.memref_squeeze %dma_wait3A_17 : memref<1x1x128xi32, #tpu.memory_space<vmem>> -> memref<128xi32, #tpu.memory_space<vmem>>
      %dma_wait3A_19 = arith.constant 0 : i32
      %dma_wait3A_20 = arith.constant 0 : i32
      %dma_wait3A_21 = tpu.memref_slice %arg2[%dma_wait3A_19, %dma_wait3A_20] : memref<10240x128xf32, #tpu.memory_space<hbm>> -> memref<10240x128xf32, #tpu.memory_space<hbm>>
      tpu.wait_indirect_dma semaphore(%arg7 : memref<!tpu.dma_semaphore, #tpu.memory_space<semaphore_mem>>) src(%dma_wait3A_21 : memref<10240x128xf32, #tpu.memory_space<hbm>>) dst(%arg6 : memref<128x128xf32, #tpu.memory_space<vmem>>)
      %mul3A_22 = arith.constant 13 : i32
      %mul3A_23 = arith.muli %add3A, %mul3A_22 : i32
      %add3A_24 = arith.addi %mul3A_23, %add3A_9 : i32
      %mul3A_25 = arith.constant 128 : i32
      %mul3A_26 = arith.muli %add3A_24, %mul3A_25 : i32
      "tpu.region"() ({
        %run_scoped3A = tpu.sem_alloc : memref<!tpu.dma_semaphore, #tpu.memory_space<semaphore_mem>>
        %dma_start3A_27 = arith.constant 0 : i32
        %dma_start3A_28 = tpu.memref_slice %arg4[%mul3A_26, %dma_start3A_27] : memref<53248x128xf32, #tpu.memory_space<hbm>> -> memref<128x128xf32, #tpu.memory_space<hbm>>
        %dma_start3A_29 = arith.constant 0 : i32
        %dma_start3A_30 = tpu.memref_slice %arg4[%mul3A_26, %dma_start3A_29] : memref<53248x128xf32, #tpu.memory_space<hbm>> -> memref<128x128xf32, #tpu.memory_space<hbm>>
        tpu.enqueue_dma source(%arg6 : memref<128x128xf32, #tpu.memory_space<vmem>>) target(%dma_start3A_30 : memref<128x128xf32, #tpu.memory_space<hbm>>) target_semaphore(%run_scoped3A : memref<!tpu.dma_semaphore, #tpu.memory_space<semaphore_mem>>)
        %dma_wait3A_31 = arith.constant 0 : i32
        %dma_wait3A_32 = tpu.memref_slice %arg4[%mul3A_26, %dma_wait3A_31] : memref<53248x128xf32, #tpu.memory_space<hbm>> -> memref<128x128xf32, #tpu.memory_space<hbm>>
        %dma_wait3A_33 = arith.constant 0 : i32
        %dma_wait3A_34 = tpu.memref_slice %arg4[%mul3A_26, %dma_wait3A_33] : memref<53248x128xf32, #tpu.memory_space<hbm>> -> memref<128x128xf32, #tpu.memory_space<hbm>>
        tpu.wait_dma2 semaphore(%run_scoped3A : memref<!tpu.dma_semaphore, #tpu.memory_space<semaphore_mem>>) src(%arg6 : memref<128x128xf32, #tpu.memory_space<vmem>>) dst(%dma_wait3A_34 : memref<128x128xf32, #tpu.memory_space<hbm>>)
        tpu.yield
      }) : () -> ()
    }
    %scan3A_4 = arith.constant 13 : i32
    return
  }
}

#map = affine_map<(d0, d1) -> (0, 0)>
#map1 = affine_map<(d0, d1) -> (0, 0, 0, 0)>
#map2 = affine_map<(d0, d1) -> (0, 0, 0)>
module attributes {stable_mosaic.version = 14 : i64} {
  func.func @body(%arg0: i32, %arg1: i32, %arg2: memref<53248x128xf32, #tpu.memory_space<hbm>>, %arg3: memref<32x13x1x128xi32, #tpu.memory_space<hbm>>, %arg4: memref<10240x128xf32, #tpu.memory_space<hbm>>, %arg5: memref<2x10240x128xf32, #tpu.memory_space<hbm>>, %arg6: memref<13x1x128xi32, #tpu.memory_space<vmem>>, %arg7: memref<128x128xf32, #tpu.memory_space<vmem>>, %arg8: memref<10240x128xf32, #tpu.memory_space<vmem_shared>>, %arg9: memref<!tpu.dma_semaphore, #tpu.memory_space<semaphore_mem>>) attributes {dimension_semantics = [#tpu.dimension_semantics<core_parallel>, #tpu.dimension_semantics<subcore_parallel>], iteration_bounds = array<i64: 2, 16>, scalar_prefetch = 0 : i64, scratch_operands = 4 : i64, tpu.core_type = #tpu.core_type<sc_vector_subcore>, window_params = [{transform_indices = #map}, {transform_indices = #map1}, {transform_indices = #map}, {transform_indices = #map2}]} {
    %mul3A = arith.constant 2 : i32
    %mul3A_0 = arith.muli %arg1, %mul3A : i32
    %add3A = arith.addi %mul3A_0, %arg0 : i32
    %mul3A_1 = arith.constant 640 : i32
    %mul3A_2 = arith.muli %arg1, %mul3A_1 : i32
    %mul3A_3 = arith.constant 640 : i32
    %mul3A_4 = arith.muli %arg1, %mul3A_3 : i32
    "tpu.region"() ({
      %run_scoped3A = tpu.sem_alloc : memref<!tpu.dma_semaphore, #tpu.memory_space<semaphore_mem>>
      %dma_start3A = arith.constant 0 : i32
      %dma_start3A_14 = tpu.memref_slice %arg8[%mul3A_4, %dma_start3A] : memref<10240x128xf32, #tpu.memory_space<vmem_shared>> -> memref<640x128xf32, #tpu.memory_space<vmem_shared>>
      %dma_start3A_15 = arith.constant 0 : i32
      %dma_start3A_16 = tpu.memref_slice %arg4[%mul3A_2, %dma_start3A_15] : memref<10240x128xf32, #tpu.memory_space<hbm>> -> memref<640x128xf32, #tpu.memory_space<hbm>>
      tpu.enqueue_dma source(%dma_start3A_16 : memref<640x128xf32, #tpu.memory_space<hbm>>) target(%dma_start3A_14 : memref<640x128xf32, #tpu.memory_space<vmem_shared>>) target_semaphore(%run_scoped3A : memref<!tpu.dma_semaphore, #tpu.memory_space<semaphore_mem>>)
      %dma_wait3A = arith.constant 0 : i32
      %dma_wait3A_17 = tpu.memref_slice %arg8[%mul3A_4, %dma_wait3A] : memref<10240x128xf32, #tpu.memory_space<vmem_shared>> -> memref<640x128xf32, #tpu.memory_space<vmem_shared>>
      %dma_wait3A_18 = arith.constant 0 : i32
      %dma_wait3A_19 = tpu.memref_slice %arg4[%mul3A_2, %dma_wait3A_18] : memref<10240x128xf32, #tpu.memory_space<hbm>> -> memref<640x128xf32, #tpu.memory_space<hbm>>
      tpu.wait_dma2 semaphore(%run_scoped3A : memref<!tpu.dma_semaphore, #tpu.memory_space<semaphore_mem>>) src(%dma_wait3A_19 : memref<640x128xf32, #tpu.memory_space<hbm>>) dst(%dma_wait3A_17 : memref<640x128xf32, #tpu.memory_space<vmem_shared>>)
      tpu.yield
    }) : () -> ()
    "tpu.region"() ({
      %run_scoped3A = tpu.sem_alloc : memref<!tpu.dma_semaphore, #tpu.memory_space<semaphore_mem>>
      %dma_start3A = arith.constant 0 : i32
      %dma_start3A_14 = arith.constant 0 : i32
      %dma_start3A_15 = arith.constant 0 : i32
      %dma_start3A_16 = tpu.memref_slice %arg3[%add3A, %dma_start3A, %dma_start3A_14, %dma_start3A_15] : memref<32x13x1x128xi32, #tpu.memory_space<hbm>> -> memref<1x13x1x128xi32, #tpu.memory_space<hbm>>
      %dma_start3A_17 = tpu.memref_squeeze %dma_start3A_16 : memref<1x13x1x128xi32, #tpu.memory_space<hbm>> -> memref<13x1x128xi32, #tpu.memory_space<hbm>>
      %dma_start3A_18 = arith.constant 0 : i32
      %dma_start3A_19 = arith.constant 0 : i32
      %dma_start3A_20 = arith.constant 0 : i32
      %dma_start3A_21 = tpu.memref_slice %arg3[%add3A, %dma_start3A_18, %dma_start3A_19, %dma_start3A_20] : memref<32x13x1x128xi32, #tpu.memory_space<hbm>> -> memref<1x13x1x128xi32, #tpu.memory_space<hbm>>
      %dma_start3A_22 = tpu.memref_squeeze %dma_start3A_21 : memref<1x13x1x128xi32, #tpu.memory_space<hbm>> -> memref<13x1x128xi32, #tpu.memory_space<hbm>>
      tpu.enqueue_dma source(%dma_start3A_22 : memref<13x1x128xi32, #tpu.memory_space<hbm>>) target(%arg6 : memref<13x1x128xi32, #tpu.memory_space<vmem>>) target_semaphore(%run_scoped3A : memref<!tpu.dma_semaphore, #tpu.memory_space<semaphore_mem>>)
      %dma_wait3A = arith.constant 0 : i32
      %dma_wait3A_23 = arith.constant 0 : i32
      %dma_wait3A_24 = arith.constant 0 : i32
      %dma_wait3A_25 = tpu.memref_slice %arg3[%add3A, %dma_wait3A, %dma_wait3A_23, %dma_wait3A_24] : memref<32x13x1x128xi32, #tpu.memory_space<hbm>> -> memref<1x13x1x128xi32, #tpu.memory_space<hbm>>
      %dma_wait3A_26 = tpu.memref_squeeze %dma_wait3A_25 : memref<1x13x1x128xi32, #tpu.memory_space<hbm>> -> memref<13x1x128xi32, #tpu.memory_space<hbm>>
      %dma_wait3A_27 = arith.constant 0 : i32
      %dma_wait3A_28 = arith.constant 0 : i32
      %dma_wait3A_29 = arith.constant 0 : i32
      %dma_wait3A_30 = tpu.memref_slice %arg3[%add3A, %dma_wait3A_27, %dma_wait3A_28, %dma_wait3A_29] : memref<32x13x1x128xi32, #tpu.memory_space<hbm>> -> memref<1x13x1x128xi32, #tpu.memory_space<hbm>>
      %dma_wait3A_31 = tpu.memref_squeeze %dma_wait3A_30 : memref<1x13x1x128xi32, #tpu.memory_space<hbm>> -> memref<13x1x128xi32, #tpu.memory_space<hbm>>
      tpu.wait_dma2 semaphore(%run_scoped3A : memref<!tpu.dma_semaphore, #tpu.memory_space<semaphore_mem>>) src(%dma_wait3A_31 : memref<13x1x128xi32, #tpu.memory_space<hbm>>) dst(%arg6 : memref<13x1x128xi32, #tpu.memory_space<vmem>>)
      tpu.yield
    }) : () -> ()
    %barrier3A = arith.constant 0 : index
    tpu.barrier barrier_id(%barrier3A)
    %scan3A = arith.constant 0 : i32
    %scan3A_5 = arith.constant 13 : i32
    %scan3A_6 = arith.addi %scan3A, %scan3A_5 : i32
    %scan3A_7 = arith.constant 1 : i32
    scf.for %scan3A_14 = %scan3A to %scan3A_6 step %scan3A_7  : i32 {
      %mul3A_15 = arith.constant 1 : i32
      %mul3A_16 = arith.muli %scan3A_14, %mul3A_15 : i32
      %add3A_17 = arith.constant 0 : i32
      %add3A_18 = arith.addi %add3A_17, %mul3A_16 : i32
      %mul3A_19 = arith.constant 13 : i32
      %mul3A_20 = arith.muli %add3A, %mul3A_19 : i32
      %add3A_21 = arith.addi %mul3A_20, %add3A_18 : i32
      %mul3A_22 = arith.constant 128 : i32
      %mul3A_23 = arith.muli %add3A_21, %mul3A_22 : i32
      %dma_start3A = arith.constant 0 : i32
      %dma_start3A_24 = tpu.memref_slice %arg2[%mul3A_23, %dma_start3A] : memref<53248x128xf32, #tpu.memory_space<hbm>> -> memref<128x128xf32, #tpu.memory_space<hbm>>
      %dma_start3A_25 = arith.constant 0 : i32
      %dma_start3A_26 = tpu.memref_slice %arg2[%mul3A_23, %dma_start3A_25] : memref<53248x128xf32, #tpu.memory_space<hbm>> -> memref<128x128xf32, #tpu.memory_space<hbm>>
      tpu.enqueue_dma source(%dma_start3A_26 : memref<128x128xf32, #tpu.memory_space<hbm>>) target(%arg7 : memref<128x128xf32, #tpu.memory_space<vmem>>) target_semaphore(%arg9 : memref<!tpu.dma_semaphore, #tpu.memory_space<semaphore_mem>>)
      %dma_wait3A = arith.constant 0 : i32
      %dma_wait3A_27 = tpu.memref_slice %arg2[%mul3A_23, %dma_wait3A] : memref<53248x128xf32, #tpu.memory_space<hbm>> -> memref<128x128xf32, #tpu.memory_space<hbm>>
      %dma_wait3A_28 = arith.constant 0 : i32
      %dma_wait3A_29 = tpu.memref_slice %arg2[%mul3A_23, %dma_wait3A_28] : memref<53248x128xf32, #tpu.memory_space<hbm>> -> memref<128x128xf32, #tpu.memory_space<hbm>>
      tpu.wait_dma2 semaphore(%arg9 : memref<!tpu.dma_semaphore, #tpu.memory_space<semaphore_mem>>) src(%dma_wait3A_29 : memref<128x128xf32, #tpu.memory_space<hbm>>) dst(%arg7 : memref<128x128xf32, #tpu.memory_space<vmem>>)
      %run_scoped3A = arith.constant 0 : i32
      "tpu.region"() ({
        %run_scoped3A_30 = tpu.sem_alloc : memref<!tpu.dma_semaphore, #tpu.memory_space<semaphore_mem>>
        %dma_start3A_31 = arith.constant 0 : i32
        %dma_start3A_32 = tpu.memref_slice %arg6[%add3A_18, %run_scoped3A, %dma_start3A_31] : memref<13x1x128xi32, #tpu.memory_space<vmem>> -> memref<1x1x128xi32, #tpu.memory_space<vmem>>
        %dma_start3A_33 = tpu.memref_squeeze %dma_start3A_32 : memref<1x1x128xi32, #tpu.memory_space<vmem>> -> memref<128xi32, #tpu.memory_space<vmem>>
        %dma_start3A_34 = arith.constant 0 : i32
        %dma_start3A_35 = arith.constant 0 : i32
        %dma_start3A_36 = tpu.memref_slice %arg8[%dma_start3A_34, %dma_start3A_35] : memref<10240x128xf32, #tpu.memory_space<vmem_shared>> -> memref<10240x128xf32, #tpu.memory_space<vmem_shared>>
        tpu.enqueue_indirect_dma source(%arg7 : memref<128x128xf32, #tpu.memory_space<vmem>>) target(%dma_start3A_36 : memref<10240x128xf32, #tpu.memory_space<vmem_shared>>) offsets(%dma_start3A_33 : memref<128xi32, #tpu.memory_space<vmem>>) semaphore(%run_scoped3A_30 : memref<!tpu.dma_semaphore, #tpu.memory_space<semaphore_mem>>) {add = true}
        %dma_wait3A_37 = arith.constant 0 : i32
        %dma_wait3A_38 = tpu.memref_slice %arg6[%add3A_18, %run_scoped3A, %dma_wait3A_37] : memref<13x1x128xi32, #tpu.memory_space<vmem>> -> memref<1x1x128xi32, #tpu.memory_space<vmem>>
        %dma_wait3A_39 = tpu.memref_squeeze %dma_wait3A_38 : memref<1x1x128xi32, #tpu.memory_space<vmem>> -> memref<128xi32, #tpu.memory_space<vmem>>
        %dma_wait3A_40 = arith.constant 0 : i32
        %dma_wait3A_41 = arith.constant 0 : i32
        %dma_wait3A_42 = tpu.memref_slice %arg8[%dma_wait3A_40, %dma_wait3A_41] : memref<10240x128xf32, #tpu.memory_space<vmem_shared>> -> memref<10240x128xf32, #tpu.memory_space<vmem_shared>>
        tpu.wait_indirect_dma semaphore(%run_scoped3A_30 : memref<!tpu.dma_semaphore, #tpu.memory_space<semaphore_mem>>) src(%arg7 : memref<128x128xf32, #tpu.memory_space<vmem>>) dst(%dma_wait3A_42 : memref<10240x128xf32, #tpu.memory_space<vmem_shared>>)
        tpu.yield
      }) : () -> ()
    }
    %scan3A_8 = arith.constant 13 : i32
    %barrier3A_9 = arith.constant 0 : index
    tpu.barrier barrier_id(%barrier3A_9)
    %mul3A_10 = arith.constant 640 : i32
    %mul3A_11 = arith.muli %arg1, %mul3A_10 : i32
    %mul3A_12 = arith.constant 640 : i32
    %mul3A_13 = arith.muli %arg1, %mul3A_12 : i32
    "tpu.region"() ({
      %run_scoped3A = tpu.sem_alloc : memref<!tpu.dma_semaphore, #tpu.memory_space<semaphore_mem>>
      %dma_start3A = arith.constant 0 : i32
      %dma_start3A_14 = tpu.memref_slice %arg5[%arg0, %mul3A_13, %dma_start3A] : memref<2x10240x128xf32, #tpu.memory_space<hbm>> -> memref<1x640x128xf32, #tpu.memory_space<hbm>>
      %dma_start3A_15 = tpu.memref_squeeze %dma_start3A_14 : memref<1x640x128xf32, #tpu.memory_space<hbm>> -> memref<640x128xf32, #tpu.memory_space<hbm>>
      %dma_start3A_16 = arith.constant 0 : i32
      %dma_start3A_17 = tpu.memref_slice %arg8[%mul3A_11, %dma_start3A_16] : memref<10240x128xf32, #tpu.memory_space<vmem_shared>> -> memref<640x128xf32, #tpu.memory_space<vmem_shared>>
      tpu.enqueue_dma source(%dma_start3A_17 : memref<640x128xf32, #tpu.memory_space<vmem_shared>>) target(%dma_start3A_15 : memref<640x128xf32, #tpu.memory_space<hbm>>) target_semaphore(%run_scoped3A : memref<!tpu.dma_semaphore, #tpu.memory_space<semaphore_mem>>)
      %dma_wait3A = arith.constant 0 : i32
      %dma_wait3A_18 = tpu.memref_slice %arg5[%arg0, %mul3A_13, %dma_wait3A] : memref<2x10240x128xf32, #tpu.memory_space<hbm>> -> memref<1x640x128xf32, #tpu.memory_space<hbm>>
      %dma_wait3A_19 = tpu.memref_squeeze %dma_wait3A_18 : memref<1x640x128xf32, #tpu.memory_space<hbm>> -> memref<640x128xf32, #tpu.memory_space<hbm>>
      %dma_wait3A_20 = arith.constant 0 : i32
      %dma_wait3A_21 = tpu.memref_slice %arg8[%mul3A_11, %dma_wait3A_20] : memref<10240x128xf32, #tpu.memory_space<vmem_shared>> -> memref<640x128xf32, #tpu.memory_space<vmem_shared>>
      tpu.wait_dma2 semaphore(%run_scoped3A : memref<!tpu.dma_semaphore, #tpu.memory_space<semaphore_mem>>) src(%dma_wait3A_21 : memref<640x128xf32, #tpu.memory_space<vmem_shared>>) dst(%dma_wait3A_19 : memref<640x128xf32, #tpu.memory_space<hbm>>)
      tpu.yield
    }) : () -> ()
    return
  }
}

#map = affine_map<(d0, d1) -> (0, 0)>
#map1 = affine_map<(d0, d1) -> (0, 0, 0, 0)>
module attributes {stable_mosaic.version = 14 : i64} {
  func.func @body(%arg0: i32, %arg1: i32, %arg2: memref<10240x128xf32, #tpu.memory_space<hbm>>, %arg3: memref<32x13x1x128xi32, #tpu.memory_space<hbm>>, %arg4: memref<53248x128xf32, #tpu.memory_space<hbm>>, %arg5: memref<13x1x128xi32, #tpu.memory_space<vmem>>, %arg6: memref<128x128xf32, #tpu.memory_space<vmem>>, %arg7: memref<!tpu.dma_semaphore, #tpu.memory_space<semaphore_mem>>) attributes {dimension_semantics = [#tpu.dimension_semantics<core_parallel>, #tpu.dimension_semantics<subcore_parallel>], iteration_bounds = array<i64: 2, 16>, scalar_prefetch = 0 : i64, scratch_operands = 3 : i64, tpu.core_type = #tpu.core_type<sc_vector_subcore>, window_params = [{transform_indices = #map}, {transform_indices = #map1}, {transform_indices = #map}]} {
    %mul3A = arith.constant 2 : i32
    %mul3A_0 = arith.muli %arg1, %mul3A : i32
    %add3A = arith.addi %mul3A_0, %arg0 : i32
    "tpu.region"() ({
      %run_scoped3A = tpu.sem_alloc : memref<!tpu.dma_semaphore, #tpu.memory_space<semaphore_mem>>
      %dma_start3A = arith.constant 0 : i32
      %dma_start3A_5 = arith.constant 0 : i32
      %dma_start3A_6 = arith.constant 0 : i32
      %dma_start3A_7 = tpu.memref_slice %arg3[%add3A, %dma_start3A, %dma_start3A_5, %dma_start3A_6] : memref<32x13x1x128xi32, #tpu.memory_space<hbm>> -> memref<1x13x1x128xi32, #tpu.memory_space<hbm>>
      %dma_start3A_8 = tpu.memref_squeeze %dma_start3A_7 : memref<1x13x1x128xi32, #tpu.memory_space<hbm>> -> memref<13x1x128xi32, #tpu.memory_space<hbm>>
      %dma_start3A_9 = arith.constant 0 : i32
      %dma_start3A_10 = arith.constant 0 : i32
      %dma_start3A_11 = arith.constant 0 : i32
      %dma_start3A_12 = tpu.memref_slice %arg3[%add3A, %dma_start3A_9, %dma_start3A_10, %dma_start3A_11] : memref<32x13x1x128xi32, #tpu.memory_space<hbm>> -> memref<1x13x1x128xi32, #tpu.memory_space<hbm>>
      %dma_start3A_13 = tpu.memref_squeeze %dma_start3A_12 : memref<1x13x1x128xi32, #tpu.memory_space<hbm>> -> memref<13x1x128xi32, #tpu.memory_space<hbm>>
      tpu.enqueue_dma source(%dma_start3A_13 : memref<13x1x128xi32, #tpu.memory_space<hbm>>) target(%arg5 : memref<13x1x128xi32, #tpu.memory_space<vmem>>) target_semaphore(%run_scoped3A : memref<!tpu.dma_semaphore, #tpu.memory_space<semaphore_mem>>)
      %dma_wait3A = arith.constant 0 : i32
      %dma_wait3A_14 = arith.constant 0 : i32
      %dma_wait3A_15 = arith.constant 0 : i32
      %dma_wait3A_16 = tpu.memref_slice %arg3[%add3A, %dma_wait3A, %dma_wait3A_14, %dma_wait3A_15] : memref<32x13x1x128xi32, #tpu.memory_space<hbm>> -> memref<1x13x1x128xi32, #tpu.memory_space<hbm>>
      %dma_wait3A_17 = tpu.memref_squeeze %dma_wait3A_16 : memref<1x13x1x128xi32, #tpu.memory_space<hbm>> -> memref<13x1x128xi32, #tpu.memory_space<hbm>>
      %dma_wait3A_18 = arith.constant 0 : i32
      %dma_wait3A_19 = arith.constant 0 : i32
      %dma_wait3A_20 = arith.constant 0 : i32
      %dma_wait3A_21 = tpu.memref_slice %arg3[%add3A, %dma_wait3A_18, %dma_wait3A_19, %dma_wait3A_20] : memref<32x13x1x128xi32, #tpu.memory_space<hbm>> -> memref<1x13x1x128xi32, #tpu.memory_space<hbm>>
      %dma_wait3A_22 = tpu.memref_squeeze %dma_wait3A_21 : memref<1x13x1x128xi32, #tpu.memory_space<hbm>> -> memref<13x1x128xi32, #tpu.memory_space<hbm>>
      tpu.wait_dma2 semaphore(%run_scoped3A : memref<!tpu.dma_semaphore, #tpu.memory_space<semaphore_mem>>) src(%dma_wait3A_22 : memref<13x1x128xi32, #tpu.memory_space<hbm>>) dst(%arg5 : memref<13x1x128xi32, #tpu.memory_space<vmem>>)
      tpu.yield
    }) : () -> ()
    %scan3A = arith.constant 0 : i32
    %scan3A_1 = arith.constant 13 : i32
    %scan3A_2 = arith.addi %scan3A, %scan3A_1 : i32
    %scan3A_3 = arith.constant 1 : i32
    scf.for %scan3A_5 = %scan3A to %scan3A_2 step %scan3A_3  : i32 {
      %mul3A_6 = arith.constant 1 : i32
      %mul3A_7 = arith.muli %scan3A_5, %mul3A_6 : i32
      %add3A_8 = arith.constant 0 : i32
      %add3A_9 = arith.addi %add3A_8, %mul3A_7 : i32
      %dma_start3A = arith.constant 0 : i32
      %dma_start3A_10 = arith.constant 0 : i32
      %dma_start3A_11 = tpu.memref_slice %arg5[%add3A_9, %dma_start3A, %dma_start3A_10] : memref<13x1x128xi32, #tpu.memory_space<vmem>> -> memref<1x1x128xi32, #tpu.memory_space<vmem>>
      %dma_start3A_12 = tpu.memref_squeeze %dma_start3A_11 : memref<1x1x128xi32, #tpu.memory_space<vmem>> -> memref<128xi32, #tpu.memory_space<vmem>>
      %dma_start3A_13 = arith.constant 0 : i32
      %dma_start3A_14 = arith.constant 0 : i32
      %dma_start3A_15 = tpu.memref_slice %arg2[%dma_start3A_13, %dma_start3A_14] : memref<10240x128xf32, #tpu.memory_space<hbm>> -> memref<10240x128xf32, #tpu.memory_space<hbm>>
      tpu.enqueue_indirect_dma source(%dma_start3A_15 : memref<10240x128xf32, #tpu.memory_space<hbm>>) target(%arg6 : memref<128x128xf32, #tpu.memory_space<vmem>>) offsets(%dma_start3A_12 : memref<128xi32, #tpu.memory_space<vmem>>) semaphore(%arg7 : memref<!tpu.dma_semaphore, #tpu.memory_space<semaphore_mem>>)
      %dma_wait3A = arith.constant 0 : i32
      %dma_wait3A_16 = arith.constant 0 : i32
      %dma_wait3A_17 = tpu.memref_slice %arg5[%add3A_9, %dma_wait3A, %dma_wait3A_16] : memref<13x1x128xi32, #tpu.memory_space<vmem>> -> memref<1x1x128xi32, #tpu.memory_space<vmem>>
      %dma_wait3A_18 = tpu.memref_squeeze %dma_wait3A_17 : memref<1x1x128xi32, #tpu.memory_space<vmem>> -> memref<128xi32, #tpu.memory_space<vmem>>
      %dma_wait3A_19 = arith.constant 0 : i32
      %dma_wait3A_20 = arith.constant 0 : i32
      %dma_wait3A_21 = tpu.memref_slice %arg2[%dma_wait3A_19, %dma_wait3A_20] : memref<10240x128xf32, #tpu.memory_space<hbm>> -> memref<10240x128xf32, #tpu.memory_space<hbm>>
      tpu.wait_indirect_dma semaphore(%arg7 : memref<!tpu.dma_semaphore, #tpu.memory_space<semaphore_mem>>) src(%dma_wait3A_21 : memref<10240x128xf32, #tpu.memory_space<hbm>>) dst(%arg6 : memref<128x128xf32, #tpu.memory_space<vmem>>)
      %mul3A_22 = arith.constant 13 : i32
      %mul3A_23 = arith.muli %add3A, %mul3A_22 : i32
      %add3A_24 = arith.addi %mul3A_23, %add3A_9 : i32
      %mul3A_25 = arith.constant 128 : i32
      %mul3A_26 = arith.muli %add3A_24, %mul3A_25 : i32
      "tpu.region"() ({
        %run_scoped3A = tpu.sem_alloc : memref<!tpu.dma_semaphore, #tpu.memory_space<semaphore_mem>>
        %dma_start3A_27 = arith.constant 0 : i32
        %dma_start3A_28 = tpu.memref_slice %arg4[%mul3A_26, %dma_start3A_27] : memref<53248x128xf32, #tpu.memory_space<hbm>> -> memref<128x128xf32, #tpu.memory_space<hbm>>
        %dma_start3A_29 = arith.constant 0 : i32
        %dma_start3A_30 = tpu.memref_slice %arg4[%mul3A_26, %dma_start3A_29] : memref<53248x128xf32, #tpu.memory_space<hbm>> -> memref<128x128xf32, #tpu.memory_space<hbm>>
        tpu.enqueue_dma source(%arg6 : memref<128x128xf32, #tpu.memory_space<vmem>>) target(%dma_start3A_30 : memref<128x128xf32, #tpu.memory_space<hbm>>) target_semaphore(%run_scoped3A : memref<!tpu.dma_semaphore, #tpu.memory_space<semaphore_mem>>)
        %dma_wait3A_31 = arith.constant 0 : i32
        %dma_wait3A_32 = tpu.memref_slice %arg4[%mul3A_26, %dma_wait3A_31] : memref<53248x128xf32, #tpu.memory_space<hbm>> -> memref<128x128xf32, #tpu.memory_space<hbm>>
        %dma_wait3A_33 = arith.constant 0 : i32
        %dma_wait3A_34 = tpu.memref_slice %arg4[%mul3A_26, %dma_wait3A_33] : memref<53248x128xf32, #tpu.memory_space<hbm>> -> memref<128x128xf32, #tpu.memory_space<hbm>>
        tpu.wait_dma2 semaphore(%run_scoped3A : memref<!tpu.dma_semaphore, #tpu.memory_space<semaphore_mem>>) src(%arg6 : memref<128x128xf32, #tpu.memory_space<vmem>>) dst(%dma_wait3A_34 : memref<128x128xf32, #tpu.memory_space<hbm>>)
        tpu.yield
      }) : () -> ()
    }
    %scan3A_4 = arith.constant 13 : i32
    return
  }
}

#map = affine_map<(d0, d1) -> (0, 0)>
#map1 = affine_map<(d0, d1) -> (0, 0, 0, 0)>
module attributes {stable_mosaic.version = 14 : i64} {
  func.func @body(%arg0: i32, %arg1: i32, %arg2: memref<10240x128xf32, #tpu.memory_space<hbm>>, %arg3: memref<32x13x1x128xi32, #tpu.memory_space<hbm>>, %arg4: memref<53248x128xf32, #tpu.memory_space<hbm>>, %arg5: memref<13x1x128xi32, #tpu.memory_space<vmem>>, %arg6: memref<128x128xf32, #tpu.memory_space<vmem>>, %arg7: memref<!tpu.dma_semaphore, #tpu.memory_space<semaphore_mem>>) attributes {dimension_semantics = [#tpu.dimension_semantics<core_parallel>, #tpu.dimension_semantics<subcore_parallel>], iteration_bounds = array<i64: 2, 16>, scalar_prefetch = 0 : i64, scratch_operands = 3 : i64, tpu.core_type = #tpu.core_type<sc_vector_subcore>, window_params = [{transform_indices = #map}, {transform_indices = #map1}, {transform_indices = #map}]} {
    %mul3A = arith.constant 2 : i32
    %mul3A_0 = arith.muli %arg1, %mul3A : i32
    %add3A = arith.addi %mul3A_0, %arg0 : i32
    "tpu.region"() ({
      %run_scoped3A = tpu.sem_alloc : memref<!tpu.dma_semaphore, #tpu.memory_space<semaphore_mem>>
      %dma_start3A = arith.constant 0 : i32
      %dma_start3A_5 = arith.constant 0 : i32
      %dma_start3A_6 = arith.constant 0 : i32
      %dma_start3A_7 = tpu.memref_slice %arg3[%add3A, %dma_start3A, %dma_start3A_5, %dma_start3A_6] : memref<32x13x1x128xi32, #tpu.memory_space<hbm>> -> memref<1x13x1x128xi32, #tpu.memory_space<hbm>>
      %dma_start3A_8 = tpu.memref_squeeze %dma_start3A_7 : memref<1x13x1x128xi32, #tpu.memory_space<hbm>> -> memref<13x1x128xi32, #tpu.memory_space<hbm>>
      %dma_start3A_9 = arith.constant 0 : i32
      %dma_start3A_10 = arith.constant 0 : i32
      %dma_start3A_11 = arith.constant 0 : i32
      %dma_start3A_12 = tpu.memref_slice %arg3[%add3A, %dma_start3A_9, %dma_start3A_10, %dma_start3A_11] : memref<32x13x1x128xi32, #tpu.memory_space<hbm>> -> memref<1x13x1x128xi32, #tpu.memory_space<hbm>>
      %dma_start3A_13 = tpu.memref_squeeze %dma_start3A_12 : memref<1x13x1x128xi32, #tpu.memory_space<hbm>> -> memref<13x1x128xi32, #tpu.memory_space<hbm>>
      tpu.enqueue_dma source(%dma_start3A_13 : memref<13x1x128xi32, #tpu.memory_space<hbm>>) target(%arg5 : memref<13x1x128xi32, #tpu.memory_space<vmem>>) target_semaphore(%run_scoped3A : memref<!tpu.dma_semaphore, #tpu.memory_space<semaphore_mem>>)
      %dma_wait3A = arith.constant 0 : i32
      %dma_wait3A_14 = arith.constant 0 : i32
      %dma_wait3A_15 = arith.constant 0 : i32
      %dma_wait3A_16 = tpu.memref_slice %arg3[%add3A, %dma_wait3A, %dma_wait3A_14, %dma_wait3A_15] : memref<32x13x1x128xi32, #tpu.memory_space<hbm>> -> memref<1x13x1x128xi32, #tpu.memory_space<hbm>>
      %dma_wait3A_17 = tpu.memref_squeeze %dma_wait3A_16 : memref<1x13x1x128xi32, #tpu.memory_space<hbm>> -> memref<13x1x128xi32, #tpu.memory_space<hbm>>
      %dma_wait3A_18 = arith.constant 0 : i32
      %dma_wait3A_19 = arith.constant 0 : i32
      %dma_wait3A_20 = arith.constant 0 : i32
      %dma_wait3A_21 = tpu.memref_slice %arg3[%add3A, %dma_wait3A_18, %dma_wait3A_19, %dma_wait3A_20] : memref<32x13x1x128xi32, #tpu.memory_space<hbm>> -> memref<1x13x1x128xi32, #tpu.memory_space<hbm>>
      %dma_wait3A_22 = tpu.memref_squeeze %dma_wait3A_21 : memref<1x13x1x128xi32, #tpu.memory_space<hbm>> -> memref<13x1x128xi32, #tpu.memory_space<hbm>>
      tpu.wait_dma2 semaphore(%run_scoped3A : memref<!tpu.dma_semaphore, #tpu.memory_space<semaphore_mem>>) src(%dma_wait3A_22 : memref<13x1x128xi32, #tpu.memory_space<hbm>>) dst(%arg5 : memref<13x1x128xi32, #tpu.memory_space<vmem>>)
      tpu.yield
    }) : () -> ()
    %scan3A = arith.constant 0 : i32
    %scan3A_1 = arith.constant 13 : i32
    %scan3A_2 = arith.addi %scan3A, %scan3A_1 : i32
    %scan3A_3 = arith.constant 1 : i32
    scf.for %scan3A_5 = %scan3A to %scan3A_2 step %scan3A_3  : i32 {
      %mul3A_6 = arith.constant 1 : i32
      %mul3A_7 = arith.muli %scan3A_5, %mul3A_6 : i32
      %add3A_8 = arith.constant 0 : i32
      %add3A_9 = arith.addi %add3A_8, %mul3A_7 : i32
      %dma_start3A = arith.constant 0 : i32
      %dma_start3A_10 = arith.constant 0 : i32
      %dma_start3A_11 = tpu.memref_slice %arg5[%add3A_9, %dma_start3A, %dma_start3A_10] : memref<13x1x128xi32, #tpu.memory_space<vmem>> -> memref<1x1x128xi32, #tpu.memory_space<vmem>>
      %dma_start3A_12 = tpu.memref_squeeze %dma_start3A_11 : memref<1x1x128xi32, #tpu.memory_space<vmem>> -> memref<128xi32, #tpu.memory_space<vmem>>
      %dma_start3A_13 = arith.constant 0 : i32
      %dma_start3A_14 = arith.constant 0 : i32
      %dma_start3A_15 = tpu.memref_slice %arg2[%dma_start3A_13, %dma_start3A_14] : memref<10240x128xf32, #tpu.memory_space<hbm>> -> memref<10240x128xf32, #tpu.memory_space<hbm>>
      tpu.enqueue_indirect_dma source(%dma_start3A_15 : memref<10240x128xf32, #tpu.memory_space<hbm>>) target(%arg6 : memref<128x128xf32, #tpu.memory_space<vmem>>) offsets(%dma_start3A_12 : memref<128xi32, #tpu.memory_space<vmem>>) semaphore(%arg7 : memref<!tpu.dma_semaphore, #tpu.memory_space<semaphore_mem>>)
      %dma_wait3A = arith.constant 0 : i32
      %dma_wait3A_16 = arith.constant 0 : i32
      %dma_wait3A_17 = tpu.memref_slice %arg5[%add3A_9, %dma_wait3A, %dma_wait3A_16] : memref<13x1x128xi32, #tpu.memory_space<vmem>> -> memref<1x1x128xi32, #tpu.memory_space<vmem>>
      %dma_wait3A_18 = tpu.memref_squeeze %dma_wait3A_17 : memref<1x1x128xi32, #tpu.memory_space<vmem>> -> memref<128xi32, #tpu.memory_space<vmem>>
      %dma_wait3A_19 = arith.constant 0 : i32
      %dma_wait3A_20 = arith.constant 0 : i32
      %dma_wait3A_21 = tpu.memref_slice %arg2[%dma_wait3A_19, %dma_wait3A_20] : memref<10240x128xf32, #tpu.memory_space<hbm>> -> memref<10240x128xf32, #tpu.memory_space<hbm>>
      tpu.wait_indirect_dma semaphore(%arg7 : memref<!tpu.dma_semaphore, #tpu.memory_space<semaphore_mem>>) src(%dma_wait3A_21 : memref<10240x128xf32, #tpu.memory_space<hbm>>) dst(%arg6 : memref<128x128xf32, #tpu.memory_space<vmem>>)
      %mul3A_22 = arith.constant 13 : i32
      %mul3A_23 = arith.muli %add3A, %mul3A_22 : i32
      %add3A_24 = arith.addi %mul3A_23, %add3A_9 : i32
      %mul3A_25 = arith.constant 128 : i32
      %mul3A_26 = arith.muli %add3A_24, %mul3A_25 : i32
      "tpu.region"() ({
        %run_scoped3A = tpu.sem_alloc : memref<!tpu.dma_semaphore, #tpu.memory_space<semaphore_mem>>
        %dma_start3A_27 = arith.constant 0 : i32
        %dma_start3A_28 = tpu.memref_slice %arg4[%mul3A_26, %dma_start3A_27] : memref<53248x128xf32, #tpu.memory_space<hbm>> -> memref<128x128xf32, #tpu.memory_space<hbm>>
        %dma_start3A_29 = arith.constant 0 : i32
        %dma_start3A_30 = tpu.memref_slice %arg4[%mul3A_26, %dma_start3A_29] : memref<53248x128xf32, #tpu.memory_space<hbm>> -> memref<128x128xf32, #tpu.memory_space<hbm>>
        tpu.enqueue_dma source(%arg6 : memref<128x128xf32, #tpu.memory_space<vmem>>) target(%dma_start3A_30 : memref<128x128xf32, #tpu.memory_space<hbm>>) target_semaphore(%run_scoped3A : memref<!tpu.dma_semaphore, #tpu.memory_space<semaphore_mem>>)
        %dma_wait3A_31 = arith.constant 0 : i32
        %dma_wait3A_32 = tpu.memref_slice %arg4[%mul3A_26, %dma_wait3A_31] : memref<53248x128xf32, #tpu.memory_space<hbm>> -> memref<128x128xf32, #tpu.memory_space<hbm>>
        %dma_wait3A_33 = arith.constant 0 : i32
        %dma_wait3A_34 = tpu.memref_slice %arg4[%mul3A_26, %dma_wait3A_33] : memref<53248x128xf32, #tpu.memory_space<hbm>> -> memref<128x128xf32, #tpu.memory_space<hbm>>
        tpu.wait_dma2 semaphore(%run_scoped3A : memref<!tpu.dma_semaphore, #tpu.memory_space<semaphore_mem>>) src(%arg6 : memref<128x128xf32, #tpu.memory_space<vmem>>) dst(%dma_wait3A_34 : memref<128x128xf32, #tpu.memory_space<hbm>>)
        tpu.yield
      }) : () -> ()
    }
    %scan3A_4 = arith.constant 13 : i32
    return
  }
}

#map = affine_map<(d0, d1) -> (0, 0)>
#map1 = affine_map<(d0, d1) -> (0, 0, 0, 0)>
#map2 = affine_map<(d0, d1) -> (0, 0, 0)>
module attributes {stable_mosaic.version = 14 : i64} {
  func.func @body(%arg0: i32, %arg1: i32, %arg2: memref<53248x128xf32, #tpu.memory_space<hbm>>, %arg3: memref<32x13x1x128xi32, #tpu.memory_space<hbm>>, %arg4: memref<10240x128xf32, #tpu.memory_space<hbm>>, %arg5: memref<2x10240x128xf32, #tpu.memory_space<hbm>>, %arg6: memref<13x1x128xi32, #tpu.memory_space<vmem>>, %arg7: memref<128x128xf32, #tpu.memory_space<vmem>>, %arg8: memref<10240x128xf32, #tpu.memory_space<vmem_shared>>, %arg9: memref<!tpu.dma_semaphore, #tpu.memory_space<semaphore_mem>>) attributes {dimension_semantics = [#tpu.dimension_semantics<core_parallel>, #tpu.dimension_semantics<subcore_parallel>], iteration_bounds = array<i64: 2, 16>, scalar_prefetch = 0 : i64, scratch_operands = 4 : i64, tpu.core_type = #tpu.core_type<sc_vector_subcore>, window_params = [{transform_indices = #map}, {transform_indices = #map1}, {transform_indices = #map}, {transform_indices = #map2}]} {
    %mul3A = arith.constant 2 : i32
    %mul3A_0 = arith.muli %arg1, %mul3A : i32
    %add3A = arith.addi %mul3A_0, %arg0 : i32
    %mul3A_1 = arith.constant 640 : i32
    %mul3A_2 = arith.muli %arg1, %mul3A_1 : i32
    %mul3A_3 = arith.constant 640 : i32
    %mul3A_4 = arith.muli %arg1, %mul3A_3 : i32
    "tpu.region"() ({
      %run_scoped3A = tpu.sem_alloc : memref<!tpu.dma_semaphore, #tpu.memory_space<semaphore_mem>>
      %dma_start3A = arith.constant 0 : i32
      %dma_start3A_14 = tpu.memref_slice %arg8[%mul3A_4, %dma_start3A] : memref<10240x128xf32, #tpu.memory_space<vmem_shared>> -> memref<640x128xf32, #tpu.memory_space<vmem_shared>>
      %dma_start3A_15 = arith.constant 0 : i32
      %dma_start3A_16 = tpu.memref_slice %arg4[%mul3A_2, %dma_start3A_15] : memref<10240x128xf32, #tpu.memory_space<hbm>> -> memref<640x128xf32, #tpu.memory_space<hbm>>
      tpu.enqueue_dma source(%dma_start3A_16 : memref<640x128xf32, #tpu.memory_space<hbm>>) target(%dma_start3A_14 : memref<640x128xf32, #tpu.memory_space<vmem_shared>>) target_semaphore(%run_scoped3A : memref<!tpu.dma_semaphore, #tpu.memory_space<semaphore_mem>>)
      %dma_wait3A = arith.constant 0 : i32
      %dma_wait3A_17 = tpu.memref_slice %arg8[%mul3A_4, %dma_wait3A] : memref<10240x128xf32, #tpu.memory_space<vmem_shared>> -> memref<640x128xf32, #tpu.memory_space<vmem_shared>>
      %dma_wait3A_18 = arith.constant 0 : i32
      %dma_wait3A_19 = tpu.memref_slice %arg4[%mul3A_2, %dma_wait3A_18] : memref<10240x128xf32, #tpu.memory_space<hbm>> -> memref<640x128xf32, #tpu.memory_space<hbm>>
      tpu.wait_dma2 semaphore(%run_scoped3A : memref<!tpu.dma_semaphore, #tpu.memory_space<semaphore_mem>>) src(%dma_wait3A_19 : memref<640x128xf32, #tpu.memory_space<hbm>>) dst(%dma_wait3A_17 : memref<640x128xf32, #tpu.memory_space<vmem_shared>>)
      tpu.yield
    }) : () -> ()
    "tpu.region"() ({
      %run_scoped3A = tpu.sem_alloc : memref<!tpu.dma_semaphore, #tpu.memory_space<semaphore_mem>>
      %dma_start3A = arith.constant 0 : i32
      %dma_start3A_14 = arith.constant 0 : i32
      %dma_start3A_15 = arith.constant 0 : i32
      %dma_start3A_16 = tpu.memref_slice %arg3[%add3A, %dma_start3A, %dma_start3A_14, %dma_start3A_15] : memref<32x13x1x128xi32, #tpu.memory_space<hbm>> -> memref<1x13x1x128xi32, #tpu.memory_space<hbm>>
      %dma_start3A_17 = tpu.memref_squeeze %dma_start3A_16 : memref<1x13x1x128xi32, #tpu.memory_space<hbm>> -> memref<13x1x128xi32, #tpu.memory_space<hbm>>
      %dma_start3A_18 = arith.constant 0 : i32
      %dma_start3A_19 = arith.constant 0 : i32
      %dma_start3A_20 = arith.constant 0 : i32
      %dma_start3A_21 = tpu.memref_slice %arg3[%add3A, %dma_start3A_18, %dma_start3A_19, %dma_start3A_20] : memref<32x13x1x128xi32, #tpu.memory_space<hbm>> -> memref<1x13x1x128xi32, #tpu.memory_space<hbm>>
      %dma_start3A_22 = tpu.memref_squeeze %dma_start3A_21 : memref<1x13x1x128xi32, #tpu.memory_space<hbm>> -> memref<13x1x128xi32, #tpu.memory_space<hbm>>
      tpu.enqueue_dma source(%dma_start3A_22 : memref<13x1x128xi32, #tpu.memory_space<hbm>>) target(%arg6 : memref<13x1x128xi32, #tpu.memory_space<vmem>>) target_semaphore(%run_scoped3A : memref<!tpu.dma_semaphore, #tpu.memory_space<semaphore_mem>>)
      %dma_wait3A = arith.constant 0 : i32
      %dma_wait3A_23 = arith.constant 0 : i32
      %dma_wait3A_24 = arith.constant 0 : i32
      %dma_wait3A_25 = tpu.memref_slice %arg3[%add3A, %dma_wait3A, %dma_wait3A_23, %dma_wait3A_24] : memref<32x13x1x128xi32, #tpu.memory_space<hbm>> -> memref<1x13x1x128xi32, #tpu.memory_space<hbm>>
      %dma_wait3A_26 = tpu.memref_squeeze %dma_wait3A_25 : memref<1x13x1x128xi32, #tpu.memory_space<hbm>> -> memref<13x1x128xi32, #tpu.memory_space<hbm>>
      %dma_wait3A_27 = arith.constant 0 : i32
      %dma_wait3A_28 = arith.constant 0 : i32
      %dma_wait3A_29 = arith.constant 0 : i32
      %dma_wait3A_30 = tpu.memref_slice %arg3[%add3A, %dma_wait3A_27, %dma_wait3A_28, %dma_wait3A_29] : memref<32x13x1x128xi32, #tpu.memory_space<hbm>> -> memref<1x13x1x128xi32, #tpu.memory_space<hbm>>
      %dma_wait3A_31 = tpu.memref_squeeze %dma_wait3A_30 : memref<1x13x1x128xi32, #tpu.memory_space<hbm>> -> memref<13x1x128xi32, #tpu.memory_space<hbm>>
      tpu.wait_dma2 semaphore(%run_scoped3A : memref<!tpu.dma_semaphore, #tpu.memory_space<semaphore_mem>>) src(%dma_wait3A_31 : memref<13x1x128xi32, #tpu.memory_space<hbm>>) dst(%arg6 : memref<13x1x128xi32, #tpu.memory_space<vmem>>)
      tpu.yield
    }) : () -> ()
    %barrier3A = arith.constant 0 : index
    tpu.barrier barrier_id(%barrier3A)
    %scan3A = arith.constant 0 : i32
    %scan3A_5 = arith.constant 13 : i32
    %scan3A_6 = arith.addi %scan3A, %scan3A_5 : i32
    %scan3A_7 = arith.constant 1 : i32
    scf.for %scan3A_14 = %scan3A to %scan3A_6 step %scan3A_7  : i32 {
      %mul3A_15 = arith.constant 1 : i32
      %mul3A_16 = arith.muli %scan3A_14, %mul3A_15 : i32
      %add3A_17 = arith.constant 0 : i32
      %add3A_18 = arith.addi %add3A_17, %mul3A_16 : i32
      %mul3A_19 = arith.constant 13 : i32
      %mul3A_20 = arith.muli %add3A, %mul3A_19 : i32
      %add3A_21 = arith.addi %mul3A_20, %add3A_18 : i32
      %mul3A_22 = arith.constant 128 : i32
      %mul3A_23 = arith.muli %add3A_21, %mul3A_22 : i32
      %dma_start3A = arith.constant 0 : i32
      %dma_start3A_24 = tpu.memref_slice %arg2[%mul3A_23, %dma_start3A] : memref<53248x128xf32, #tpu.memory_space<hbm>> -> memref<128x128xf32, #tpu.memory_space<hbm>>
      %dma_start3A_25 = arith.constant 0 : i32
      %dma_start3A_26 = tpu.memref_slice %arg2[%mul3A_23, %dma_start3A_25] : memref<53248x128xf32, #tpu.memory_space<hbm>> -> memref<128x128xf32, #tpu.memory_space<hbm>>
      tpu.enqueue_dma source(%dma_start3A_26 : memref<128x128xf32, #tpu.memory_space<hbm>>) target(%arg7 : memref<128x128xf32, #tpu.memory_space<vmem>>) target_semaphore(%arg9 : memref<!tpu.dma_semaphore, #tpu.memory_space<semaphore_mem>>)
      %dma_wait3A = arith.constant 0 : i32
      %dma_wait3A_27 = tpu.memref_slice %arg2[%mul3A_23, %dma_wait3A] : memref<53248x128xf32, #tpu.memory_space<hbm>> -> memref<128x128xf32, #tpu.memory_space<hbm>>
      %dma_wait3A_28 = arith.constant 0 : i32
      %dma_wait3A_29 = tpu.memref_slice %arg2[%mul3A_23, %dma_wait3A_28] : memref<53248x128xf32, #tpu.memory_space<hbm>> -> memref<128x128xf32, #tpu.memory_space<hbm>>
      tpu.wait_dma2 semaphore(%arg9 : memref<!tpu.dma_semaphore, #tpu.memory_space<semaphore_mem>>) src(%dma_wait3A_29 : memref<128x128xf32, #tpu.memory_space<hbm>>) dst(%arg7 : memref<128x128xf32, #tpu.memory_space<vmem>>)
      %run_scoped3A = arith.constant 0 : i32
      "tpu.region"() ({
        %run_scoped3A_30 = tpu.sem_alloc : memref<!tpu.dma_semaphore, #tpu.memory_space<semaphore_mem>>
        %dma_start3A_31 = arith.constant 0 : i32
        %dma_start3A_32 = tpu.memref_slice %arg6[%add3A_18, %run_scoped3A, %dma_start3A_31] : memref<13x1x128xi32, #tpu.memory_space<vmem>> -> memref<1x1x128xi32, #tpu.memory_space<vmem>>
        %dma_start3A_33 = tpu.memref_squeeze %dma_start3A_32 : memref<1x1x128xi32, #tpu.memory_space<vmem>> -> memref<128xi32, #tpu.memory_space<vmem>>
        %dma_start3A_34 = arith.constant 0 : i32
        %dma_start3A_35 = arith.constant 0 : i32
        %dma_start3A_36 = tpu.memref_slice %arg8[%dma_start3A_34, %dma_start3A_35] : memref<10240x128xf32, #tpu.memory_space<vmem_shared>> -> memref<10240x128xf32, #tpu.memory_space<vmem_shared>>
        tpu.enqueue_indirect_dma source(%arg7 : memref<128x128xf32, #tpu.memory_space<vmem>>) target(%dma_start3A_36 : memref<10240x128xf32, #tpu.memory_space<vmem_shared>>) offsets(%dma_start3A_33 : memref<128xi32, #tpu.memory_space<vmem>>) semaphore(%run_scoped3A_30 : memref<!tpu.dma_semaphore, #tpu.memory_space<semaphore_mem>>) {add = true}
        %dma_wait3A_37 = arith.constant 0 : i32
        %dma_wait3A_38 = tpu.memref_slice %arg6[%add3A_18, %run_scoped3A, %dma_wait3A_37] : memref<13x1x128xi32, #tpu.memory_space<vmem>> -> memref<1x1x128xi32, #tpu.memory_space<vmem>>
        %dma_wait3A_39 = tpu.memref_squeeze %dma_wait3A_38 : memref<1x1x128xi32, #tpu.memory_space<vmem>> -> memref<128xi32, #tpu.memory_space<vmem>>
        %dma_wait3A_40 = arith.constant 0 : i32
        %dma_wait3A_41 = arith.constant 0 : i32
        %dma_wait3A_42 = tpu.memref_slice %arg8[%dma_wait3A_40, %dma_wait3A_41] : memref<10240x128xf32, #tpu.memory_space<vmem_shared>> -> memref<10240x128xf32, #tpu.memory_space<vmem_shared>>
        tpu.wait_indirect_dma semaphore(%run_scoped3A_30 : memref<!tpu.dma_semaphore, #tpu.memory_space<semaphore_mem>>) src(%arg7 : memref<128x128xf32, #tpu.memory_space<vmem>>) dst(%dma_wait3A_42 : memref<10240x128xf32, #tpu.memory_space<vmem_shared>>)
        tpu.yield
      }) : () -> ()
    }
    %scan3A_8 = arith.constant 13 : i32
    %barrier3A_9 = arith.constant 0 : index
    tpu.barrier barrier_id(%barrier3A_9)
    %mul3A_10 = arith.constant 640 : i32
    %mul3A_11 = arith.muli %arg1, %mul3A_10 : i32
    %mul3A_12 = arith.constant 640 : i32
    %mul3A_13 = arith.muli %arg1, %mul3A_12 : i32
    "tpu.region"() ({
      %run_scoped3A = tpu.sem_alloc : memref<!tpu.dma_semaphore, #tpu.memory_space<semaphore_mem>>
      %dma_start3A = arith.constant 0 : i32
      %dma_start3A_14 = tpu.memref_slice %arg5[%arg0, %mul3A_13, %dma_start3A] : memref<2x10240x128xf32, #tpu.memory_space<hbm>> -> memref<1x640x128xf32, #tpu.memory_space<hbm>>
      %dma_start3A_15 = tpu.memref_squeeze %dma_start3A_14 : memref<1x640x128xf32, #tpu.memory_space<hbm>> -> memref<640x128xf32, #tpu.memory_space<hbm>>
      %dma_start3A_16 = arith.constant 0 : i32
      %dma_start3A_17 = tpu.memref_slice %arg8[%mul3A_11, %dma_start3A_16] : memref<10240x128xf32, #tpu.memory_space<vmem_shared>> -> memref<640x128xf32, #tpu.memory_space<vmem_shared>>
      tpu.enqueue_dma source(%dma_start3A_17 : memref<640x128xf32, #tpu.memory_space<vmem_shared>>) target(%dma_start3A_15 : memref<640x128xf32, #tpu.memory_space<hbm>>) target_semaphore(%run_scoped3A : memref<!tpu.dma_semaphore, #tpu.memory_space<semaphore_mem>>)
      %dma_wait3A = arith.constant 0 : i32
      %dma_wait3A_18 = tpu.memref_slice %arg5[%arg0, %mul3A_13, %dma_wait3A] : memref<2x10240x128xf32, #tpu.memory_space<hbm>> -> memref<1x640x128xf32, #tpu.memory_space<hbm>>
      %dma_wait3A_19 = tpu.memref_squeeze %dma_wait3A_18 : memref<1x640x128xf32, #tpu.memory_space<hbm>> -> memref<640x128xf32, #tpu.memory_space<hbm>>
      %dma_wait3A_20 = arith.constant 0 : i32
      %dma_wait3A_21 = tpu.memref_slice %arg8[%mul3A_11, %dma_wait3A_20] : memref<10240x128xf32, #tpu.memory_space<vmem_shared>> -> memref<640x128xf32, #tpu.memory_space<vmem_shared>>
      tpu.wait_dma2 semaphore(%run_scoped3A : memref<!tpu.dma_semaphore, #tpu.memory_space<semaphore_mem>>) src(%dma_wait3A_21 : memref<640x128xf32, #tpu.memory_space<vmem_shared>>) dst(%dma_wait3A_19 : memref<640x128xf32, #tpu.memory_space<hbm>>)
      tpu.yield
    }) : () -> ()
    return
  }
}

#map = affine_map<(d0, d1) -> (0, 0)>
#map1 = affine_map<(d0, d1) -> (0, 0, 0, 0)>
#map2 = affine_map<(d0, d1) -> (0, 0, 0)>
module attributes {stable_mosaic.version = 14 : i64} {
  func.func @body(%arg0: i32, %arg1: i32, %arg2: memref<53248x128xf32, #tpu.memory_space<hbm>>, %arg3: memref<32x13x1x128xi32, #tpu.memory_space<hbm>>, %arg4: memref<10240x128xf32, #tpu.memory_space<hbm>>, %arg5: memref<2x10240x128xf32, #tpu.memory_space<hbm>>, %arg6: memref<13x1x128xi32, #tpu.memory_space<vmem>>, %arg7: memref<128x128xf32, #tpu.memory_space<vmem>>, %arg8: memref<10240x128xf32, #tpu.memory_space<vmem_shared>>, %arg9: memref<!tpu.dma_semaphore, #tpu.memory_space<semaphore_mem>>) attributes {dimension_semantics = [#tpu.dimension_semantics<core_parallel>, #tpu.dimension_semantics<subcore_parallel>], iteration_bounds = array<i64: 2, 16>, scalar_prefetch = 0 : i64, scratch_operands = 4 : i64, tpu.core_type = #tpu.core_type<sc_vector_subcore>, window_params = [{transform_indices = #map}, {transform_indices = #map1}, {transform_indices = #map}, {transform_indices = #map2}]} {
    %mul3A = arith.constant 2 : i32
    %mul3A_0 = arith.muli %arg1, %mul3A : i32
    %add3A = arith.addi %mul3A_0, %arg0 : i32
    %mul3A_1 = arith.constant 640 : i32
    %mul3A_2 = arith.muli %arg1, %mul3A_1 : i32
    %mul3A_3 = arith.constant 640 : i32
    %mul3A_4 = arith.muli %arg1, %mul3A_3 : i32
    "tpu.region"() ({
      %run_scoped3A = tpu.sem_alloc : memref<!tpu.dma_semaphore, #tpu.memory_space<semaphore_mem>>
      %dma_start3A = arith.constant 0 : i32
      %dma_start3A_14 = tpu.memref_slice %arg8[%mul3A_4, %dma_start3A] : memref<10240x128xf32, #tpu.memory_space<vmem_shared>> -> memref<640x128xf32, #tpu.memory_space<vmem_shared>>
      %dma_start3A_15 = arith.constant 0 : i32
      %dma_start3A_16 = tpu.memref_slice %arg4[%mul3A_2, %dma_start3A_15] : memref<10240x128xf32, #tpu.memory_space<hbm>> -> memref<640x128xf32, #tpu.memory_space<hbm>>
      tpu.enqueue_dma source(%dma_start3A_16 : memref<640x128xf32, #tpu.memory_space<hbm>>) target(%dma_start3A_14 : memref<640x128xf32, #tpu.memory_space<vmem_shared>>) target_semaphore(%run_scoped3A : memref<!tpu.dma_semaphore, #tpu.memory_space<semaphore_mem>>)
      %dma_wait3A = arith.constant 0 : i32
      %dma_wait3A_17 = tpu.memref_slice %arg8[%mul3A_4, %dma_wait3A] : memref<10240x128xf32, #tpu.memory_space<vmem_shared>> -> memref<640x128xf32, #tpu.memory_space<vmem_shared>>
      %dma_wait3A_18 = arith.constant 0 : i32
      %dma_wait3A_19 = tpu.memref_slice %arg4[%mul3A_2, %dma_wait3A_18] : memref<10240x128xf32, #tpu.memory_space<hbm>> -> memref<640x128xf32, #tpu.memory_space<hbm>>
      tpu.wait_dma2 semaphore(%run_scoped3A : memref<!tpu.dma_semaphore, #tpu.memory_space<semaphore_mem>>) src(%dma_wait3A_19 : memref<640x128xf32, #tpu.memory_space<hbm>>) dst(%dma_wait3A_17 : memref<640x128xf32, #tpu.memory_space<vmem_shared>>)
      tpu.yield
    }) : () -> ()
    "tpu.region"() ({
      %run_scoped3A = tpu.sem_alloc : memref<!tpu.dma_semaphore, #tpu.memory_space<semaphore_mem>>
      %dma_start3A = arith.constant 0 : i32
      %dma_start3A_14 = arith.constant 0 : i32
      %dma_start3A_15 = arith.constant 0 : i32
      %dma_start3A_16 = tpu.memref_slice %arg3[%add3A, %dma_start3A, %dma_start3A_14, %dma_start3A_15] : memref<32x13x1x128xi32, #tpu.memory_space<hbm>> -> memref<1x13x1x128xi32, #tpu.memory_space<hbm>>
      %dma_start3A_17 = tpu.memref_squeeze %dma_start3A_16 : memref<1x13x1x128xi32, #tpu.memory_space<hbm>> -> memref<13x1x128xi32, #tpu.memory_space<hbm>>
      %dma_start3A_18 = arith.constant 0 : i32
      %dma_start3A_19 = arith.constant 0 : i32
      %dma_start3A_20 = arith.constant 0 : i32
      %dma_start3A_21 = tpu.memref_slice %arg3[%add3A, %dma_start3A_18, %dma_start3A_19, %dma_start3A_20] : memref<32x13x1x128xi32, #tpu.memory_space<hbm>> -> memref<1x13x1x128xi32, #tpu.memory_space<hbm>>
      %dma_start3A_22 = tpu.memref_squeeze %dma_start3A_21 : memref<1x13x1x128xi32, #tpu.memory_space<hbm>> -> memref<13x1x128xi32, #tpu.memory_space<hbm>>
      tpu.enqueue_dma source(%dma_start3A_22 : memref<13x1x128xi32, #tpu.memory_space<hbm>>) target(%arg6 : memref<13x1x128xi32, #tpu.memory_space<vmem>>) target_semaphore(%run_scoped3A : memref<!tpu.dma_semaphore, #tpu.memory_space<semaphore_mem>>)
      %dma_wait3A = arith.constant 0 : i32
      %dma_wait3A_23 = arith.constant 0 : i32
      %dma_wait3A_24 = arith.constant 0 : i32
      %dma_wait3A_25 = tpu.memref_slice %arg3[%add3A, %dma_wait3A, %dma_wait3A_23, %dma_wait3A_24] : memref<32x13x1x128xi32, #tpu.memory_space<hbm>> -> memref<1x13x1x128xi32, #tpu.memory_space<hbm>>
      %dma_wait3A_26 = tpu.memref_squeeze %dma_wait3A_25 : memref<1x13x1x128xi32, #tpu.memory_space<hbm>> -> memref<13x1x128xi32, #tpu.memory_space<hbm>>
      %dma_wait3A_27 = arith.constant 0 : i32
      %dma_wait3A_28 = arith.constant 0 : i32
      %dma_wait3A_29 = arith.constant 0 : i32
      %dma_wait3A_30 = tpu.memref_slice %arg3[%add3A, %dma_wait3A_27, %dma_wait3A_28, %dma_wait3A_29] : memref<32x13x1x128xi32, #tpu.memory_space<hbm>> -> memref<1x13x1x128xi32, #tpu.memory_space<hbm>>
      %dma_wait3A_31 = tpu.memref_squeeze %dma_wait3A_30 : memref<1x13x1x128xi32, #tpu.memory_space<hbm>> -> memref<13x1x128xi32, #tpu.memory_space<hbm>>
      tpu.wait_dma2 semaphore(%run_scoped3A : memref<!tpu.dma_semaphore, #tpu.memory_space<semaphore_mem>>) src(%dma_wait3A_31 : memref<13x1x128xi32, #tpu.memory_space<hbm>>) dst(%arg6 : memref<13x1x128xi32, #tpu.memory_space<vmem>>)
      tpu.yield
    }) : () -> ()
    %barrier3A = arith.constant 0 : index
    tpu.barrier barrier_id(%barrier3A)
    %scan3A = arith.constant 0 : i32
    %scan3A_5 = arith.constant 13 : i32
    %scan3A_6 = arith.addi %scan3A, %scan3A_5 : i32
    %scan3A_7 = arith.constant 1 : i32
    scf.for %scan3A_14 = %scan3A to %scan3A_6 step %scan3A_7  : i32 {
      %mul3A_15 = arith.constant 1 : i32
      %mul3A_16 = arith.muli %scan3A_14, %mul3A_15 : i32
      %add3A_17 = arith.constant 0 : i32
      %add3A_18 = arith.addi %add3A_17, %mul3A_16 : i32
      %mul3A_19 = arith.constant 13 : i32
      %mul3A_20 = arith.muli %add3A, %mul3A_19 : i32
      %add3A_21 = arith.addi %mul3A_20, %add3A_18 : i32
      %mul3A_22 = arith.constant 128 : i32
      %mul3A_23 = arith.muli %add3A_21, %mul3A_22 : i32
      %dma_start3A = arith.constant 0 : i32
      %dma_start3A_24 = tpu.memref_slice %arg2[%mul3A_23, %dma_start3A] : memref<53248x128xf32, #tpu.memory_space<hbm>> -> memref<128x128xf32, #tpu.memory_space<hbm>>
      %dma_start3A_25 = arith.constant 0 : i32
      %dma_start3A_26 = tpu.memref_slice %arg2[%mul3A_23, %dma_start3A_25] : memref<53248x128xf32, #tpu.memory_space<hbm>> -> memref<128x128xf32, #tpu.memory_space<hbm>>
      tpu.enqueue_dma source(%dma_start3A_26 : memref<128x128xf32, #tpu.memory_space<hbm>>) target(%arg7 : memref<128x128xf32, #tpu.memory_space<vmem>>) target_semaphore(%arg9 : memref<!tpu.dma_semaphore, #tpu.memory_space<semaphore_mem>>)
      %dma_wait3A = arith.constant 0 : i32
      %dma_wait3A_27 = tpu.memref_slice %arg2[%mul3A_23, %dma_wait3A] : memref<53248x128xf32, #tpu.memory_space<hbm>> -> memref<128x128xf32, #tpu.memory_space<hbm>>
      %dma_wait3A_28 = arith.constant 0 : i32
      %dma_wait3A_29 = tpu.memref_slice %arg2[%mul3A_23, %dma_wait3A_28] : memref<53248x128xf32, #tpu.memory_space<hbm>> -> memref<128x128xf32, #tpu.memory_space<hbm>>
      tpu.wait_dma2 semaphore(%arg9 : memref<!tpu.dma_semaphore, #tpu.memory_space<semaphore_mem>>) src(%dma_wait3A_29 : memref<128x128xf32, #tpu.memory_space<hbm>>) dst(%arg7 : memref<128x128xf32, #tpu.memory_space<vmem>>)
      %run_scoped3A = arith.constant 0 : i32
      "tpu.region"() ({
        %run_scoped3A_30 = tpu.sem_alloc : memref<!tpu.dma_semaphore, #tpu.memory_space<semaphore_mem>>
        %dma_start3A_31 = arith.constant 0 : i32
        %dma_start3A_32 = tpu.memref_slice %arg6[%add3A_18, %run_scoped3A, %dma_start3A_31] : memref<13x1x128xi32, #tpu.memory_space<vmem>> -> memref<1x1x128xi32, #tpu.memory_space<vmem>>
        %dma_start3A_33 = tpu.memref_squeeze %dma_start3A_32 : memref<1x1x128xi32, #tpu.memory_space<vmem>> -> memref<128xi32, #tpu.memory_space<vmem>>
        %dma_start3A_34 = arith.constant 0 : i32
        %dma_start3A_35 = arith.constant 0 : i32
        %dma_start3A_36 = tpu.memref_slice %arg8[%dma_start3A_34, %dma_start3A_35] : memref<10240x128xf32, #tpu.memory_space<vmem_shared>> -> memref<10240x128xf32, #tpu.memory_space<vmem_shared>>
        tpu.enqueue_indirect_dma source(%arg7 : memref<128x128xf32, #tpu.memory_space<vmem>>) target(%dma_start3A_36 : memref<10240x128xf32, #tpu.memory_space<vmem_shared>>) offsets(%dma_start3A_33 : memref<128xi32, #tpu.memory_space<vmem>>) semaphore(%run_scoped3A_30 : memref<!tpu.dma_semaphore, #tpu.memory_space<semaphore_mem>>) {add = true}
        %dma_wait3A_37 = arith.constant 0 : i32
        %dma_wait3A_38 = tpu.memref_slice %arg6[%add3A_18, %run_scoped3A, %dma_wait3A_37] : memref<13x1x128xi32, #tpu.memory_space<vmem>> -> memref<1x1x128xi32, #tpu.memory_space<vmem>>
        %dma_wait3A_39 = tpu.memref_squeeze %dma_wait3A_38 : memref<1x1x128xi32, #tpu.memory_space<vmem>> -> memref<128xi32, #tpu.memory_space<vmem>>
        %dma_wait3A_40 = arith.constant 0 : i32
        %dma_wait3A_41 = arith.constant 0 : i32
        %dma_wait3A_42 = tpu.memref_slice %arg8[%dma_wait3A_40, %dma_wait3A_41] : memref<10240x128xf32, #tpu.memory_space<vmem_shared>> -> memref<10240x128xf32, #tpu.memory_space<vmem_shared>>
        tpu.wait_indirect_dma semaphore(%run_scoped3A_30 : memref<!tpu.dma_semaphore, #tpu.memory_space<semaphore_mem>>) src(%arg7 : memref<128x128xf32, #tpu.memory_space<vmem>>) dst(%dma_wait3A_42 : memref<10240x128xf32, #tpu.memory_space<vmem_shared>>)
        tpu.yield
      }) : () -> ()
    }
    %scan3A_8 = arith.constant 13 : i32
    %barrier3A_9 = arith.constant 0 : index
    tpu.barrier barrier_id(%barrier3A_9)
    %mul3A_10 = arith.constant 640 : i32
    %mul3A_11 = arith.muli %arg1, %mul3A_10 : i32
    %mul3A_12 = arith.constant 640 : i32
    %mul3A_13 = arith.muli %arg1, %mul3A_12 : i32
    "tpu.region"() ({
      %run_scoped3A = tpu.sem_alloc : memref<!tpu.dma_semaphore, #tpu.memory_space<semaphore_mem>>
      %dma_start3A = arith.constant 0 : i32
      %dma_start3A_14 = tpu.memref_slice %arg5[%arg0, %mul3A_13, %dma_start3A] : memref<2x10240x128xf32, #tpu.memory_space<hbm>> -> memref<1x640x128xf32, #tpu.memory_space<hbm>>
      %dma_start3A_15 = tpu.memref_squeeze %dma_start3A_14 : memref<1x640x128xf32, #tpu.memory_space<hbm>> -> memref<640x128xf32, #tpu.memory_space<hbm>>
      %dma_start3A_16 = arith.constant 0 : i32
      %dma_start3A_17 = tpu.memref_slice %arg8[%mul3A_11, %dma_start3A_16] : memref<10240x128xf32, #tpu.memory_space<vmem_shared>> -> memref<640x128xf32, #tpu.memory_space<vmem_shared>>
      tpu.enqueue_dma source(%dma_start3A_17 : memref<640x128xf32, #tpu.memory_space<vmem_shared>>) target(%dma_start3A_15 : memref<640x128xf32, #tpu.memory_space<hbm>>) target_semaphore(%run_scoped3A : memref<!tpu.dma_semaphore, #tpu.memory_space<semaphore_mem>>)
      %dma_wait3A = arith.constant 0 : i32
      %dma_wait3A_18 = tpu.memref_slice %arg5[%arg0, %mul3A_13, %dma_wait3A] : memref<2x10240x128xf32, #tpu.memory_space<hbm>> -> memref<1x640x128xf32, #tpu.memory_space<hbm>>
      %dma_wait3A_19 = tpu.memref_squeeze %dma_wait3A_18 : memref<1x640x128xf32, #tpu.memory_space<hbm>> -> memref<640x128xf32, #tpu.memory_space<hbm>>
      %dma_wait3A_20 = arith.constant 0 : i32
      %dma_wait3A_21 = tpu.memref_slice %arg8[%mul3A_11, %dma_wait3A_20] : memref<10240x128xf32, #tpu.memory_space<vmem_shared>> -> memref<640x128xf32, #tpu.memory_space<vmem_shared>>
      tpu.wait_dma2 semaphore(%run_scoped3A : memref<!tpu.dma_semaphore, #tpu.memory_space<semaphore_mem>>) src(%dma_wait3A_21 : memref<640x128xf32, #tpu.memory_space<vmem_shared>>) dst(%dma_wait3A_19 : memref<640x128xf32, #tpu.memory_space<hbm>>)
      tpu.yield
    }) : () -> ()
    return
  }
}

module attributes {stable_mosaic.version = 14 : i64} {
  func.func @_msg_body(%arg0: i32, %arg1: memref<1024x16xf32, #tpu.memory_space<vmem>>, %arg2: memref<1024x128xf32, #tpu.memory_space<vmem>>, %arg3: memref<16x64xf32, #tpu.memory_space<vmem>>, %arg4: memref<1x64xf32, #tpu.memory_space<vmem>>, %arg5: memref<4096x64xf32, #tpu.memory_space<vmem>>, %arg6: memref<64x64xf32, #tpu.memory_space<vmem>>, %arg7: memref<64x4096xf32, #tpu.memory_space<vmem>>, %arg8: memref<1024x128xf32, #tpu.memory_space<vmem>>) attributes {dimension_semantics = [#tpu.dimension_semantics<arbitrary>], iteration_bounds = array<i64: 52>, scalar_prefetch = 0 : i64, scratch_operands = 0 : i64, tpu.core_type = #tpu.core_type<tc>, window_params = [{transform_indices = @transform_0, window_bounds = array<i64: 1024, 16>}, {transform_indices = @transform_1, window_bounds = array<i64: 1024, 128>}, {pipeline_mode = #tpu.pipeline_mode<synchronous>, transform_indices = @transform_2, window_bounds = array<i64: 16, 64>}, {pipeline_mode = #tpu.pipeline_mode<synchronous>, transform_indices = @transform_3, window_bounds = array<i64: 1, 64>}, {pipeline_mode = #tpu.pipeline_mode<synchronous>, transform_indices = @transform_4, window_bounds = array<i64: 4096, 64>}, {pipeline_mode = #tpu.pipeline_mode<synchronous>, transform_indices = @transform_5, window_bounds = array<i64: 64, 64>}, {pipeline_mode = #tpu.pipeline_mode<synchronous>, transform_indices = @transform_6, window_bounds = array<i64: 64, 4096>}, {transform_indices = @transform_7, window_bounds = array<i64: 1024, 128>}]} {
    %get3A = arith.constant 0 : index
    %get3A_0 = arith.constant 0 : index
    %get3A_1 = vector.load %arg1[%get3A, %get3A_0] : memref<1024x16xf32, #tpu.memory_space<vmem>>, vector<1024x16xf32>
    %get3A_2 = arith.constant 0 : index
    %get3A_3 = arith.constant 0 : index
    %get3A_4 = vector.load %arg3[%get3A_2, %get3A_3] : memref<16x64xf32, #tpu.memory_space<vmem>>, vector<16x64xf32>
    %dot_general3A = arith.constant dense<0.000000e+00> : vector<1024x64xf32>
    %dot_general3A_5 = tpu.matmul %get3A_1, %get3A_4, %dot_general3A {dimension_numbers = #tpu.dot_dimension_numbers<[1], [0], [0], [1], [0, 0, 1, 1], [], []>, transpose_lhs_hint = false} : vector<1024x16xf32>, vector<16x64xf32>, vector<1024x64xf32> -> vector<1024x64xf32>
    %get3A_6 = arith.constant 0 : index
    %get3A_7 = arith.constant 0 : index
    %get3A_8 = vector.load %arg4[%get3A_6, %get3A_7] : memref<1x64xf32, #tpu.memory_space<vmem>>, vector<1x64xf32>
    %add3A = vector.broadcast %get3A_8 : vector<1x64xf32> to vector<1024x64xf32>
    %add3A_9 = arith.addf %dot_general3A_5, %add3A : vector<1024x64xf32>
    %max3A = arith.constant 0.000000e+00 : f32
    %max3A_10 = vector.broadcast %max3A : f32 to vector<1024x64xf32>
    %max3A_11 = arith.maximumf %add3A_9, %max3A_10 : vector<1024x64xf32>
    %get3A_12 = arith.constant 0 : index
    %get3A_13 = arith.constant 0 : index
    %get3A_14 = vector.load %arg2[%get3A_12, %get3A_13] : memref<1024x128xf32, #tpu.memory_space<vmem>>, vector<1024x64xf32>
    %get3A_15 = arith.constant 0 : index
    %get3A_16 = arith.constant 0 : index
    %get3A_17 = vector.load %arg7[%get3A_15, %get3A_16] : memref<64x4096xf32, #tpu.memory_space<vmem>>, vector<64x4096xf32>
    %dot_general3A_18 = arith.constant dense<0.000000e+00> : vector<1024x4096xf32>
    %dot_general3A_19 = tpu.matmul %max3A_11, %get3A_17, %dot_general3A_18 {dimension_numbers = #tpu.dot_dimension_numbers<[1], [0], [0], [1], [0, 0, 1, 1], [], []>, transpose_lhs_hint = false} : vector<1024x64xf32>, vector<64x4096xf32>, vector<1024x4096xf32> -> vector<1024x4096xf32>
    %tile3A = tpu.concatenate %get3A_14, %get3A_14, %get3A_14, %get3A_14, %get3A_14, %get3A_14, %get3A_14, %get3A_14, %get3A_14, %get3A_14, %get3A_14, %get3A_14, %get3A_14, %get3A_14, %get3A_14, %get3A_14, %get3A_14, %get3A_14, %get3A_14, %get3A_14, %get3A_14, %get3A_14, %get3A_14, %get3A_14, %get3A_14, %get3A_14, %get3A_14, %get3A_14, %get3A_14, %get3A_14, %get3A_14, %get3A_14, %get3A_14, %get3A_14, %get3A_14, %get3A_14, %get3A_14, %get3A_14, %get3A_14, %get3A_14, %get3A_14, %get3A_14, %get3A_14, %get3A_14, %get3A_14, %get3A_14, %get3A_14, %get3A_14, %get3A_14, %get3A_14, %get3A_14, %get3A_14, %get3A_14, %get3A_14, %get3A_14, %get3A_14, %get3A_14, %get3A_14, %get3A_14, %get3A_14, %get3A_14, %get3A_14, %get3A_14, %get3A_14 in 1 : vector<1024x64xf32>, vector<1024x64xf32>, vector<1024x64xf32>, vector<1024x64xf32>, vector<1024x64xf32>, vector<1024x64xf32>, vector<1024x64xf32>, vector<1024x64xf32>, vector<1024x64xf32>, vector<1024x64xf32>, vector<1024x64xf32>, vector<1024x64xf32>, vector<1024x64xf32>, vector<1024x64xf32>, vector<1024x64xf32>, vector<1024x64xf32>, vector<1024x64xf32>, vector<1024x64xf32>, vector<1024x64xf32>, vector<1024x64xf32>, vector<1024x64xf32>, vector<1024x64xf32>, vector<1024x64xf32>, vector<1024x64xf32>, vector<1024x64xf32>, vector<1024x64xf32>, vector<1024x64xf32>, vector<1024x64xf32>, vector<1024x64xf32>, vector<1024x64xf32>, vector<1024x64xf32>, vector<1024x64xf32>, vector<1024x64xf32>, vector<1024x64xf32>, vector<1024x64xf32>, vector<1024x64xf32>, vector<1024x64xf32>, vector<1024x64xf32>, vector<1024x64xf32>, vector<1024x64xf32>, vector<1024x64xf32>, vector<1024x64xf32>, vector<1024x64xf32>, vector<1024x64xf32>, vector<1024x64xf32>, vector<1024x64xf32>, vector<1024x64xf32>, vector<1024x64xf32>, vector<1024x64xf32>, vector<1024x64xf32>, vector<1024x64xf32>, vector<1024x64xf32>, vector<1024x64xf32>, vector<1024x64xf32>, vector<1024x64xf32>, vector<1024x64xf32>, vector<1024x64xf32>, vector<1024x64xf32>, vector<1024x64xf32>, vector<1024x64xf32>, vector<1024x64xf32>, vector<1024x64xf32>, vector<1024x64xf32>, vector<1024x64xf32> -> vector<1024x4096xf32>
    %mul3A = arith.mulf %dot_general3A_19, %tile3A : vector<1024x4096xf32>
    %get3A_20 = arith.constant 0 : index
    %get3A_21 = arith.constant 0 : index
    %get3A_22 = vector.load %arg5[%get3A_20, %get3A_21] : memref<4096x64xf32, #tpu.memory_space<vmem>>, vector<4096x64xf32>
    %dot_general3A_23 = arith.constant dense<0.000000e+00> : vector<1024x64xf32>
    %dot_general3A_24 = tpu.matmul %mul3A, %get3A_22, %dot_general3A_23 {dimension_numbers = #tpu.dot_dimension_numbers<[1], [0], [0], [1], [0, 0, 1, 1], [], []>, transpose_lhs_hint = false} : vector<1024x4096xf32>, vector<4096x64xf32>, vector<1024x64xf32> -> vector<1024x64xf32>
    %get3A_25 = arith.constant 0 : index
    %get3A_26 = arith.constant 0 : index
    %get3A_27 = vector.load %arg6[%get3A_25, %get3A_26] : memref<64x64xf32, #tpu.memory_space<vmem>>, vector<64x64xf32>
    %dot_general3A_28 = arith.constant dense<0.000000e+00> : vector<1024x64xf32>
    %dot_general3A_29 = tpu.matmul %get3A_14, %get3A_27, %dot_general3A_28 {dimension_numbers = #tpu.dot_dimension_numbers<[1], [0], [0], [1], [0, 0, 1, 1], [], []>, transpose_lhs_hint = false} : vector<1024x64xf32>, vector<64x64xf32>, vector<1024x64xf32> -> vector<1024x64xf32>
    %add3A_30 = arith.addf %dot_general3A_24, %dot_general3A_29 : vector<1024x64xf32>
    %iota3A = tpu.iota {dimensions = array<i32: 1>} : vector<1024x64xi32>
    %eq3A = arith.constant 0 : i32
    %eq3A_31 = vector.broadcast %eq3A : i32 to vector<1024x64xi32>
    %eq3A_32 = arith.cmpi eq, %iota3A, %eq3A_31 : vector<1024x64xi32>
    %jit3A = arith.constant 1.000000e+00 : f32
    %jit3A_33 = arith.constant 0.000000e+00 : f32
    %broadcast_in_dim3A = vector.broadcast %jit3A : f32 to vector<1024x64xf32>
    %broadcast_in_dim3A_34 = vector.broadcast %jit3A_33 : f32 to vector<1024x64xf32>
    %select_n3A = arith.select %eq3A_32, %broadcast_in_dim3A, %broadcast_in_dim3A_34 : vector<1024x64xi1>, vector<1024x64xf32>
    %concatenate3A = tpu.concatenate %add3A_30, %select_n3A in 1 : vector<1024x64xf32>, vector<1024x64xf32> -> vector<1024x128xf32>
    %swap3A = arith.constant 0 : index
    %swap3A_35 = arith.constant 0 : index
    %swap3A_36 = vector.load %arg8[%swap3A, %swap3A_35] : memref<1024x128xf32, #tpu.memory_space<vmem>>, vector<1024x128xf32>
    tpu.vector_store %arg8[%swap3A, %swap3A_35], %concatenate3A {strides = array<i32>} : memref<1024x128xf32, #tpu.memory_space<vmem>>, vector<1024x128xf32>,
    return
  }
  func.func @transform_0(%arg0: i32) -> (i32, i32) {
    %c0_i32 = arith.constant 0 : i32
    %c0_i32_0 = arith.constant 0 : i32
    return %arg0, %c0_i32 : i32, i32
  }
  func.func @transform_1(%arg0: i32) -> (i32, i32) {
    %c0_i32 = arith.constant 0 : i32
    %c0_i32_0 = arith.constant 0 : i32
    return %arg0, %c0_i32 : i32, i32
  }
  func.func @transform_2(%arg0: i32) -> (i32, i32) {
    %c0_i32 = arith.constant 0 : i32
    %c0_i32_0 = arith.constant 0 : i32
    %c0_i32_1 = arith.constant 0 : i32
    return %c0_i32, %c0_i32_0 : i32, i32
  }
  func.func @transform_3(%arg0: i32) -> (i32, i32) {
    %c0_i32 = arith.constant 0 : i32
    %c0_i32_0 = arith.constant 0 : i32
    %c0_i32_1 = arith.constant 0 : i32
    return %c0_i32, %c0_i32_0 : i32, i32
  }
  func.func @transform_4(%arg0: i32) -> (i32, i32) {
    %c0_i32 = arith.constant 0 : i32
    %c0_i32_0 = arith.constant 0 : i32
    %c0_i32_1 = arith.constant 0 : i32
    return %c0_i32, %c0_i32_0 : i32, i32
  }
  func.func @transform_5(%arg0: i32) -> (i32, i32) {
    %c0_i32 = arith.constant 0 : i32
    %c0_i32_0 = arith.constant 0 : i32
    %c0_i32_1 = arith.constant 0 : i32
    return %c0_i32, %c0_i32_0 : i32, i32
  }
  func.func @transform_6(%arg0: i32) -> (i32, i32) {
    %c0_i32 = arith.constant 0 : i32
    %c0_i32_0 = arith.constant 0 : i32
    %c0_i32_1 = arith.constant 0 : i32
    return %c0_i32, %c0_i32_0 : i32, i32
  }
  func.func @transform_7(%arg0: i32) -> (i32, i32) {
    %c0_i32 = arith.constant 0 : i32
    %c0_i32_0 = arith.constant 0 : i32
    return %arg0, %c0_i32 : i32, i32
  }
}

module attributes {stable_mosaic.version = 14 : i64} {
  func.func @_node_body(%arg0: i32, %arg1: memref<2x2048x128xf32, #tpu.memory_space<vmem>>, %arg2: memref<2x2048x128xf32, #tpu.memory_space<vmem>>, %arg3: memref<2048x128xf32, #tpu.memory_space<vmem>>, %arg4: memref<64x64xf32, #tpu.memory_space<vmem>>, %arg5: memref<1x64xf32, #tpu.memory_space<vmem>>, %arg6: memref<2048x128xf32, #tpu.memory_space<vmem>>) attributes {dimension_semantics = [#tpu.dimension_semantics<arbitrary>], iteration_bounds = array<i64: 5>, scalar_prefetch = 0 : i64, scratch_operands = 0 : i64, tpu.core_type = #tpu.core_type<tc>, window_params = [{transform_indices = @transform_0, window_bounds = array<i64: 2, 2048, 128>}, {transform_indices = @transform_1, window_bounds = array<i64: 2, 2048, 128>}, {transform_indices = @transform_2, window_bounds = array<i64: 2048, 128>}, {pipeline_mode = #tpu.pipeline_mode<synchronous>, transform_indices = @transform_3, window_bounds = array<i64: 64, 64>}, {pipeline_mode = #tpu.pipeline_mode<synchronous>, transform_indices = @transform_4, window_bounds = array<i64: 1, 64>}, {transform_indices = @transform_5, window_bounds = array<i64: 2048, 128>}]} {
    %get3A = arith.constant 0 : index
    %get3A_0 = arith.constant 0 : index
    %get3A_1 = arith.constant 0 : index
    %get3A_2 = vector.load %arg1[%get3A, %get3A_0, %get3A_1] : memref<2x2048x128xf32, #tpu.memory_space<vmem>>, vector<1x2048x64xf32>
    %get3A_3 = vector.shape_cast %get3A_2 : vector<1x2048x64xf32> to vector<2048x64xf32>
    %get3A_4 = arith.constant 1 : index
    %get3A_5 = arith.constant 0 : index
    %get3A_6 = arith.constant 0 : index
    %get3A_7 = vector.load %arg1[%get3A_4, %get3A_5, %get3A_6] : memref<2x2048x128xf32, #tpu.memory_space<vmem>>, vector<1x2048x64xf32>
    %get3A_8 = vector.shape_cast %get3A_7 : vector<1x2048x64xf32> to vector<2048x64xf32>
    %add3A = arith.addf %get3A_3, %get3A_8 : vector<2048x64xf32>
    %get3A_9 = arith.constant 0 : index
    %get3A_10 = arith.constant 0 : index
    %get3A_11 = arith.constant 0 : index
    %get3A_12 = vector.load %arg2[%get3A_9, %get3A_10, %get3A_11] : memref<2x2048x128xf32, #tpu.memory_space<vmem>>, vector<1x2048x64xf32>
    %get3A_13 = vector.shape_cast %get3A_12 : vector<1x2048x64xf32> to vector<2048x64xf32>
    %add3A_14 = arith.addf %add3A, %get3A_13 : vector<2048x64xf32>
    %get3A_15 = arith.constant 1 : index
    %get3A_16 = arith.constant 0 : index
    %get3A_17 = arith.constant 0 : index
    %get3A_18 = vector.load %arg2[%get3A_15, %get3A_16, %get3A_17] : memref<2x2048x128xf32, #tpu.memory_space<vmem>>, vector<1x2048x64xf32>
    %get3A_19 = vector.shape_cast %get3A_18 : vector<1x2048x64xf32> to vector<2048x64xf32>
    %add3A_20 = arith.addf %add3A_14, %get3A_19 : vector<2048x64xf32>
    %get3A_21 = arith.constant 0 : index
    %get3A_22 = arith.constant 0 : index
    %get3A_23 = arith.constant 64 : index
    %get3A_24 = vector.load %arg1[%get3A_21, %get3A_22, %get3A_23] : memref<2x2048x128xf32, #tpu.memory_space<vmem>>, vector<1x2048x1xf32>
    %get3A_25 = vector.shape_cast %get3A_24 : vector<1x2048x1xf32> to vector<2048x1xf32>
    %get3A_26 = arith.constant 1 : index
    %get3A_27 = arith.constant 0 : index
    %get3A_28 = arith.constant 64 : index
    %get3A_29 = vector.load %arg1[%get3A_26, %get3A_27, %get3A_28] : memref<2x2048x128xf32, #tpu.memory_space<vmem>>, vector<1x2048x1xf32>
    %get3A_30 = vector.shape_cast %get3A_29 : vector<1x2048x1xf32> to vector<2048x1xf32>
    %add3A_31 = arith.addf %get3A_25, %get3A_30 : vector<2048x1xf32>
    %get3A_32 = arith.constant 0 : index
    %get3A_33 = arith.constant 0 : index
    %get3A_34 = arith.constant 64 : index
    %get3A_35 = vector.load %arg2[%get3A_32, %get3A_33, %get3A_34] : memref<2x2048x128xf32, #tpu.memory_space<vmem>>, vector<1x2048x1xf32>
    %get3A_36 = vector.shape_cast %get3A_35 : vector<1x2048x1xf32> to vector<2048x1xf32>
    %add3A_37 = arith.addf %add3A_31, %get3A_36 : vector<2048x1xf32>
    %get3A_38 = arith.constant 1 : index
    %get3A_39 = arith.constant 0 : index
    %get3A_40 = arith.constant 64 : index
    %get3A_41 = vector.load %arg2[%get3A_38, %get3A_39, %get3A_40] : memref<2x2048x128xf32, #tpu.memory_space<vmem>>, vector<1x2048x1xf32>
    %get3A_42 = vector.shape_cast %get3A_41 : vector<1x2048x1xf32> to vector<2048x1xf32>
    %add3A_43 = arith.addf %add3A_37, %get3A_42 : vector<2048x1xf32>
    %max3A = arith.constant 1.000000e+00 : f32
    %max3A_44 = vector.broadcast %max3A : f32 to vector<2048x1xf32>
    %max3A_45 = arith.maximumf %add3A_43, %max3A_44 : vector<2048x1xf32>
    %div3A = vector.broadcast %max3A_45 : vector<2048x1xf32> to vector<2048x64xf32>
    %div3A_46 = arith.divf %add3A_20, %div3A : vector<2048x64xf32>
    %get3A_47 = arith.constant 0 : index
    %get3A_48 = arith.constant 0 : index
    %get3A_49 = vector.load %arg3[%get3A_47, %get3A_48] : memref<2048x128xf32, #tpu.memory_space<vmem>>, vector<2048x64xf32>
    %get3A_50 = arith.constant 0 : index
    %get3A_51 = arith.constant 0 : index
    %get3A_52 = vector.load %arg4[%get3A_50, %get3A_51] : memref<64x64xf32, #tpu.memory_space<vmem>>, vector<64x64xf32>
    %dot_general3A = arith.constant dense<0.000000e+00> : vector<2048x64xf32>
    %dot_general3A_53 = tpu.matmul %get3A_49, %get3A_52, %dot_general3A {dimension_numbers = #tpu.dot_dimension_numbers<[1], [0], [0], [1], [0, 0, 1, 1], [], []>, transpose_lhs_hint = false} : vector<2048x64xf32>, vector<64x64xf32>, vector<2048x64xf32> -> vector<2048x64xf32>
    %add3A_54 = arith.addf %div3A_46, %dot_general3A_53 : vector<2048x64xf32>
    %get3A_55 = arith.constant 0 : index
    %get3A_56 = arith.constant 0 : index
    %get3A_57 = vector.load %arg5[%get3A_55, %get3A_56] : memref<1x64xf32, #tpu.memory_space<vmem>>, vector<1x64xf32>
    %add3A_58 = vector.broadcast %get3A_57 : vector<1x64xf32> to vector<2048x64xf32>
    %add3A_59 = arith.addf %add3A_54, %add3A_58 : vector<2048x64xf32>
    %max3A_60 = arith.constant 0.000000e+00 : f32
    %max3A_61 = vector.broadcast %max3A_60 : f32 to vector<2048x64xf32>
    %max3A_62 = arith.maximumf %add3A_59, %max3A_61 : vector<2048x64xf32>
    %broadcast_in_dim3A = arith.constant 0.000000e+00 : f32
    %broadcast_in_dim3A_63 = vector.broadcast %broadcast_in_dim3A : f32 to vector<2048x63xf32>
    %concatenate3A = tpu.concatenate %add3A_43, %broadcast_in_dim3A_63 in 1 : vector<2048x1xf32>, vector<2048x63xf32> -> vector<2048x64xf32>
    %concatenate3A_64 = tpu.concatenate %max3A_62, %concatenate3A in 1 : vector<2048x64xf32>, vector<2048x64xf32> -> vector<2048x128xf32>
    %swap3A = arith.constant 0 : index
    %swap3A_65 = arith.constant 0 : index
    %swap3A_66 = vector.load %arg6[%swap3A, %swap3A_65] : memref<2048x128xf32, #tpu.memory_space<vmem>>, vector<2048x128xf32>
    tpu.vector_store %arg6[%swap3A, %swap3A_65], %concatenate3A_64 {strides = array<i32>} : memref<2048x128xf32, #tpu.memory_space<vmem>>, vector<2048x128xf32>,
    return
  }
  func.func @transform_0(%arg0: i32) -> (i32, i32, i32) {
    %c0_i32 = arith.constant 0 : i32
    %c0_i32_0 = arith.constant 0 : i32
    %c0_i32_1 = arith.constant 0 : i32
    return %c0_i32, %arg0, %c0_i32_0 : i32, i32, i32
  }
  func.func @transform_1(%arg0: i32) -> (i32, i32, i32) {
    %c0_i32 = arith.constant 0 : i32
    %c0_i32_0 = arith.constant 0 : i32
    %c0_i32_1 = arith.constant 0 : i32
    return %c0_i32, %arg0, %c0_i32_0 : i32, i32, i32
  }
  func.func @transform_2(%arg0: i32) -> (i32, i32) {
    %c0_i32 = arith.constant 0 : i32
    %c0_i32_0 = arith.constant 0 : i32
    return %arg0, %c0_i32 : i32, i32
  }
  func.func @transform_3(%arg0: i32) -> (i32, i32) {
    %c0_i32 = arith.constant 0 : i32
    %c0_i32_0 = arith.constant 0 : i32
    %c0_i32_1 = arith.constant 0 : i32
    return %c0_i32, %c0_i32_0 : i32, i32
  }
  func.func @transform_4(%arg0: i32) -> (i32, i32) {
    %c0_i32 = arith.constant 0 : i32
    %c0_i32_0 = arith.constant 0 : i32
    %c0_i32_1 = arith.constant 0 : i32
    return %c0_i32, %c0_i32_0 : i32, i32
  }
  func.func @transform_5(%arg0: i32) -> (i32, i32) {
    %c0_i32 = arith.constant 0 : i32
    %c0_i32_0 = arith.constant 0 : i32
    return %arg0, %c0_i32 : i32, i32
  }
}

module attributes {stable_mosaic.version = 14 : i64} {
  func.func @_final_body(%arg0: i32, %arg1: memref<2x2048x128xf32, #tpu.memory_space<vmem>>, %arg2: memref<2x2048x128xf32, #tpu.memory_space<vmem>>, %arg3: memref<2048x128xf32, #tpu.memory_space<vmem>>, %arg4: memref<64x64xf32, #tpu.memory_space<vmem>>, %arg5: memref<1x64xf32, #tpu.memory_space<vmem>>, %arg6: memref<1x2048xi32, #tpu.memory_space<vmem>>, %arg7: memref<64x64xf32, #tpu.memory_space<vmem>>, %arg8: memref<1x64xf32, #tpu.memory_space<vmem>>, %arg9: memref<64x2xf32, #tpu.memory_space<vmem>>, %arg10: memref<1x2xf32, #tpu.memory_space<vmem>>, %arg11: memref<32x2xf32, #tpu.memory_space<vmem>>, %arg12: memref<32x64xf32, #tpu.memory_space<vmem>>, %arg13: memref<32x1xf32, #tpu.memory_space<vmem>>) attributes {dimension_semantics = [#tpu.dimension_semantics<arbitrary>], iteration_bounds = array<i64: 5>, scalar_prefetch = 0 : i64, scratch_operands = 2 : i64, tpu.core_type = #tpu.core_type<tc>, window_params = [{transform_indices = @transform_0, window_bounds = array<i64: 2, 2048, 128>}, {transform_indices = @transform_1, window_bounds = array<i64: 2, 2048, 128>}, {transform_indices = @transform_2, window_bounds = array<i64: 2048, 128>}, {pipeline_mode = #tpu.pipeline_mode<synchronous>, transform_indices = @transform_3, window_bounds = array<i64: 64, 64>}, {pipeline_mode = #tpu.pipeline_mode<synchronous>, transform_indices = @transform_4, window_bounds = array<i64: 1, 64>}, {transform_indices = @transform_5, window_bounds = array<i64: 1, 2048>}, {pipeline_mode = #tpu.pipeline_mode<synchronous>, transform_indices = @transform_6, window_bounds = array<i64: 64, 64>}, {pipeline_mode = #tpu.pipeline_mode<synchronous>, transform_indices = @transform_7, window_bounds = array<i64: 1, 64>}, {pipeline_mode = #tpu.pipeline_mode<synchronous>, transform_indices = @transform_8, window_bounds = array<i64: 64, 2>}, {pipeline_mode = #tpu.pipeline_mode<synchronous>, transform_indices = @transform_9, window_bounds = array<i64: 1, 2>}, {pipeline_mode = #tpu.pipeline_mode<synchronous>, transform_indices = @transform_10, window_bounds = array<i64: 32, 2>}]} {
    %get3A = arith.constant 0 : index
    %get3A_0 = arith.constant 0 : index
    %get3A_1 = arith.constant 0 : index
    %get3A_2 = vector.load %arg1[%get3A, %get3A_0, %get3A_1] : memref<2x2048x128xf32, #tpu.memory_space<vmem>>, vector<1x2048x64xf32>
    %get3A_3 = vector.shape_cast %get3A_2 : vector<1x2048x64xf32> to vector<2048x64xf32>
    %get3A_4 = arith.constant 1 : index
    %get3A_5 = arith.constant 0 : index
    %get3A_6 = arith.constant 0 : index
    %get3A_7 = vector.load %arg1[%get3A_4, %get3A_5, %get3A_6] : memref<2x2048x128xf32, #tpu.memory_space<vmem>>, vector<1x2048x64xf32>
    %get3A_8 = vector.shape_cast %get3A_7 : vector<1x2048x64xf32> to vector<2048x64xf32>
    %add3A = arith.addf %get3A_3, %get3A_8 : vector<2048x64xf32>
    %get3A_9 = arith.constant 0 : index
    %get3A_10 = arith.constant 0 : index
    %get3A_11 = arith.constant 0 : index
    %get3A_12 = vector.load %arg2[%get3A_9, %get3A_10, %get3A_11] : memref<2x2048x128xf32, #tpu.memory_space<vmem>>, vector<1x2048x64xf32>
    %get3A_13 = vector.shape_cast %get3A_12 : vector<1x2048x64xf32> to vector<2048x64xf32>
    %add3A_14 = arith.addf %add3A, %get3A_13 : vector<2048x64xf32>
    %get3A_15 = arith.constant 1 : index
    %get3A_16 = arith.constant 0 : index
    %get3A_17 = arith.constant 0 : index
    %get3A_18 = vector.load %arg2[%get3A_15, %get3A_16, %get3A_17] : memref<2x2048x128xf32, #tpu.memory_space<vmem>>, vector<1x2048x64xf32>
    %get3A_19 = vector.shape_cast %get3A_18 : vector<1x2048x64xf32> to vector<2048x64xf32>
    %add3A_20 = arith.addf %add3A_14, %get3A_19 : vector<2048x64xf32>
    %get3A_21 = arith.constant 0 : index
    %get3A_22 = arith.constant 64 : index
    %get3A_23 = vector.load %arg3[%get3A_21, %get3A_22] : memref<2048x128xf32, #tpu.memory_space<vmem>>, vector<2048x1xf32>
    %max3A = arith.constant 1.000000e+00 : f32
    %max3A_24 = vector.broadcast %max3A : f32 to vector<2048x1xf32>
    %max3A_25 = arith.maximumf %get3A_23, %max3A_24 : vector<2048x1xf32>
    %div3A = vector.broadcast %max3A_25 : vector<2048x1xf32> to vector<2048x64xf32>
    %div3A_26 = arith.divf %add3A_20, %div3A : vector<2048x64xf32>
    %get3A_27 = arith.constant 0 : index
    %get3A_28 = arith.constant 0 : index
    %get3A_29 = vector.load %arg3[%get3A_27, %get3A_28] : memref<2048x128xf32, #tpu.memory_space<vmem>>, vector<2048x64xf32>
    %get3A_30 = arith.constant 0 : index
    %get3A_31 = arith.constant 0 : index
    %get3A_32 = vector.load %arg4[%get3A_30, %get3A_31] : memref<64x64xf32, #tpu.memory_space<vmem>>, vector<64x64xf32>
    %dot_general3A = arith.constant dense<0.000000e+00> : vector<2048x64xf32>
    %dot_general3A_33 = tpu.matmul %get3A_29, %get3A_32, %dot_general3A {dimension_numbers = #tpu.dot_dimension_numbers<[1], [0], [0], [1], [0, 0, 1, 1], [], []>, transpose_lhs_hint = false} : vector<2048x64xf32>, vector<64x64xf32>, vector<2048x64xf32> -> vector<2048x64xf32>
    %add3A_34 = arith.addf %div3A_26, %dot_general3A_33 : vector<2048x64xf32>
    %get3A_35 = arith.constant 0 : index
    %get3A_36 = arith.constant 0 : index
    %get3A_37 = vector.load %arg5[%get3A_35, %get3A_36] : memref<1x64xf32, #tpu.memory_space<vmem>>, vector<1x64xf32>
    %add3A_38 = vector.broadcast %get3A_37 : vector<1x64xf32> to vector<2048x64xf32>
    %add3A_39 = arith.addf %add3A_34, %add3A_38 : vector<2048x64xf32>
    %max3A_40 = arith.constant 0.000000e+00 : f32
    %max3A_41 = vector.broadcast %max3A_40 : f32 to vector<2048x64xf32>
    %max3A_42 = arith.maximumf %add3A_39, %max3A_41 : vector<2048x64xf32>
    %get3A_43 = arith.constant 0 : index
    %get3A_44 = arith.constant 0 : index
    %get3A_45 = vector.load %arg6[%get3A_43, %get3A_44] : memref<1x2048xi32, #tpu.memory_space<vmem>>, vector<1x2048xi32>
    %iota3A = tpu.iota {dimensions = array<i32: 0>} : vector<32x2048xi32>
    %eq3A = vector.broadcast %get3A_45 : vector<1x2048xi32> to vector<32x2048xi32>
    %eq3A_46 = arith.cmpi eq, %iota3A, %eq3A : vector<32x2048xi32>
    %convert_element_type3A = arith.extui %eq3A_46 : vector<32x2048xi1> to vector<32x2048xi32>
    %convert_element_type3A_47 = arith.sitofp %convert_element_type3A : vector<32x2048xi32> to vector<32x2048xf32>
    %eq3A_48 = arith.constant 0 : i32
    %eq3A_49 = arith.cmpi eq, %arg0, %eq3A_48 : i32
    %convert_element_type3A_50 = arith.extui %eq3A_49 : i1 to i32
    %cond3A = arith.constant 0 : i32
    %cond3A_51 = arith.cmpi ne, %convert_element_type3A_50, %cond3A : i32
    scf.if %cond3A_51 {
      %broadcast_in_dim3A_73 = arith.constant 0.000000e+00 : f32
      %broadcast_in_dim3A_74 = vector.broadcast %broadcast_in_dim3A_73 : f32 to vector<32x64xf32>
      %swap3A_75 = arith.constant 0 : index
      %swap3A_76 = arith.constant 0 : index
      %swap3A_77 = vector.load %arg12[%swap3A_75, %swap3A_76] : memref<32x64xf32, #tpu.memory_space<vmem>>, vector<32x64xf32>
      tpu.vector_store %arg12[%swap3A_75, %swap3A_76], %broadcast_in_dim3A_74 {strides = array<i32>} : memref<32x64xf32, #tpu.memory_space<vmem>>, vector<32x64xf32>,
      %broadcast_in_dim3A_78 = arith.constant 0.000000e+00 : f32
      %broadcast_in_dim3A_79 = vector.broadcast %broadcast_in_dim3A_78 : f32 to vector<32x1xf32>
      %swap3A_80 = arith.constant 0 : index
      %swap3A_81 = arith.constant 0 : index
      %swap3A_82 = vector.load %arg13[%swap3A_80, %swap3A_81] : memref<32x1xf32, #tpu.memory_space<vmem>>, vector<32x1xf32>
      tpu.vector_store %arg13[%swap3A_80, %swap3A_81], %broadcast_in_dim3A_79 {strides = array<i32>} : memref<32x1xf32, #tpu.memory_space<vmem>>, vector<32x1xf32>,
    } else {
    }
    %get3A_52 = arith.constant 0 : index
    %get3A_53 = arith.constant 0 : index
    %get3A_54 = vector.load %arg12[%get3A_52, %get3A_53] : memref<32x64xf32, #tpu.memory_space<vmem>>, vector<32x64xf32>
    %dot_general3A_55 = arith.constant dense<0.000000e+00> : vector<32x64xf32>
    %dot_general3A_56 = tpu.matmul %convert_element_type3A_47, %max3A_42, %dot_general3A_55 {dimension_numbers = #tpu.dot_dimension_numbers<[1], [0], [0], [1], [0, 0, 1, 1], [], []>, precision = #tpu.contract_precision<fp32>, transpose_lhs_hint = false} : vector<32x2048xf32>, vector<2048x64xf32>, vector<32x64xf32> -> vector<32x64xf32>
    %add3A_57 = arith.addf %get3A_54, %dot_general3A_56 : vector<32x64xf32>
    %swap3A = arith.constant 0 : index
    %swap3A_58 = arith.constant 0 : index
    %swap3A_59 = vector.load %arg12[%swap3A, %swap3A_58] : memref<32x64xf32, #tpu.memory_space<vmem>>, vector<32x64xf32>
    tpu.vector_store %arg12[%swap3A, %swap3A_58], %add3A_57 {strides = array<i32>} : memref<32x64xf32, #tpu.memory_space<vmem>>, vector<32x64xf32>,
    %get3A_60 = arith.constant 0 : index
    %get3A_61 = arith.constant 0 : index
    %get3A_62 = vector.load %arg13[%get3A_60, %get3A_61] : memref<32x1xf32, #tpu.memory_space<vmem>>, vector<32x1xf32>
    %reduce_sum3A = arith.constant dense<0.000000e+00> : vector<32xf32>
    %reduce_sum3A_63 = vector.multi_reduction <add>, %convert_element_type3A_47, %reduce_sum3A [1] : vector<32x2048xf32> to vector<32xf32>
    %broadcast_in_dim3A = vector.shape_cast %reduce_sum3A_63 : vector<32xf32> to vector<32x1xf32>
    %add3A_64 = arith.addf %get3A_62, %broadcast_in_dim3A : vector<32x1xf32>
    %swap3A_65 = arith.constant 0 : index
    %swap3A_66 = arith.constant 0 : index
    %swap3A_67 = vector.load %arg13[%swap3A_65, %swap3A_66] : memref<32x1xf32, #tpu.memory_space<vmem>>, vector<32x1xf32>
    tpu.vector_store %arg13[%swap3A_65, %swap3A_66], %add3A_64 {strides = array<i32>} : memref<32x1xf32, #tpu.memory_space<vmem>>, vector<32x1xf32>,
    %eq3A_68 = arith.constant 4 : i32
    %eq3A_69 = arith.cmpi eq, %arg0, %eq3A_68 : i32
    %convert_element_type3A_70 = arith.extui %eq3A_69 : i1 to i32
    %cond3A_71 = arith.constant 0 : i32
    %cond3A_72 = arith.cmpi ne, %convert_element_type3A_70, %cond3A_71 : i32
    scf.if %cond3A_72 {
      %get3A_73 = arith.constant 0 : index
      %get3A_74 = arith.constant 0 : index
      %get3A_75 = vector.load %arg12[%get3A_73, %get3A_74] : memref<32x64xf32, #tpu.memory_space<vmem>>, vector<32x64xf32>
      %get3A_76 = arith.constant 0 : index
      %get3A_77 = arith.constant 0 : index
      %get3A_78 = vector.load %arg13[%get3A_76, %get3A_77] : memref<32x1xf32, #tpu.memory_space<vmem>>, vector<32x1xf32>
      %max3A_79 = arith.constant 1.000000e+00 : f32
      %max3A_80 = vector.broadcast %max3A_79 : f32 to vector<32x1xf32>
      %max3A_81 = arith.maximumf %get3A_78, %max3A_80 : vector<32x1xf32>
      %div3A_82 = vector.broadcast %max3A_81 : vector<32x1xf32> to vector<32x64xf32>
      %div3A_83 = arith.divf %get3A_75, %div3A_82 : vector<32x64xf32>
      %get3A_84 = arith.constant 0 : index
      %get3A_85 = arith.constant 0 : index
      %get3A_86 = vector.load %arg7[%get3A_84, %get3A_85] : memref<64x64xf32, #tpu.memory_space<vmem>>, vector<64x64xf32>
      %dot_general3A_87 = arith.constant dense<0.000000e+00> : vector<32x64xf32>
      %dot_general3A_88 = tpu.matmul %div3A_83, %get3A_86, %dot_general3A_87 {dimension_numbers = #tpu.dot_dimension_numbers<[1], [0], [0], [1], [0, 0, 1, 1], [], []>, transpose_lhs_hint = false} : vector<32x64xf32>, vector<64x64xf32>, vector<32x64xf32> -> vector<32x64xf32>
      %get3A_89 = arith.constant 0 : index
      %get3A_90 = arith.constant 0 : index
      %get3A_91 = vector.load %arg8[%get3A_89, %get3A_90] : memref<1x64xf32, #tpu.memory_space<vmem>>, vector<1x64xf32>
      %add3A_92 = vector.broadcast %get3A_91 : vector<1x64xf32> to vector<32x64xf32>
      %add3A_93 = arith.addf %dot_general3A_88, %add3A_92 : vector<32x64xf32>
      %max3A_94 = arith.constant 0.000000e+00 : f32
      %max3A_95 = vector.broadcast %max3A_94 : f32 to vector<32x64xf32>
      %max3A_96 = arith.maximumf %add3A_93, %max3A_95 : vector<32x64xf32>
      %get3A_97 = arith.constant 0 : index
      %get3A_98 = arith.constant 0 : index
      %get3A_99 = vector.load %arg9[%get3A_97, %get3A_98] : memref<64x2xf32, #tpu.memory_space<vmem>>, vector<64x2xf32>
      %dot_general3A_100 = arith.constant dense<0.000000e+00> : vector<32x2xf32>
      %dot_general3A_101 = tpu.matmul %max3A_96, %get3A_99, %dot_general3A_100 {dimension_numbers = #tpu.dot_dimension_numbers<[1], [0], [0], [1], [0, 0, 1, 1], [], []>, transpose_lhs_hint = false} : vector<32x64xf32>, vector<64x2xf32>, vector<32x2xf32> -> vector<32x2xf32>
      %get3A_102 = arith.constant 0 : index
      %get3A_103 = arith.constant 0 : index
      %get3A_104 = vector.load %arg10[%get3A_102, %get3A_103] : memref<1x2xf32, #tpu.memory_space<vmem>>, vector<1x2xf32>
      %add3A_105 = vector.broadcast %get3A_104 : vector<1x2xf32> to vector<32x2xf32>
      %add3A_106 = arith.addf %dot_general3A_101, %add3A_105 : vector<32x2xf32>
      %swap3A_107 = arith.constant 0 : index
      %swap3A_108 = arith.constant 0 : index
      %swap3A_109 = vector.load %arg11[%swap3A_107, %swap3A_108] : memref<32x2xf32, #tpu.memory_space<vmem>>, vector<32x2xf32>
      tpu.vector_store %arg11[%swap3A_107, %swap3A_108], %add3A_106 {strides = array<i32>} : memref<32x2xf32, #tpu.memory_space<vmem>>, vector<32x2xf32>,
    } else {
    }
    return
  }
  func.func @transform_0(%arg0: i32) -> (i32, i32, i32) {
    %c0_i32 = arith.constant 0 : i32
    %c0_i32_0 = arith.constant 0 : i32
    %c0_i32_1 = arith.constant 0 : i32
    return %c0_i32, %arg0, %c0_i32_0 : i32, i32, i32
  }
  func.func @transform_1(%arg0: i32) -> (i32, i32, i32) {
    %c0_i32 = arith.constant 0 : i32
    %c0_i32_0 = arith.constant 0 : i32
    %c0_i32_1 = arith.constant 0 : i32
    return %c0_i32, %arg0, %c0_i32_0 : i32, i32, i32
  }
  func.func @transform_2(%arg0: i32) -> (i32, i32) {
    %c0_i32 = arith.constant 0 : i32
    %c0_i32_0 = arith.constant 0 : i32
    return %arg0, %c0_i32 : i32, i32
  }
  func.func @transform_3(%arg0: i32) -> (i32, i32) {
    %c0_i32 = arith.constant 0 : i32
    %c0_i32_0 = arith.constant 0 : i32
    %c0_i32_1 = arith.constant 0 : i32
    return %c0_i32, %c0_i32_0 : i32, i32
  }
  func.func @transform_4(%arg0: i32) -> (i32, i32) {
    %c0_i32 = arith.constant 0 : i32
    %c0_i32_0 = arith.constant 0 : i32
    %c0_i32_1 = arith.constant 0 : i32
    return %c0_i32, %c0_i32_0 : i32, i32
  }
  func.func @transform_5(%arg0: i32) -> (i32, i32) {
    %c0_i32 = arith.constant 0 : i32
    %c0_i32_0 = arith.constant 0 : i32
    return %c0_i32, %arg0 : i32, i32
  }
  func.func @transform_6(%arg0: i32) -> (i32, i32) {
    %c0_i32 = arith.constant 0 : i32
    %c0_i32_0 = arith.constant 0 : i32
    %c0_i32_1 = arith.constant 0 : i32
    return %c0_i32, %c0_i32_0 : i32, i32
  }
  func.func @transform_7(%arg0: i32) -> (i32, i32) {
    %c0_i32 = arith.constant 0 : i32
    %c0_i32_0 = arith.constant 0 : i32
    %c0_i32_1 = arith.constant 0 : i32
    return %c0_i32, %c0_i32_0 : i32, i32
  }
  func.func @transform_8(%arg0: i32) -> (i32, i32) {
    %c0_i32 = arith.constant 0 : i32
    %c0_i32_0 = arith.constant 0 : i32
    %c0_i32_1 = arith.constant 0 : i32
    return %c0_i32, %c0_i32_0 : i32, i32
  }
  func.func @transform_9(%arg0: i32) -> (i32, i32) {
    %c0_i32 = arith.constant 0 : i32
    %c0_i32_0 = arith.constant 0 : i32
    %c0_i32_1 = arith.constant 0 : i32
    return %c0_i32, %c0_i32_0 : i32, i32
  }
  func.func @transform_10(%arg0: i32) -> (i32, i32) {
    %c0_i32 = arith.constant 0 : i32
    %c0_i32_0 = arith.constant 0 : i32
    %c0_i32_1 = arith.constant 0 : i32
    return %c0_i32, %c0_i32_0 : i32, i32
  }
}

</mosaic_0001>

<sc_bundles>
// kernel: kernel.16.cloned.1.call-start
scs
__scs_entry_jumppad:
0x0: {  	(pc) =	sbr.rel $0x88, $3  }
0x1: {  	(tag) =	ssettag $0x0;
	lr =	simm.s32 $0x1  }
0x2: {  	[smem:$0x3F91] =	sst lr;
	_ =	strace $0xD0000000  }
0x3: {  	_ = 	snop  }
0x4: {  	_ = 	snop  }
0x5: {  	_ = 	snop  }
0x6: {  	_ = 	snop  }
0x7: {  	_ = 	snop  }
__scs_overlays_trampoline_lowered:
0x8: {  	[smem:$0x3FA0] =	sst s0  }
0x9: {  	[smem:$0x3FA1] =	sst s1  }
0xa: {  	[smem:$0x3FA2] =	sst s2  }
0xb: {  	[smem:$0x3FA3] =	sst s3  }
0xc: {  	[smem:$0x3FA4] =	sst s4  }
0xd: {  	[smem:$0x3FA5] =	sst s5  }
0xe: {  	[smem:$0x3FA6] =	sst s6  }
0xf: {  	[smem:$0x3FA7] =	sst s7  }
0x10: {  	[smem:$0x3FA8] =	sst s8  }
0x11: {  	[smem:$0x3FA9] =	sst s9;
	s0 =	simm.s32 @!p0 $0x0  }
0x12: {  	s1 =	sld [smem:$0x3F8F];
	s0 =	simm.s32 @p0 $0x1  }
0x13: {  	[smem:$0x3FAA] =	sst s0;
	s0 =	simm.s32 @!p1 $0x0  }
0x14: {  	s2 =	sld [smem:$0x3F8E];
	s0 =	simm.s32 @p1 $0x1  }
0x15: {  	[smem:$0x3FAB] =	sst s0;
	s0 =	simm.s32 @!p2 $0x0  }
0x16: {  	s3 =	sld [smem:$0x3FDB];
	s0 =	simm.s32 @p2 $0x1  }
0x17: {  	s4 =	simm.s32 $0x1BF5;
	[smem:$0x3FAD] =	sst s0  }
0x18: {  	s0 =	sld [smem:$0x3F90];
	_ =	swait.ge [sflag:s4], $0x0  }
0x19: {  	s7 =	sld [smem:$0x3F91]  }
0x1a: {  	s8 =	sadd.s32 $0xFFFFE003, lr  }
0x1b: {  	s9 =	sadd.s32 $0xFFFFFEF7, lr;
	s5 =	simm.s32 $0xFFFFFFFF;
	p2 =	slt.u32 s8, $0xFFFFF086  }
0x1c: {  	p1 =	slt.u32 s9, $0xF7A;
	s5 =	simm.s32 @!p2 $0x0  }
0x1d: {  	s5 =	simm.s32 @p1 $0x1;
	p0 =	seq.s32 s7, s2  }
0x1e: {  	s7 =	smul.u32 @!p0 $0xF7A, s2;
	p2 =	seq.s32 @!p0 s5, $0x0  }
0x1f: {  	s9 =	smul.u32 $0xF7A, s1;
	s8 =	simm.s32 @!p0 $0x1BF5;
	p2 =	por !p2, p0  }
0x20: {  	[sflag:s8] =	ssyncset.s32 @!p0 $0xFFFFF086;
	s6 =	sadd.s32 @!p0 s3, s7;
	s7 =	simm.s32 @!p0 $0x108  }
0x21: {  	s3 =	sadd.s32 s3, s9;
	s6 =	sadd.s32 @!p0 $0x88, s6;
	s7 =	simm.s32 @p2 $0x1082  }
0x22: {  	[simem:s7], [sflag:s8] =	dma.local @!p0 [hbm:s6], $0xF7A  }
0x23: {  	s9 =	sor.u32 $0xD0000000, s2;
	s6 =	simm.s32 $0x108;
	_ =	swait.ge @!p0 [sflag:s8], $0x0  }
0x24: {  	s3 =	sadd.s32 $0x88, s3;
	s6 =	simm.s32 @!p1 $0x1082;
	[sflag:s4] =	ssyncset.s32 $0xFFFFF086  }
0x25: {  	[simem:s6], [sflag:s4] =	dma.local [hbm:s3], $0xF7A  }
0x26: {  	[smem:$0x3F91] =	sst s1;
	(tag) =	ssettag s2;
	_ =	strace s9  }
0x27: {  	s1 =	sld [smem:$0x3FA1]  }
0x28: {  	s2 =	sld [smem:$0x3FA2]  }
0x29: {  	s4 =	sld [smem:$0x3FA4]  }
0x2a: {  	p0 =	seq.s32 s5, $0x0;
	s5 =	sld [smem:$0x3FA5]  }
0x2b: {  	s6 =	sld [smem:$0x3FA6]  }
0x2c: {  	s7 =	sld [smem:$0x3FA7]  }
0x2d: {  	s3 =	simm.s32 $0x108;
	s8 =	sld [smem:$0x3FA8]  }
0x2e: {  	s3 =	simm.s32 @!p0 $0x1082;
	s9 =	sld [smem:$0x3FA9]  }
0x2f: {  	lr =	sadd.s32 s0, s3;
	s0 =	sld [smem:$0x3FA0]  }
0x30: {  	s3 =	sld [smem:$0x3FA3]  }
0x31: {  	[smem:$0x3FAC] =	sst s10  }
0x32: {  	s10 =	sld [smem:$0x3FAA];
	_ =	sdelay $0x3  }
0x33: {  	p0 =	seq.s32 s10, $0x1;
	s10 =	sld [smem:$0x3FAC];
	_ =	sdelay $0x3  }
0x34: {  	[smem:$0x3FAC] =	sst s10  }
0x35: {  	s10 =	sld [smem:$0x3FAB];
	_ =	sdelay $0x3  }
0x36: {  	p1 =	seq.s32 s10, $0x1;
	s10 =	sld [smem:$0x3FAC];
	_ =	sdelay $0x3  }
0x37: {  	[smem:$0x3FAC] =	sst s10  }
0x38: {  	s10 =	sld [smem:$0x3FAD]  }
0x39: {  	_ = 	snop;
	(pc) =	sbr.ind lr, $3  }
0x3a: {  	_ = 	snop  }
0x3b: {  	_ = 	snop  }
0x3c: {  	p2 =	seq.s32 s10, $0x1;
	s10 =	sld [smem:$0x3FAC]  }
0x3d: {  	_ =	shalt  }
0x3e: {  	_ =	shalt  }
0x3f: {  	_ =	shalt  }
0x40: {  	_ =	shalt  }
0x41: {  	_ =	shalt  }
0x42: {  	_ =	shalt  }
0x43: {  	_ =	shalt  }
0x44: {  	_ =	shalt  }
0x45: {  	_ =	shalt  }
0x46: {  	_ =	shalt  }
0x47: {  	_ =	shalt  }
0x48: {  	_ =	shalt  }
0x49: {  	_ =	shalt  }
0x4a: {  	_ =	shalt  }
0x4b: {  	_ =	shalt  }
0x4c: {  	_ =	shalt  }
0x4d: {  	_ =	shalt  }
0x4e: {  	_ =	shalt  }
0x4f: {  	_ =	shalt  }
0x50: {  	_ =	shalt  }
0x51: {  	_ =	shalt  }
0x52: {  	_ =	shalt  }
0x53: {  	_ =	shalt  }
0x54: {  	_ =	shalt  }
0x55: {  	_ =	shalt  }
0x56: {  	_ =	shalt  }
0x57: {  	_ =	shalt  }
0x58: {  	_ =	shalt  }
0x59: {  	_ =	shalt  }
0x5a: {  	_ =	shalt  }
0x5b: {  	_ =	shalt  }
0x5c: {  	_ =	shalt  }
0x5d: {  	_ =	shalt  }
0x5e: {  	_ =	shalt  }
0x5f: {  	_ =	shalt  }
0x60: {  	_ =	shalt  }
0x61: {  	_ =	shalt  }
0x62: {  	_ =	shalt  }
0x63: {  	_ =	shalt  }
0x64: {  	_ =	shalt  }
0x65: {  	_ =	shalt  }
0x66: {  	_ =	shalt  }
0x67: {  	_ =	shalt  }
0x68: {  	_ =	shalt  }
0x69: {  	_ =	shalt  }
0x6a: {  	_ =	shalt  }
0x6b: {  	_ =	shalt  }
0x6c: {  	_ =	shalt  }
0x6d: {  	_ =	shalt  }
0x6e: {  	_ =	shalt  }
0x6f: {  	_ =	shalt  }
0x70: {  	_ =	shalt  }
0x71: {  	_ =	shalt  }
0x72: {  	_ =	shalt  }
0x73: {  	_ =	shalt  }
0x74: {  	_ =	shalt  }
0x75: {  	_ =	shalt  }
0x76: {  	_ =	shalt  }
0x77: {  	_ =	shalt  }
0x78: {  	_ =	shalt  }
0x79: {  	_ =	shalt  }
0x7a: {  	_ =	shalt  }
0x7b: {  	_ =	shalt  }
0x7c: {  	_ =	shalt  }
0x7d: {  	_ =	shalt  }
0x7e: {  	_ =	shalt  }
0x7f: {  	_ =	shalt  }
0x80: {  	_ =	shalt  }
0x81: {  	_ =	shalt  }
0x82: {  	_ =	shalt  }
0x83: {  	_ =	shalt  }
0x84: {  	_ =	shalt  }
0x85: {  	_ =	shalt  }
0x86: {  	_ =	shalt  }
0x87: {  	_ =	shalt  }
.Lfunc_end0:
.L_simem_size_0:
called_computation_lowered:
.L_overlay_start_0:
0x88: {  	s2 =	sld [smem:$0x3FD9]  }
0x89: {  	s3 =	sld [smem:$0x3FFE];
	_ =	sdelay $0x1  }
0x8a: {  	s1 =	srdreg.scid  }
0x8b: {  	s0 =	sand.u32 $0x1, s1  }
0x8c: {  	s16 =	sshll.u32 s0, $0xA;
	s2 =	sadd.s32 s3, s2  }
0x8d: {  	s2 =	sadd.s32 s2, s16  }
0x8e: {  	[smem:$0x3FB8] =	sst s2  }
0x8f: {  	_ = 	snop  }
0x90: {  	(tm) =	ssettm $0x1  }
0x91: {  	s17 =	sld [smem:$0x3FFB];
	_ =	sdelay $0x3  }
0x92: {  	_ =	strace s17  }
0x93: {  	s2 =	sld [smem:$0x3FFC];
	_ =	sdelay $0x3  }
0x94: {  	_ =	strace s2  }
0x95: {  	s2 =	sld [smem:$0x3FFD];
	_ =	sdelay $0x3  }
0x96: {  	_ =	strace s2  }
0x97: {  	_ =	strace $0x8FFFFFFF  }
0x98: {  	s18 =	sld [smem:$0x3FDB];
	_ =	sdelay $0x1  }
0x99: {  	s19 =	simm.s32 $_scs_section_size  }
0x9a: {  	s4 =	simm.s32 $_size__tile_overlayer_lowered;
	s5 =	simm.s32 $_tile_overlayer_lowered  }
0x9b: {  	s22 =	simm.s32 $0x1BFF;
	s21 =	sshll.u32 s5, $0x1;
	s2 =	sadd.s32 s19, s18  }
0x9c: {  	s6 =	simm.s32 $0x0;
	s20 =	sshll.u32 s4, $0x1;
	s4 =	sadd.s32 s21, s2  }
0x9d: {  	[timem:s6], [sflag:s22] =	dma.local [hbm:s4], s20  }
0x9e: {  	_ =	swait.ge [sflag:s22], s20  }
0x9f: {  	s3 =	ssub.s32 $0x0, s20;
	[sflag:s22] =	ssyncset.done $0x0  }
0xa0: {  	[sflag:s22] =	ssyncadd.s32 s3;
	_ =	sdelay $0x1  }
0xa1: {  	s23 =	simm.s32 $0x1B8B  }
0xa2: {  	_ =	swait.ge [sflag:s23], $0x1  }
0xa3: {  	[sflag:s23] =	ssyncset.done $0x0  }
0xa4: {  	s25 =	simm.s32 $0x1B8E;
	s24 =	sld [smem:$0x3FFE];
	[sflag:s23] =	ssyncadd.s32 $0xFFFFFFFF  }
0xa5: {  	s26 =	simm.s32 $execute0_lowered;
	[smem:$0x3FD2] =	sst s25  }
0xa6: {  	s4 =	sshll.u32 s26, $0x1;
	_ =	strace $0x80000046;
	[dreg:$0x1] =	wrdreg $0xFFFFFFFF  }
0xa7: {  	s28 =	simm.s32 $_size_execute0_lowered;
	s2 =	sadd.s32 s2, s4;
	[dreg:$0x0] =	wrdreg $0x0  }
0xa8: {  	s4 =	sshll.u32 s28, $0x1;
	[dreg:$0x2] =	wrdreg s2  }
0xa9: {  	[dreg:$0x3] =	wrdreg s4  }
0xaa: {  	[dreg:$0x4] =	wrdreg $0xC0  }
0xab: {  	_ =	task [dreg:s6], $0x5FFFF  }
0xac: {  	[dreg:$0x1] =	wrdreg $0xFFFFFFFF  }
0xad: {  	[dreg:$0x0] =	wrdreg $0x60  }
0xae: {  	[dreg:$0x2] =	wrdreg s24  }
0xaf: {  	[dreg:$0x3] =	wrdreg $0x9  }
0xb0: {  	_ =	task.clear_ibuf [dreg:s6], $0x4FFFF;
	_ =	strace $0x90000046  }
0xb1: {  	s29 =	simm.s32 $0x9;
	_ =	strace $0x80000048  }
0xb2: {  	_ =	swait.ge [sflag:s29], $0x1  }
0xb3: {  	[sflag:s29] =	ssyncadd.s32 $0xFFFFFFFF  }
0xb4: {  	_ =	strace $0x90000048  }
0xb5: {  	_ =	sfence  }
0xb6: {  	s30 =	sld [smem:$0x0];
	_ =	sdelay $0x2  }
0xb7: {  	s31 =	sshll.u32 s1, $0xD;
	s1 =	sshrl.u32 s1, $0x2  }
0xb8: {  	s3 =	sand.u32 $0x4000, s31;
	s1 =	sadd.s32 s1, s30  }
0xb9: {  	s0 =	sor.u32 s3, s0;
	s1 =	sshll.u32 s1, $0x11  }
0xba: {  	s0 =	sor.u32 s1, s0  }
0xbb: {  	s0 =	sadd.s32 $0x8F2B, s0  }
0xbc: {  	[sflag:s0] =	ssyncadd.remote.s32 $0x1  }
0xbd: {  	_ =	sfence.sel $0xFFFF  }
0xbe: {  	[dreg:$0x0] =	wrdreg $0xFFFFFFFF;
	(pc) =	sbr.abs _section_cstart, $3  }
0xbf: {  	[dreg:$0x1] =	wrdreg $0xFFFFFFFF  }
0xc0: {  	_ =	task.clear_ibuf [dreg:s6], $0x2FFFF;
	_ =	strace $0x9FFFFFFF  }
0xc1: {  	(tm) =	ssettm $0x7FFFFFFF  }
tec
execute0_lowered:
.L_overlay_start_1:
0x0: {  	(tag) =	ssettag $0x1  }
0x1: {  	s1 =	srdreg.scid  }
0x2: {  	s0 =	stileid.u32;
	s4 =	rddreg [dreg:$0x0];
	s2 =	simm.s32 $0x0  }
0x3: {  	s11 =	simm.s32 $0x0;
	s5 =	sand.u32 $0x1, s1;
	s1 =	rddreg [dreg:$0x1]  }
0x4: {  	s3 =	sshll.u32 s0, $0x1;
	[smem:$0x7FF] =	sst s2;
	s7 =	smul.u32 $0xD000, s0  }
0x5: {  	s3 =	sor.u32 s5, s3;
	_ =	strace $0x80000047;
	s10 =	smul.u32 $0x6800, s5  }
0x6: {  	s8 =	ssub.s32 $0x2, s5;
	s6 =	smul.u32 $0xD0, s3;
	s3 =	sadd.s32 $0xA200, s4  }
0x7: {  	s9 =	sshrl.u32 s8, $0x1;
	s30 =	sadd.s32 s7, s4;
	s7 =	simm.s32 $0x2  }
0x8: {  	s31 =	ssub.s32 s8, s9;
	s8 =	simm.s32 $0x80;
	s9 =	simm.s32 $0x680  }
0x9: {  	s29 =	sadd.s32 s6, s4;
	s5 =	smax.u32 s31, $0x1;
	s6 =	sadd.s32 s10, s30  }
0xa: {  	s10 =	simm.s32 $0x1;
	s4 =	sadd.s32 $0x6E00, s29;
	s6 =	sadd.s32 $0x32200, s6  }
.LBB2_1:
0xb: {  	[tilespmem:s2], [sflag:$0x2] =	stream.linear.gather [hbm4b:s4+s2], $0x680, $0x38;
	[tilespmem:$0x4680] =	vst v63  }
0xc: {  	_ =	swait.ge [sflag:s7], $0x680  }
0xd: {  	[sflag:s7] =	ssyncset.done $0x0  }
0xe: {  	s12 =	simm.s32 $0x0;
	[sflag:s7] =	ssyncadd.s32 $0xFFFFF980  }
0xf: {  	[tilespmem:s9], [sflag:$0x1] =	stream.indirect.gather [hbm4b:s3+s8], $0x80, s12, s8, $0xb8;
	[tilespmem:$0x4680] =	vst v63  }
0x10: {  	_ =	swait.ge [sflag:s10], $0x4000  }
0x11: {  	[sflag:s10] =	ssyncset.done $0x0  }
0x12: {  	[sflag:s10] =	ssyncadd.s32 $0xFFFFC000  }
0x13: {  	[hbm4b:s6+s2] =	stream.linear.scatter [tilespmem:s9], [sflag:$0x2], $0x4000, $0x38;
	[tilespmem:$0x4680] =	vst v63  }
0x14: {  	s13 =	simm.s32 $0x200;
	_ =	swait.ge [sflag:s7], $0x4000  }
0x15: {  	s14 =	simm.s32 $0x400;
	s12 =	sadd.s32 $0x800, s6;
	[sflag:s7] =	ssyncset.done $0x0  }
.LBB2_2:
0x16: {  	s15 =	sshra.s32 s13, $0x2  }
0x17: {  	[sflag:s7] =	ssyncadd.s32 $0xFFFFC000;
	s13 =	smov.u32 s14;
	s16 =	sadd.s32 $0x200, s14  }
0x18: {  	[tilespmem:s9], [sflag:$0x1] =	stream.indirect.gather [hbm4b:s3+s8], $0x80, s15, s8, $0xb8;
	[tilespmem:$0x4680] =	vst v63  }
0x19: {  	p0 =	sne.s32 s14, $0x1800;
	_ =	swait.ge [sflag:s10], $0x4000  }
.Ltmp0:
0x1a: {  	[sflag:s10] =	ssyncset.done $0x0;
	(pc) =	sbr.rel @p0 .LBB2_2-.Ltmp0, $4  }
0x1b: {  	[sflag:s10] =	ssyncadd.s32 $0xFFFFC000  }
0x1c: {  	[hbm4b:s12+s2] =	stream.linear.scatter [tilespmem:s9], [sflag:$0x2], $0x4000, $0x38;
	[tilespmem:$0x4680] =	vst v63  }
0x1d: {  	_ =	swait.ge [sflag:s7], $0x4000  }
0x1e: {  	s14 =	smov.u32 s16;
	s12 =	sadd.s32 $0x800, s12;
	[sflag:s7] =	ssyncset.done $0x0  }
0x1f: {  	s13 =	sshra.s32 s13, $0x2;
	[sflag:s7] =	ssyncadd.s32 $0xFFFFC000  }
0x20: {  	[tilespmem:s9], [sflag:$0x1] =	stream.indirect.gather [hbm4b:s3+s8], $0x80, s13, s8, $0xb8;
	[tilespmem:$0x4680] =	vst v63  }
0x21: {  	s11 =	sadd.s32 $0x1, s11;
	_ =	swait.ge [sflag:s10], $0x4000  }
0x22: {  	p0 =	sne.s32 s11, s5;
	[sflag:s10] =	ssyncset.done $0x0  }
.Ltmp1:
0x23: {  	[sflag:s10] =	ssyncadd.s32 $0xFFFFC000;
	(pc) =	sbr.rel @p0 .LBB2_1-.Ltmp1, $4  }
0x24: {  	[hbm4b:s12+s2] =	stream.linear.scatter [tilespmem:s9], [sflag:$0x2], $0x4000, $0x38;
	[tilespmem:$0x4680] =	vst v63  }
0x25: {  	_ =	swait.ge [sflag:s7], $0x4000  }
0x26: {  	[sflag:s7] =	ssyncset.done $0x0  }
0x27: {  	[sflag:s7] =	ssyncadd.s32 $0xFFFFC000  }
0x28: {  	_ =	sfence.sel $0x180000  }
0x29: {  	[bflag:$0x0] =	sbarrier.arrive $0xFFFF  }
0x2a: {  	p0 =	sne.s32 s0, $0x0;
	_ =	strace $0x90000047  }
0x2b: {  	s0 =	sadd.s32 @!p0 $0x100000, s1;
	[bflag:$0x2] =	sbarrier.arrive $0xFFFF  }
0x2c: {  	[sflag:s0] =	ssyncadd.tile.s32 @!p0 $0x1;
	_ =	shalt  }
.Lfunc_end2:
_tile_overlayer_lowered:
.L_overlay_start_2:
0x2d: {  	(tag) =	ssettag $0x2  }
0x2e: {  	s0 =	rddreg [dreg:$0x0];
	s2 =	stileid.u32  }
0x2f: {  	s1 =	rddreg [dreg:$0x1];
	p0 =	sne.s32 s2, $0x0  }
0x30: {  	s3 =	rddreg [dreg:$0x2];
	[bflag:$0x3] =	sbarrier.arrive $0xFFFF;
	s2 =	simm.s32 @!p0 $0x1C02  }
0x31: {  	[timem:s3], [sflag:s2] =	dma.local @!p0 [hbm:s0], s1  }
0x32: {  	s0 =	simm.s32 @!p0 $0x2  }
0x33: {  	_ =	swait.ge @!p0 [sflag:s0], s1  }
0x34: {  	s1 =	ssub.s32 @!p0 $0x0, s1;
	[sflag:s0] =	ssyncset.done @!p0 $0x0  }
0x35: {  	[sflag:s0] =	ssyncadd.s32 @!p0 s1  }
0x36: {  	[bflag:$0x3] =	sbarrier.arrive $0xFFFF  }
0x37: {  	_ =	shalt  }

// kernel: kernel.19.cloned.1.call-start
scs
__scs_entry_jumppad:
0x0: {  	(pc) =	sbr.rel $0x88, $3  }
0x1: {  	(tag) =	ssettag $0x0;
	lr =	simm.s32 $0x1  }
0x2: {  	[smem:$0x3F91] =	sst lr;
	_ =	strace $0xD0000000  }
0x3: {  	_ = 	snop  }
0x4: {  	_ = 	snop  }
0x5: {  	_ = 	snop  }
0x6: {  	_ = 	snop  }
0x7: {  	_ = 	snop  }
__scs_overlays_trampoline_lowered:
0x8: {  	[smem:$0x3FA0] =	sst s0  }
0x9: {  	[smem:$0x3FA1] =	sst s1  }
0xa: {  	[smem:$0x3FA2] =	sst s2  }
0xb: {  	[smem:$0x3FA3] =	sst s3  }
0xc: {  	[smem:$0x3FA4] =	sst s4  }
0xd: {  	[smem:$0x3FA5] =	sst s5  }
0xe: {  	[smem:$0x3FA6] =	sst s6  }
0xf: {  	[smem:$0x3FA7] =	sst s7  }
0x10: {  	[smem:$0x3FA8] =	sst s8  }
0x11: {  	[smem:$0x3FA9] =	sst s9;
	s0 =	simm.s32 @!p0 $0x0  }
0x12: {  	s1 =	sld [smem:$0x3F8F];
	s0 =	simm.s32 @p0 $0x1  }
0x13: {  	[smem:$0x3FAA] =	sst s0;
	s0 =	simm.s32 @!p1 $0x0  }
0x14: {  	s2 =	sld [smem:$0x3F8E];
	s0 =	simm.s32 @p1 $0x1  }
0x15: {  	[smem:$0x3FAB] =	sst s0;
	s0 =	simm.s32 @!p2 $0x0  }
0x16: {  	s3 =	sld [smem:$0x3FDB];
	s0 =	simm.s32 @p2 $0x1  }
0x17: {  	s4 =	simm.s32 $0x1BF5;
	[smem:$0x3FAD] =	sst s0  }
0x18: {  	s0 =	sld [smem:$0x3F90];
	_ =	swait.ge [sflag:s4], $0x0  }
0x19: {  	s7 =	sld [smem:$0x3F91]  }
0x1a: {  	s8 =	sadd.s32 $0xFFFFE003, lr  }
0x1b: {  	s9 =	sadd.s32 $0xFFFFFEF7, lr;
	s5 =	simm.s32 $0xFFFFFFFF;
	p2 =	slt.u32 s8, $0xFFFFF086  }
0x1c: {  	p1 =	slt.u32 s9, $0xF7A;
	s5 =	simm.s32 @!p2 $0x0  }
0x1d: {  	s5 =	simm.s32 @p1 $0x1;
	p0 =	seq.s32 s7, s2  }
0x1e: {  	s7 =	smul.u32 @!p0 $0xF7A, s2;
	p2 =	seq.s32 @!p0 s5, $0x0  }
0x1f: {  	s9 =	smul.u32 $0xF7A, s1;
	s8 =	simm.s32 @!p0 $0x1BF5;
	p2 =	por !p2, p0  }
0x20: {  	[sflag:s8] =	ssyncset.s32 @!p0 $0xFFFFF086;
	s6 =	sadd.s32 @!p0 s3, s7;
	s7 =	simm.s32 @!p0 $0x108  }
0x21: {  	s3 =	sadd.s32 s3, s9;
	s6 =	sadd.s32 @!p0 $0x88, s6;
	s7 =	simm.s32 @p2 $0x1082  }
0x22: {  	[simem:s7], [sflag:s8] =	dma.local @!p0 [hbm:s6], $0xF7A  }
0x23: {  	s9 =	sor.u32 $0xD0000000, s2;
	s6 =	simm.s32 $0x108;
	_ =	swait.ge @!p0 [sflag:s8], $0x0  }
0x24: {  	s3 =	sadd.s32 $0x88, s3;
	s6 =	simm.s32 @!p1 $0x1082;
	[sflag:s4] =	ssyncset.s32 $0xFFFFF086  }
0x25: {  	[simem:s6], [sflag:s4] =	dma.local [hbm:s3], $0xF7A  }
0x26: {  	[smem:$0x3F91] =	sst s1;
	(tag) =	ssettag s2;
	_ =	strace s9  }
0x27: {  	s1 =	sld [smem:$0x3FA1]  }
0x28: {  	s2 =	sld [smem:$0x3FA2]  }
0x29: {  	s4 =	sld [smem:$0x3FA4]  }
0x2a: {  	p0 =	seq.s32 s5, $0x0;
	s5 =	sld [smem:$0x3FA5]  }
0x2b: {  	s6 =	sld [smem:$0x3FA6]  }
0x2c: {  	s7 =	sld [smem:$0x3FA7]  }
0x2d: {  	s3 =	simm.s32 $0x108;
	s8 =	sld [smem:$0x3FA8]  }
0x2e: {  	s3 =	simm.s32 @!p0 $0x1082;
	s9 =	sld [smem:$0x3FA9]  }
0x2f: {  	lr =	sadd.s32 s0, s3;
	s0 =	sld [smem:$0x3FA0]  }
0x30: {  	s3 =	sld [smem:$0x3FA3]  }
0x31: {  	[smem:$0x3FAC] =	sst s10  }
0x32: {  	s10 =	sld [smem:$0x3FAA];
	_ =	sdelay $0x3  }
0x33: {  	p0 =	seq.s32 s10, $0x1;
	s10 =	sld [smem:$0x3FAC];
	_ =	sdelay $0x3  }
0x34: {  	[smem:$0x3FAC] =	sst s10  }
0x35: {  	s10 =	sld [smem:$0x3FAB];
	_ =	sdelay $0x3  }
0x36: {  	p1 =	seq.s32 s10, $0x1;
	s10 =	sld [smem:$0x3FAC];
	_ =	sdelay $0x3  }
0x37: {  	[smem:$0x3FAC] =	sst s10  }
0x38: {  	s10 =	sld [smem:$0x3FAD]  }
0x39: {  	_ = 	snop;
	(pc) =	sbr.ind lr, $3  }
0x3a: {  	_ = 	snop  }
0x3b: {  	_ = 	snop  }
0x3c: {  	p2 =	seq.s32 s10, $0x1;
	s10 =	sld [smem:$0x3FAC]  }
0x3d: {  	_ =	shalt  }
0x3e: {  	_ =	shalt  }
0x3f: {  	_ =	shalt  }
0x40: {  	_ =	shalt  }
0x41: {  	_ =	shalt  }
0x42: {  	_ =	shalt  }
0x43: {  	_ =	shalt  }
0x44: {  	_ =	shalt  }
0x45: {  	_ =	shalt  }
0x46: {  	_ =	shalt  }
0x47: {  	_ =	shalt  }
0x48: {  	_ =	shalt  }
0x49: {  	_ =	shalt  }
0x4a: {  	_ =	shalt  }
0x4b: {  	_ =	shalt  }
0x4c: {  	_ =	shalt  }
0x4d: {  	_ =	shalt  }
0x4e: {  	_ =	shalt  }
0x4f: {  	_ =	shalt  }
0x50: {  	_ =	shalt  }
0x51: {  	_ =	shalt  }
0x52: {  	_ =	shalt  }
0x53: {  	_ =	shalt  }
0x54: {  	_ =	shalt  }
0x55: {  	_ =	shalt  }
0x56: {  	_ =	shalt  }
0x57: {  	_ =	shalt  }
0x58: {  	_ =	shalt  }
0x59: {  	_ =	shalt  }
0x5a: {  	_ =	shalt  }
0x5b: {  	_ =	shalt  }
0x5c: {  	_ =	shalt  }
0x5d: {  	_ =	shalt  }
0x5e: {  	_ =	shalt  }
0x5f: {  	_ =	shalt  }
0x60: {  	_ =	shalt  }
0x61: {  	_ =	shalt  }
0x62: {  	_ =	shalt  }
0x63: {  	_ =	shalt  }
0x64: {  	_ =	shalt  }
0x65: {  	_ =	shalt  }
0x66: {  	_ =	shalt  }
0x67: {  	_ =	shalt  }
0x68: {  	_ =	shalt  }
0x69: {  	_ =	shalt  }
0x6a: {  	_ =	shalt  }
0x6b: {  	_ =	shalt  }
0x6c: {  	_ =	shalt  }
0x6d: {  	_ =	shalt  }
0x6e: {  	_ =	shalt  }
0x6f: {  	_ =	shalt  }
0x70: {  	_ =	shalt  }
0x71: {  	_ =	shalt  }
0x72: {  	_ =	shalt  }
0x73: {  	_ =	shalt  }
0x74: {  	_ =	shalt  }
0x75: {  	_ =	shalt  }
0x76: {  	_ =	shalt  }
0x77: {  	_ =	shalt  }
0x78: {  	_ =	shalt  }
0x79: {  	_ =	shalt  }
0x7a: {  	_ =	shalt  }
0x7b: {  	_ =	shalt  }
0x7c: {  	_ =	shalt  }
0x7d: {  	_ =	shalt  }
0x7e: {  	_ =	shalt  }
0x7f: {  	_ =	shalt  }
0x80: {  	_ =	shalt  }
0x81: {  	_ =	shalt  }
0x82: {  	_ =	shalt  }
0x83: {  	_ =	shalt  }
0x84: {  	_ =	shalt  }
0x85: {  	_ =	shalt  }
0x86: {  	_ =	shalt  }
0x87: {  	_ =	shalt  }
.Lfunc_end0:
.L_simem_size_0:
called_computation.1_lowered:
.L_overlay_start_0:
0x88: {  	s2 =	sld [smem:$0x3FD9]  }
0x89: {  	s3 =	sld [smem:$0x3FFE];
	_ =	sdelay $0x1  }
0x8a: {  	s1 =	srdreg.scid  }
0x8b: {  	s0 =	sand.u32 $0x1, s1  }
0x8c: {  	s16 =	sshll.u32 s0, $0xA;
	s2 =	sadd.s32 s3, s2  }
0x8d: {  	s2 =	sadd.s32 s2, s16  }
0x8e: {  	[smem:$0x3FB8] =	sst s2  }
0x8f: {  	_ = 	snop  }
0x90: {  	(tm) =	ssettm $0x1  }
0x91: {  	s17 =	sld [smem:$0x3FFB];
	_ =	sdelay $0x3  }
0x92: {  	_ =	strace s17  }
0x93: {  	s2 =	sld [smem:$0x3FFC];
	_ =	sdelay $0x3  }
0x94: {  	_ =	strace s2  }
0x95: {  	s2 =	sld [smem:$0x3FFD];
	_ =	sdelay $0x3  }
0x96: {  	_ =	strace s2  }
0x97: {  	_ =	strace $0x8FFFFFFF  }
0x98: {  	s18 =	sld [smem:$0x3FDB];
	_ =	sdelay $0x1  }
0x99: {  	s19 =	simm.s32 $_scs_section_size  }
0x9a: {  	s4 =	simm.s32 $_size__tile_overlayer_lowered;
	s5 =	simm.s32 $_tile_overlayer_lowered  }
0x9b: {  	s22 =	simm.s32 $0x1BFF;
	s21 =	sshll.u32 s5, $0x1;
	s2 =	sadd.s32 s19, s18  }
0x9c: {  	s6 =	simm.s32 $0x0;
	s20 =	sshll.u32 s4, $0x1;
	s4 =	sadd.s32 s21, s2  }
0x9d: {  	[timem:s6], [sflag:s22] =	dma.local [hbm:s4], s20  }
0x9e: {  	_ =	swait.ge [sflag:s22], s20  }
0x9f: {  	s3 =	ssub.s32 $0x0, s20;
	[sflag:s22] =	ssyncset.done $0x0  }
0xa0: {  	[sflag:s22] =	ssyncadd.s32 s3;
	_ =	sdelay $0x1  }
0xa1: {  	s23 =	simm.s32 $0x1B8B  }
0xa2: {  	_ =	swait.ge [sflag:s23], $0x1  }
0xa3: {  	[sflag:s23] =	ssyncset.done $0x0  }
0xa4: {  	s25 =	simm.s32 $0x1B8E;
	s24 =	sld [smem:$0x3FFE];
	[sflag:s23] =	ssyncadd.s32 $0xFFFFFFFF  }
0xa5: {  	s26 =	simm.s32 $execute0_lowered;
	[smem:$0x3FD2] =	sst s25  }
0xa6: {  	s4 =	sshll.u32 s26, $0x1;
	_ =	strace $0x80000049;
	[dreg:$0x1] =	wrdreg $0xFFFFFFFF  }
0xa7: {  	s28 =	simm.s32 $_size_execute0_lowered;
	s2 =	sadd.s32 s2, s4;
	[dreg:$0x0] =	wrdreg $0x0  }
0xa8: {  	s4 =	sshll.u32 s28, $0x1;
	[dreg:$0x2] =	wrdreg s2  }
0xa9: {  	[dreg:$0x3] =	wrdreg s4  }
0xaa: {  	[dreg:$0x4] =	wrdreg $0xC0  }
0xab: {  	_ =	task [dreg:s6], $0x5FFFF  }
0xac: {  	[dreg:$0x1] =	wrdreg $0xFFFFFFFF  }
0xad: {  	[dreg:$0x0] =	wrdreg $0x60  }
0xae: {  	[dreg:$0x2] =	wrdreg s24  }
0xaf: {  	[dreg:$0x3] =	wrdreg $0x9  }
0xb0: {  	_ =	task.clear_ibuf [dreg:s6], $0x4FFFF;
	_ =	strace $0x90000049  }
0xb1: {  	s29 =	simm.s32 $0x9;
	_ =	strace $0x8000004B  }
0xb2: {  	_ =	swait.ge [sflag:s29], $0x1  }
0xb3: {  	[sflag:s29] =	ssyncadd.s32 $0xFFFFFFFF  }
0xb4: {  	_ =	strace $0x9000004B  }
0xb5: {  	_ =	sfence  }
0xb6: {  	s30 =	sld [smem:$0x0];
	_ =	sdelay $0x2  }
0xb7: {  	s31 =	sshll.u32 s1, $0xD;
	s1 =	sshrl.u32 s1, $0x2  }
0xb8: {  	s3 =	sand.u32 $0x4000, s31;
	s1 =	sadd.s32 s1, s30  }
0xb9: {  	s0 =	sor.u32 s3, s0;
	s1 =	sshll.u32 s1, $0x11  }
0xba: {  	s0 =	sor.u32 s1, s0  }
0xbb: {  	s0 =	sadd.s32 $0x8F2B, s0  }
0xbc: {  	[sflag:s0] =	ssyncadd.remote.s32 $0x1  }
0xbd: {  	_ =	sfence.sel $0xFFFF  }
0xbe: {  	[dreg:$0x0] =	wrdreg $0xFFFFFFFF;
	(pc) =	sbr.abs _section_cstart, $3  }
0xbf: {  	[dreg:$0x1] =	wrdreg $0xFFFFFFFF  }
0xc0: {  	_ =	task.clear_ibuf [dreg:s6], $0x2FFFF;
	_ =	strace $0x9FFFFFFF  }
0xc1: {  	(tm) =	ssettm $0x7FFFFFFF  }
tec
execute0_lowered:
.L_overlay_start_1:
0x0: {  	(tag) =	ssettag $0x1  }
0x1: {  	s1 =	srdreg.scid  }
0x2: {  	s0 =	stileid.u32;
	s4 =	rddreg [dreg:$0x0];
	s2 =	simm.s32 $0x0  }
0x3: {  	s11 =	simm.s32 $0x0;
	s5 =	sand.u32 $0x1, s1;
	s1 =	rddreg [dreg:$0x1]  }
0x4: {  	s3 =	sshll.u32 s0, $0x1;
	[smem:$0x7FF] =	sst s2;
	s7 =	smul.u32 $0xD000, s0  }
0x5: {  	s3 =	sor.u32 s5, s3;
	_ =	strace $0x8000004A;
	s10 =	smul.u32 $0x6800, s5  }
0x6: {  	s8 =	ssub.s32 $0x2, s5;
	s6 =	smul.u32 $0xD0, s3;
	s3 =	sadd.s32 $0x106E00, s4  }
0x7: {  	s9 =	sshrl.u32 s8, $0x1;
	s30 =	sadd.s32 s7, s4;
	s7 =	simm.s32 $0x2  }
0x8: {  	s31 =	ssub.s32 s8, s9;
	s8 =	simm.s32 $0x80;
	s9 =	simm.s32 $0x680  }
0x9: {  	s29 =	sadd.s32 s6, s4;
	s5 =	smax.u32 s31, $0x1;
	s6 =	sadd.s32 s10, s30  }
0xa: {  	s10 =	simm.s32 $0x1;
	s4 =	sadd.s32 $0x105400, s29;
	s6 =	sadd.s32 $0x12EE00, s6  }
.LBB2_1:
0xb: {  	[tilespmem:s2], [sflag:$0x2] =	stream.linear.gather [hbm4b:s4+s2], $0x680, $0x38;
	[tilespmem:$0x4680] =	vst v63  }
0xc: {  	_ =	swait.ge [sflag:s7], $0x680  }
0xd: {  	[sflag:s7] =	ssyncset.done $0x0  }
0xe: {  	s12 =	simm.s32 $0x0;
	[sflag:s7] =	ssyncadd.s32 $0xFFFFF980  }
0xf: {  	[tilespmem:s9], [sflag:$0x1] =	stream.indirect.gather [hbm4b:s3+s8], $0x80, s12, s8, $0xb8;
	[tilespmem:$0x4680] =	vst v63  }
0x10: {  	_ =	swait.ge [sflag:s10], $0x4000  }
0x11: {  	[sflag:s10] =	ssyncset.done $0x0  }
0x12: {  	[sflag:s10] =	ssyncadd.s32 $0xFFFFC000  }
0x13: {  	[hbm4b:s6+s2] =	stream.linear.scatter [tilespmem:s9], [sflag:$0x2], $0x4000, $0x38;
	[tilespmem:$0x4680] =	vst v63  }
0x14: {  	s13 =	simm.s32 $0x200;
	_ =	swait.ge [sflag:s7], $0x4000  }
0x15: {  	s14 =	simm.s32 $0x400;
	s12 =	sadd.s32 $0x800, s6;
	[sflag:s7] =	ssyncset.done $0x0  }
.LBB2_2:
0x16: {  	s15 =	sshra.s32 s13, $0x2  }
0x17: {  	[sflag:s7] =	ssyncadd.s32 $0xFFFFC000;
	s13 =	smov.u32 s14;
	s16 =	sadd.s32 $0x200, s14  }
0x18: {  	[tilespmem:s9], [sflag:$0x1] =	stream.indirect.gather [hbm4b:s3+s8], $0x80, s15, s8, $0xb8;
	[tilespmem:$0x4680] =	vst v63  }
0x19: {  	p0 =	sne.s32 s14, $0x1800;
	_ =	swait.ge [sflag:s10], $0x4000  }
.Ltmp0:
0x1a: {  	[sflag:s10] =	ssyncset.done $0x0;
	(pc) =	sbr.rel @p0 .LBB2_2-.Ltmp0, $4  }
0x1b: {  	[sflag:s10] =	ssyncadd.s32 $0xFFFFC000  }
0x1c: {  	[hbm4b:s12+s2] =	stream.linear.scatter [tilespmem:s9], [sflag:$0x2], $0x4000, $0x38;
	[tilespmem:$0x4680] =	vst v63  }
0x1d: {  	_ =	swait.ge [sflag:s7], $0x4000  }
0x1e: {  	s14 =	smov.u32 s16;
	s12 =	sadd.s32 $0x800, s12;
	[sflag:s7] =	ssyncset.done $0x0  }
0x1f: {  	s13 =	sshra.s32 s13, $0x2;
	[sflag:s7] =	ssyncadd.s32 $0xFFFFC000  }
0x20: {  	[tilespmem:s9], [sflag:$0x1] =	stream.indirect.gather [hbm4b:s3+s8], $0x80, s13, s8, $0xb8;
	[tilespmem:$0x4680] =	vst v63  }
0x21: {  	s11 =	sadd.s32 $0x1, s11;
	_ =	swait.ge [sflag:s10], $0x4000  }
0x22: {  	p0 =	sne.s32 s11, s5;
	[sflag:s10] =	ssyncset.done $0x0  }
.Ltmp1:
0x23: {  	[sflag:s10] =	ssyncadd.s32 $0xFFFFC000;
	(pc) =	sbr.rel @p0 .LBB2_1-.Ltmp1, $4  }
0x24: {  	[hbm4b:s12+s2] =	stream.linear.scatter [tilespmem:s9], [sflag:$0x2], $0x4000, $0x38;
	[tilespmem:$0x4680] =	vst v63  }
0x25: {  	_ =	swait.ge [sflag:s7], $0x4000  }
0x26: {  	[sflag:s7] =	ssyncset.done $0x0  }
0x27: {  	[sflag:s7] =	ssyncadd.s32 $0xFFFFC000  }
0x28: {  	_ =	sfence.sel $0x180000  }
0x29: {  	[bflag:$0x0] =	sbarrier.arrive $0xFFFF  }
0x2a: {  	p0 =	sne.s32 s0, $0x0;
	_ =	strace $0x9000004A  }
0x2b: {  	s0 =	sadd.s32 @!p0 $0x100000, s1;
	[bflag:$0x2] =	sbarrier.arrive $0xFFFF  }
0x2c: {  	[sflag:s0] =	ssyncadd.tile.s32 @!p0 $0x1;
	_ =	shalt  }
.Lfunc_end2:
_tile_overlayer_lowered:
.L_overlay_start_2:
0x2d: {  	(tag) =	ssettag $0x2  }
0x2e: {  	s0 =	rddreg [dreg:$0x0];
	s2 =	stileid.u32  }
0x2f: {  	s1 =	rddreg [dreg:$0x1];
	p0 =	sne.s32 s2, $0x0  }
0x30: {  	s3 =	rddreg [dreg:$0x2];
	[bflag:$0x3] =	sbarrier.arrive $0xFFFF;
	s2 =	simm.s32 @!p0 $0x1C02  }
0x31: {  	[timem:s3], [sflag:s2] =	dma.local @!p0 [hbm:s0], s1  }
0x32: {  	s0 =	simm.s32 @!p0 $0x2  }
0x33: {  	_ =	swait.ge @!p0 [sflag:s0], s1  }
0x34: {  	s1 =	ssub.s32 @!p0 $0x0, s1;
	[sflag:s0] =	ssyncset.done @!p0 $0x0  }
0x35: {  	[sflag:s0] =	ssyncadd.s32 @!p0 s1  }
0x36: {  	[bflag:$0x3] =	sbarrier.arrive $0xFFFF  }
0x37: {  	_ =	shalt  }

// kernel: kernel.22.cloned.1.call-start
scs
__scs_entry_jumppad:
0x0: {  	(pc) =	sbr.rel $0x88, $3  }
0x1: {  	(tag) =	ssettag $0x0;
	lr =	simm.s32 $0x1  }
0x2: {  	[smem:$0x3F91] =	sst lr;
	_ =	strace $0xD0000000  }
0x3: {  	_ = 	snop  }
0x4: {  	_ = 	snop  }
0x5: {  	_ = 	snop  }
0x6: {  	_ = 	snop  }
0x7: {  	_ = 	snop  }
__scs_overlays_trampoline_lowered:
0x8: {  	[smem:$0x3FA0] =	sst s0  }
0x9: {  	[smem:$0x3FA1] =	sst s1  }
0xa: {  	[smem:$0x3FA2] =	sst s2  }
0xb: {  	[smem:$0x3FA3] =	sst s3  }
0xc: {  	[smem:$0x3FA4] =	sst s4  }
0xd: {  	[smem:$0x3FA5] =	sst s5  }
0xe: {  	[smem:$0x3FA6] =	sst s6  }
0xf: {  	[smem:$0x3FA7] =	sst s7  }
0x10: {  	[smem:$0x3FA8] =	sst s8  }
0x11: {  	[smem:$0x3FA9] =	sst s9;
	s0 =	simm.s32 @!p0 $0x0  }
0x12: {  	s1 =	sld [smem:$0x3F8F];
	s0 =	simm.s32 @p0 $0x1  }
0x13: {  	[smem:$0x3FAA] =	sst s0;
	s0 =	simm.s32 @!p1 $0x0  }
0x14: {  	s2 =	sld [smem:$0x3F8E];
	s0 =	simm.s32 @p1 $0x1  }
0x15: {  	[smem:$0x3FAB] =	sst s0;
	s0 =	simm.s32 @!p2 $0x0  }
0x16: {  	s3 =	sld [smem:$0x3FDB];
	s0 =	simm.s32 @p2 $0x1  }
0x17: {  	s4 =	simm.s32 $0x1BF5;
	[smem:$0x3FAD] =	sst s0  }
0x18: {  	s0 =	sld [smem:$0x3F90];
	_ =	swait.ge [sflag:s4], $0x0  }
0x19: {  	s7 =	sld [smem:$0x3F91]  }
0x1a: {  	s8 =	sadd.s32 $0xFFFFE003, lr  }
0x1b: {  	s9 =	sadd.s32 $0xFFFFFEF7, lr;
	s5 =	simm.s32 $0xFFFFFFFF;
	p2 =	slt.u32 s8, $0xFFFFF086  }
0x1c: {  	p1 =	slt.u32 s9, $0xF7A;
	s5 =	simm.s32 @!p2 $0x0  }
0x1d: {  	s5 =	simm.s32 @p1 $0x1;
	p0 =	seq.s32 s7, s2  }
0x1e: {  	s7 =	smul.u32 @!p0 $0xF7A, s2;
	p2 =	seq.s32 @!p0 s5, $0x0  }
0x1f: {  	s9 =	smul.u32 $0xF7A, s1;
	s8 =	simm.s32 @!p0 $0x1BF5;
	p2 =	por !p2, p0  }
0x20: {  	[sflag:s8] =	ssyncset.s32 @!p0 $0xFFFFF086;
	s6 =	sadd.s32 @!p0 s3, s7;
	s7 =	simm.s32 @!p0 $0x108  }
0x21: {  	s3 =	sadd.s32 s3, s9;
	s6 =	sadd.s32 @!p0 $0x88, s6;
	s7 =	simm.s32 @p2 $0x1082  }
0x22: {  	[simem:s7], [sflag:s8] =	dma.local @!p0 [hbm:s6], $0xF7A  }
0x23: {  	s9 =	sor.u32 $0xD0000000, s2;
	s6 =	simm.s32 $0x108;
	_ =	swait.ge @!p0 [sflag:s8], $0x0  }
0x24: {  	s3 =	sadd.s32 $0x88, s3;
	s6 =	simm.s32 @!p1 $0x1082;
	[sflag:s4] =	ssyncset.s32 $0xFFFFF086  }
0x25: {  	[simem:s6], [sflag:s4] =	dma.local [hbm:s3], $0xF7A  }
0x26: {  	[smem:$0x3F91] =	sst s1;
	(tag) =	ssettag s2;
	_ =	strace s9  }
0x27: {  	s1 =	sld [smem:$0x3FA1]  }
0x28: {  	s2 =	sld [smem:$0x3FA2]  }
0x29: {  	s4 =	sld [smem:$0x3FA4]  }
0x2a: {  	p0 =	seq.s32 s5, $0x0;
	s5 =	sld [smem:$0x3FA5]  }
0x2b: {  	s6 =	sld [smem:$0x3FA6]  }
0x2c: {  	s7 =	sld [smem:$0x3FA7]  }
0x2d: {  	s3 =	simm.s32 $0x108;
	s8 =	sld [smem:$0x3FA8]  }
0x2e: {  	s3 =	simm.s32 @!p0 $0x1082;
	s9 =	sld [smem:$0x3FA9]  }
0x2f: {  	lr =	sadd.s32 s0, s3;
	s0 =	sld [smem:$0x3FA0]  }
0x30: {  	s3 =	sld [smem:$0x3FA3]  }
0x31: {  	[smem:$0x3FAC] =	sst s10  }
0x32: {  	s10 =	sld [smem:$0x3FAA];
	_ =	sdelay $0x3  }
0x33: {  	p0 =	seq.s32 s10, $0x1;
	s10 =	sld [smem:$0x3FAC];
	_ =	sdelay $0x3  }
0x34: {  	[smem:$0x3FAC] =	sst s10  }
0x35: {  	s10 =	sld [smem:$0x3FAB];
	_ =	sdelay $0x3  }
0x36: {  	p1 =	seq.s32 s10, $0x1;
	s10 =	sld [smem:$0x3FAC];
	_ =	sdelay $0x3  }
0x37: {  	[smem:$0x3FAC] =	sst s10  }
0x38: {  	s10 =	sld [smem:$0x3FAD]  }
0x39: {  	_ = 	snop;
	(pc) =	sbr.ind lr, $3  }
0x3a: {  	_ = 	snop  }
0x3b: {  	_ = 	snop  }
0x3c: {  	p2 =	seq.s32 s10, $0x1;
	s10 =	sld [smem:$0x3FAC]  }
0x3d: {  	_ =	shalt  }
0x3e: {  	_ =	shalt  }
0x3f: {  	_ =	shalt  }
0x40: {  	_ =	shalt  }
0x41: {  	_ =	shalt  }
0x42: {  	_ =	shalt  }
0x43: {  	_ =	shalt  }
0x44: {  	_ =	shalt  }
0x45: {  	_ =	shalt  }
0x46: {  	_ =	shalt  }
0x47: {  	_ =	shalt  }
0x48: {  	_ =	shalt  }
0x49: {  	_ =	shalt  }
0x4a: {  	_ =	shalt  }
0x4b: {  	_ =	shalt  }
0x4c: {  	_ =	shalt  }
0x4d: {  	_ =	shalt  }
0x4e: {  	_ =	shalt  }
0x4f: {  	_ =	shalt  }
0x50: {  	_ =	shalt  }
0x51: {  	_ =	shalt  }
0x52: {  	_ =	shalt  }
0x53: {  	_ =	shalt  }
0x54: {  	_ =	shalt  }
0x55: {  	_ =	shalt  }
0x56: {  	_ =	shalt  }
0x57: {  	_ =	shalt  }
0x58: {  	_ =	shalt  }
0x59: {  	_ =	shalt  }
0x5a: {  	_ =	shalt  }
0x5b: {  	_ =	shalt  }
0x5c: {  	_ =	shalt  }
0x5d: {  	_ =	shalt  }
0x5e: {  	_ =	shalt  }
0x5f: {  	_ =	shalt  }
0x60: {  	_ =	shalt  }
0x61: {  	_ =	shalt  }
0x62: {  	_ =	shalt  }
0x63: {  	_ =	shalt  }
0x64: {  	_ =	shalt  }
0x65: {  	_ =	shalt  }
0x66: {  	_ =	shalt  }
0x67: {  	_ =	shalt  }
0x68: {  	_ =	shalt  }
0x69: {  	_ =	shalt  }
0x6a: {  	_ =	shalt  }
0x6b: {  	_ =	shalt  }
0x6c: {  	_ =	shalt  }
0x6d: {  	_ =	shalt  }
0x6e: {  	_ =	shalt  }
0x6f: {  	_ =	shalt  }
0x70: {  	_ =	shalt  }
0x71: {  	_ =	shalt  }
0x72: {  	_ =	shalt  }
0x73: {  	_ =	shalt  }
0x74: {  	_ =	shalt  }
0x75: {  	_ =	shalt  }
0x76: {  	_ =	shalt  }
0x77: {  	_ =	shalt  }
0x78: {  	_ =	shalt  }
0x79: {  	_ =	shalt  }
0x7a: {  	_ =	shalt  }
0x7b: {  	_ =	shalt  }
0x7c: {  	_ =	shalt  }
0x7d: {  	_ =	shalt  }
0x7e: {  	_ =	shalt  }
0x7f: {  	_ =	shalt  }
0x80: {  	_ =	shalt  }
0x81: {  	_ =	shalt  }
0x82: {  	_ =	shalt  }
0x83: {  	_ =	shalt  }
0x84: {  	_ =	shalt  }
0x85: {  	_ =	shalt  }
0x86: {  	_ =	shalt  }
0x87: {  	_ =	shalt  }
.Lfunc_end0:
.L_simem_size_0:
called_computation.2_lowered:
.L_overlay_start_0:
0x88: {  	s2 =	sld [smem:$0x3FD9]  }
0x89: {  	s3 =	sld [smem:$0x3FFE];
	_ =	sdelay $0x1  }
0x8a: {  	s1 =	srdreg.scid  }
0x8b: {  	s0 =	sand.u32 $0x1, s1  }
0x8c: {  	s16 =	sshll.u32 s0, $0xA;
	s2 =	sadd.s32 s3, s2  }
0x8d: {  	s2 =	sadd.s32 s2, s16  }
0x8e: {  	[smem:$0x3FB8] =	sst s2  }
0x8f: {  	_ = 	snop  }
0x90: {  	(tm) =	ssettm $0x1  }
0x91: {  	s17 =	sld [smem:$0x3FFB];
	_ =	sdelay $0x3  }
0x92: {  	_ =	strace s17  }
0x93: {  	s2 =	sld [smem:$0x3FFC];
	_ =	sdelay $0x3  }
0x94: {  	_ =	strace s2  }
0x95: {  	s2 =	sld [smem:$0x3FFD];
	_ =	sdelay $0x3  }
0x96: {  	_ =	strace s2  }
0x97: {  	_ =	strace $0x8FFFFFFF  }
0x98: {  	s18 =	sld [smem:$0x3FDB];
	_ =	sdelay $0x1  }
0x99: {  	s19 =	simm.s32 $_scs_section_size  }
0x9a: {  	s4 =	simm.s32 $_size__tile_overlayer_lowered;
	s5 =	simm.s32 $_tile_overlayer_lowered  }
0x9b: {  	s22 =	simm.s32 $0x1BFF;
	s21 =	sshll.u32 s5, $0x1;
	s2 =	sadd.s32 s19, s18  }
0x9c: {  	s6 =	simm.s32 $0x0;
	s20 =	sshll.u32 s4, $0x1;
	s4 =	sadd.s32 s21, s2  }
0x9d: {  	[timem:s6], [sflag:s22] =	dma.local [hbm:s4], s20  }
0x9e: {  	_ =	swait.ge [sflag:s22], s20  }
0x9f: {  	s3 =	ssub.s32 $0x0, s20;
	[sflag:s22] =	ssyncset.done $0x0  }
0xa0: {  	[sflag:s22] =	ssyncadd.s32 s3;
	_ =	sdelay $0x1  }
0xa1: {  	s23 =	simm.s32 $0x1B8B  }
0xa2: {  	_ =	swait.ge [sflag:s23], $0x1  }
0xa3: {  	[sflag:s23] =	ssyncset.done $0x0  }
0xa4: {  	s25 =	simm.s32 $0x1B8E;
	s24 =	sld [smem:$0x3FFE];
	[sflag:s23] =	ssyncadd.s32 $0xFFFFFFFF  }
0xa5: {  	s26 =	simm.s32 $execute0_lowered;
	[smem:$0x3FD2] =	sst s25  }
0xa6: {  	s4 =	sshll.u32 s26, $0x1;
	_ =	strace $0x8000004C;
	[dreg:$0x1] =	wrdreg $0xFFFFFFFF  }
0xa7: {  	s28 =	simm.s32 $_size_execute0_lowered;
	s2 =	sadd.s32 s2, s4;
	[dreg:$0x0] =	wrdreg $0x0  }
0xa8: {  	s4 =	sshll.u32 s28, $0x1;
	[dreg:$0x2] =	wrdreg s2  }
0xa9: {  	[dreg:$0x3] =	wrdreg s4  }
0xaa: {  	[dreg:$0x4] =	wrdreg $0xC0  }
0xab: {  	_ =	task [dreg:s6], $0x5FFFF  }
0xac: {  	[dreg:$0x1] =	wrdreg $0xFFFFFFFF  }
0xad: {  	[dreg:$0x0] =	wrdreg $0x60  }
0xae: {  	[dreg:$0x2] =	wrdreg s24  }
0xaf: {  	[dreg:$0x3] =	wrdreg $0x46800  }
0xb0: {  	[dreg:$0x4] =	wrdreg $0x9  }
0xb1: {  	_ =	task.clear_ibuf [dreg:s6], $0x5FFFF;
	_ =	strace $0x9000004C  }
0xb2: {  	s29 =	simm.s32 $0x9;
	_ =	strace $0x8000004E  }
0xb3: {  	_ =	swait.ge [sflag:s29], $0x1  }
0xb4: {  	[sflag:s29] =	ssyncadd.s32 $0xFFFFFFFF  }
0xb5: {  	_ =	strace $0x9000004E  }
0xb6: {  	_ =	sfence  }
0xb7: {  	s30 =	sld [smem:$0x0];
	_ =	sdelay $0x2  }
0xb8: {  	s31 =	sshll.u32 s1, $0xD;
	s1 =	sshrl.u32 s1, $0x2  }
0xb9: {  	s3 =	sand.u32 $0x4000, s31;
	s1 =	sadd.s32 s1, s30  }
0xba: {  	s0 =	sor.u32 s3, s0;
	s1 =	sshll.u32 s1, $0x11  }
0xbb: {  	s0 =	sor.u32 s1, s0  }
0xbc: {  	s0 =	sadd.s32 $0x8F2B, s0  }
0xbd: {  	[sflag:s0] =	ssyncadd.remote.s32 $0x1  }
0xbe: {  	_ =	sfence.sel $0xFFFF  }
0xbf: {  	[dreg:$0x0] =	wrdreg $0xFFFFFFFF;
	(pc) =	sbr.abs _section_cstart, $3  }
0xc0: {  	[dreg:$0x1] =	wrdreg $0xFFFFFFFF  }
0xc1: {  	_ =	task.clear_ibuf [dreg:s6], $0x2FFFF;
	_ =	strace $0x9FFFFFFF  }
0xc2: {  	(tm) =	ssettm $0x7FFFFFFF  }
0xc3: {  	_ =	shalt  }
tec
execute0_lowered:
.L_overlay_start_1:
0x0: {  	(tag) =	ssettag $0x1  }
0x1: {  	s0 =	stileid.u32;
	s5 =	rddreg [dreg:$0x0]  }
0x2: {  	s1 =	srdreg.scid;
	s2 =	rddreg [dreg:$0x1]  }
0x3: {  	s3 =	simm.s32 $0x0;
	s13 =	simm.s32 $0x1;
	s6 =	smul.u32 $0xD000, s0  }
0x4: {  	s14 =	simm.s32 $0x80;
	s15 =	simm.s32 $0x0;
	s8 =	smul.u32 $0x14000, s0  }
0x5: {  	s4 =	sand.u32 $0x1, s1;
	s23 =	sshll.u32 s0, $0x1;
	s11 =	smul.u32 $0x50000, s0  }
0x6: {  	[smem:$0x7FF] =	sst s3;
	s31 =	sshll.u32 s0, $0x6;
	s9 =	smul.u32 $0x140000, s4  }
0x7: {  	s1 =	sor.u32 s4, s23;
	s26 =	ssub.s32 $0x2, s4;
	s30 =	smul.u32 $0x6800, s4  }
0x8: {  	s7 =	smul.u32 $0xD0, s1;
	s1 =	rddreg [dreg:$0x2];
	_ =	strace $0x8000004D  }
0x9: {  	s10 =	sadd.s32 s6, s5;
	s25 =	sshrl.u32 s8, $0x3;
	s28 =	sshrl.u32 s26, $0x1  }
0xa: {  	s29 =	sshrl.u32 s11, $0x2;
	s11 =	simm.s32 $0x2;
	s8 =	sadd.s32 s8, s9  }
0xb: {  	s9 =	ssub.s32 s26, s28;
	s12 =	sadd.s32 s29, s2;
	s10 =	sadd.s32 s30, s10  }
0xc: {  	s24 =	sadd.s32 s7, s5;
	s8 =	sshrl.u32 s8, $0x3;
	s7 =	sadd.s32 s25, s5  }
0xd: {  	s8 =	sadd.s32 s8, s5;
	s4 =	sadd.s32 $0x106E00, s7;
	s5 =	sor.u32 $0x1C02, s31  }
0xe: {  	s6 =	sadd.s32 $0x8800, s24;
	s7 =	sadd.s32 $0x2CEE00, s8;
	s8 =	smax.u32 s9, $0x1  }
0xf: {  	s9 =	sadd.s32 $0x1FEE00, s10;
	s10 =	sshrl.u32 s12, $0x3;
	s12 =	simm.s32 $0x680  }
.LBB2_1:
0x10: {  	[spmem:s10], [sflag:s5] =	dma.local [hbm:s4], $0x2800  }
0x11: {  	_ =	swait.ge [sflag:s11], $0x2800  }
0x12: {  	[sflag:s11] =	ssyncset.done $0x0  }
0x13: {  	[sflag:s11] =	ssyncadd.s32 $0xFFFFD800  }
0x14: {  	[tilespmem:s3], [sflag:$0x2] =	stream.linear.gather [hbm4b:s6+s3], $0x680, $0x38;
	[tilespmem:$0x18680] =	vst v63  }
0x15: {  	_ =	swait.ge [sflag:s11], $0x680  }
0x16: {  	[sflag:s11] =	ssyncset.done $0x0  }
0x17: {  	[sflag:s11] =	ssyncadd.s32 $0xFFFFF980  }
0x18: {  	[bflag:$0x0] =	sbarrier.arrive $0xFFFF  }
0x19: {  	[tilespmem:s12], [sflag:$0x1] =	stream.linear.gather [hbm4b:s9+s3], $0x4000, $0x38;
	[tilespmem:$0x18680] =	vst v63  }
0x1a: {  	_ =	swait.ge [sflag:s13], $0x4000  }
0x1b: {  	[sflag:s13] =	ssyncset.done $0x0  }
0x1c: {  	s16 =	simm.s32 $0x0;
	[sflag:s13] =	ssyncadd.s32 $0xFFFFC000  }
0x1d: {  	[spmem:s2] =	stream.indirect.scatter.add.f32 [tilespmem:s12], [sflag:$0x2], $0x80, s16, s14, $0xb8;
	[tilespmem:$0x18680] =	vst v63  }
0x1e: {  	_ =	swait.ge [sflag:s11], $0x4000  }
0x1f: {  	s17 =	smov.u32 s9;
	s16 =	simm.s32 $0x200;
	[sflag:s11] =	ssyncset.done $0x0  }
.LBB2_2:
0x20: {  	p0 =	sne.s32 s16, $0x1800;
	[sflag:s11] =	ssyncadd.s32 $0xFFFFC000;
	s17 =	sadd.s32 $0x800, s17  }
0x21: {  	[tilespmem:s12], [sflag:$0x1] =	stream.linear.gather [hbm4b:s17+s3], $0x4000, $0x38;
	[tilespmem:$0x18680] =	vst v63  }
0x22: {  	s18 =	smov.u32 s16;
	s16 =	sadd.s32 $0x200, s16;
	_ =	swait.ge [sflag:s13], $0x4000  }
.Ltmp0:
0x23: {  	[sflag:s13] =	ssyncset.done $0x0;
	(pc) =	sbr.rel @p0 .LBB2_2-.Ltmp0, $4  }
0x24: {  	s18 =	sshra.s32 s18, $0x2;
	[sflag:s13] =	ssyncadd.s32 $0xFFFFC000  }
0x25: {  	[spmem:s2] =	stream.indirect.scatter.add.f32 [tilespmem:s12], [sflag:$0x2], $0x80, s18, s14, $0xb8;
	[tilespmem:$0x18680] =	vst v63  }
0x26: {  	_ =	swait.ge [sflag:s11], $0x4000  }
0x27: {  	[sflag:s11] =	ssyncset.done $0x0  }
0x28: {  	s15 =	sadd.s32 $0x1, s15  }
0x29: {  	[sflag:s11] =	ssyncadd.s32 $0xFFFFC000;
	p0 =	sne.s32 s15, s8  }
.Ltmp1:
0x2a: {  	[bflag:$0x0] =	sbarrier.arrive $0xFFFF;
	(pc) =	sbr.rel @p0 .LBB2_1-.Ltmp1, $4  }
0x2b: {  	[hbm:s7], [sflag:s5] =	dma.local [spmem:s10], $0x2800  }
0x2c: {  	_ =	swait.ge [sflag:s11], $0x2800  }
0x2d: {  	[sflag:s11] =	ssyncset.done $0x0  }
0x2e: {  	[sflag:s11] =	ssyncadd.s32 $0xFFFFD800  }
0x2f: {  	_ =	sfence.sel $0x180000  }
0x30: {  	[bflag:$0x0] =	sbarrier.arrive $0xFFFF  }
0x31: {  	p0 =	sne.s32 s0, $0x0;
	_ =	strace $0x9000004D  }
0x32: {  	s0 =	sadd.s32 @!p0 $0x100000, s1;
	[bflag:$0x2] =	sbarrier.arrive $0xFFFF  }
0x33: {  	[sflag:s0] =	ssyncadd.tile.s32 @!p0 $0x1;
	_ =	shalt  }
.Lfunc_end2:
_tile_overlayer_lowered:
.L_overlay_start_2:
0x34: {  	(tag) =	ssettag $0x2  }
0x35: {  	s0 =	rddreg [dreg:$0x0];
	s2 =	stileid.u32  }
0x36: {  	s1 =	rddreg [dreg:$0x1];
	p0 =	sne.s32 s2, $0x0  }
0x37: {  	s3 =	rddreg [dreg:$0x2];
	[bflag:$0x3] =	sbarrier.arrive $0xFFFF;
	s2 =	simm.s32 @!p0 $0x1C02  }
0x38: {  	[timem:s3], [sflag:s2] =	dma.local @!p0 [hbm:s0], s1  }
0x39: {  	s0 =	simm.s32 @!p0 $0x2  }
0x3a: {  	_ =	swait.ge @!p0 [sflag:s0], s1  }
0x3b: {  	s1 =	ssub.s32 @!p0 $0x0, s1;
	[sflag:s0] =	ssyncset.done @!p0 $0x0  }
0x3c: {  	[sflag:s0] =	ssyncadd.s32 @!p0 s1  }
0x3d: {  	[bflag:$0x3] =	sbarrier.arrive $0xFFFF  }
0x3e: {  	_ =	shalt  }

// kernel: kernel.25.cloned.1.call-start
scs
__scs_entry_jumppad:
0x0: {  	(pc) =	sbr.rel $0x88, $3  }
0x1: {  	(tag) =	ssettag $0x0;
	lr =	simm.s32 $0x1  }
0x2: {  	[smem:$0x3F91] =	sst lr;
	_ =	strace $0xD0000000  }
0x3: {  	_ = 	snop  }
0x4: {  	_ = 	snop  }
0x5: {  	_ = 	snop  }
0x6: {  	_ = 	snop  }
0x7: {  	_ = 	snop  }
__scs_overlays_trampoline_lowered:
0x8: {  	[smem:$0x3FA0] =	sst s0  }
0x9: {  	[smem:$0x3FA1] =	sst s1  }
0xa: {  	[smem:$0x3FA2] =	sst s2  }
0xb: {  	[smem:$0x3FA3] =	sst s3  }
0xc: {  	[smem:$0x3FA4] =	sst s4  }
0xd: {  	[smem:$0x3FA5] =	sst s5  }
0xe: {  	[smem:$0x3FA6] =	sst s6  }
0xf: {  	[smem:$0x3FA7] =	sst s7  }
0x10: {  	[smem:$0x3FA8] =	sst s8  }
0x11: {  	[smem:$0x3FA9] =	sst s9;
	s0 =	simm.s32 @!p0 $0x0  }
0x12: {  	s1 =	sld [smem:$0x3F8F];
	s0 =	simm.s32 @p0 $0x1  }
0x13: {  	[smem:$0x3FAA] =	sst s0;
	s0 =	simm.s32 @!p1 $0x0  }
0x14: {  	s2 =	sld [smem:$0x3F8E];
	s0 =	simm.s32 @p1 $0x1  }
0x15: {  	[smem:$0x3FAB] =	sst s0;
	s0 =	simm.s32 @!p2 $0x0  }
0x16: {  	s3 =	sld [smem:$0x3FDB];
	s0 =	simm.s32 @p2 $0x1  }
0x17: {  	s4 =	simm.s32 $0x1BF5;
	[smem:$0x3FAD] =	sst s0  }
0x18: {  	s0 =	sld [smem:$0x3F90];
	_ =	swait.ge [sflag:s4], $0x0  }
0x19: {  	s7 =	sld [smem:$0x3F91]  }
0x1a: {  	s8 =	sadd.s32 $0xFFFFE003, lr  }
0x1b: {  	s9 =	sadd.s32 $0xFFFFFEF7, lr;
	s5 =	simm.s32 $0xFFFFFFFF;
	p2 =	slt.u32 s8, $0xFFFFF086  }
0x1c: {  	p1 =	slt.u32 s9, $0xF7A;
	s5 =	simm.s32 @!p2 $0x0  }
0x1d: {  	s5 =	simm.s32 @p1 $0x1;
	p0 =	seq.s32 s7, s2  }
0x1e: {  	s7 =	smul.u32 @!p0 $0xF7A, s2;
	p2 =	seq.s32 @!p0 s5, $0x0  }
0x1f: {  	s9 =	smul.u32 $0xF7A, s1;
	s8 =	simm.s32 @!p0 $0x1BF5;
	p2 =	por !p2, p0  }
0x20: {  	[sflag:s8] =	ssyncset.s32 @!p0 $0xFFFFF086;
	s6 =	sadd.s32 @!p0 s3, s7;
	s7 =	simm.s32 @!p0 $0x108  }
0x21: {  	s3 =	sadd.s32 s3, s9;
	s6 =	sadd.s32 @!p0 $0x88, s6;
	s7 =	simm.s32 @p2 $0x1082  }
0x22: {  	[simem:s7], [sflag:s8] =	dma.local @!p0 [hbm:s6], $0xF7A  }
0x23: {  	s9 =	sor.u32 $0xD0000000, s2;
	s6 =	simm.s32 $0x108;
	_ =	swait.ge @!p0 [sflag:s8], $0x0  }
0x24: {  	s3 =	sadd.s32 $0x88, s3;
	s6 =	simm.s32 @!p1 $0x1082;
	[sflag:s4] =	ssyncset.s32 $0xFFFFF086  }
0x25: {  	[simem:s6], [sflag:s4] =	dma.local [hbm:s3], $0xF7A  }
0x26: {  	[smem:$0x3F91] =	sst s1;
	(tag) =	ssettag s2;
	_ =	strace s9  }
0x27: {  	s1 =	sld [smem:$0x3FA1]  }
0x28: {  	s2 =	sld [smem:$0x3FA2]  }
0x29: {  	s4 =	sld [smem:$0x3FA4]  }
0x2a: {  	p0 =	seq.s32 s5, $0x0;
	s5 =	sld [smem:$0x3FA5]  }
0x2b: {  	s6 =	sld [smem:$0x3FA6]  }
0x2c: {  	s7 =	sld [smem:$0x3FA7]  }
0x2d: {  	s3 =	simm.s32 $0x108;
	s8 =	sld [smem:$0x3FA8]  }
0x2e: {  	s3 =	simm.s32 @!p0 $0x1082;
	s9 =	sld [smem:$0x3FA9]  }
0x2f: {  	lr =	sadd.s32 s0, s3;
	s0 =	sld [smem:$0x3FA0]  }
0x30: {  	s3 =	sld [smem:$0x3FA3]  }
0x31: {  	[smem:$0x3FAC] =	sst s10  }
0x32: {  	s10 =	sld [smem:$0x3FAA];
	_ =	sdelay $0x3  }
0x33: {  	p0 =	seq.s32 s10, $0x1;
	s10 =	sld [smem:$0x3FAC];
	_ =	sdelay $0x3  }
0x34: {  	[smem:$0x3FAC] =	sst s10  }
0x35: {  	s10 =	sld [smem:$0x3FAB];
	_ =	sdelay $0x3  }
0x36: {  	p1 =	seq.s32 s10, $0x1;
	s10 =	sld [smem:$0x3FAC];
	_ =	sdelay $0x3  }
0x37: {  	[smem:$0x3FAC] =	sst s10  }
0x38: {  	s10 =	sld [smem:$0x3FAD]  }
0x39: {  	_ = 	snop;
	(pc) =	sbr.ind lr, $3  }
0x3a: {  	_ = 	snop  }
0x3b: {  	_ = 	snop  }
0x3c: {  	p2 =	seq.s32 s10, $0x1;
	s10 =	sld [smem:$0x3FAC]  }
0x3d: {  	_ =	shalt  }
0x3e: {  	_ =	shalt  }
0x3f: {  	_ =	shalt  }
0x40: {  	_ =	shalt  }
0x41: {  	_ =	shalt  }
0x42: {  	_ =	shalt  }
0x43: {  	_ =	shalt  }
0x44: {  	_ =	shalt  }
0x45: {  	_ =	shalt  }
0x46: {  	_ =	shalt  }
0x47: {  	_ =	shalt  }
0x48: {  	_ =	shalt  }
0x49: {  	_ =	shalt  }
0x4a: {  	_ =	shalt  }
0x4b: {  	_ =	shalt  }
0x4c: {  	_ =	shalt  }
0x4d: {  	_ =	shalt  }
0x4e: {  	_ =	shalt  }
0x4f: {  	_ =	shalt  }
0x50: {  	_ =	shalt  }
0x51: {  	_ =	shalt  }
0x52: {  	_ =	shalt  }
0x53: {  	_ =	shalt  }
0x54: {  	_ =	shalt  }
0x55: {  	_ =	shalt  }
0x56: {  	_ =	shalt  }
0x57: {  	_ =	shalt  }
0x58: {  	_ =	shalt  }
0x59: {  	_ =	shalt  }
0x5a: {  	_ =	shalt  }
0x5b: {  	_ =	shalt  }
0x5c: {  	_ =	shalt  }
0x5d: {  	_ =	shalt  }
0x5e: {  	_ =	shalt  }
0x5f: {  	_ =	shalt  }
0x60: {  	_ =	shalt  }
0x61: {  	_ =	shalt  }
0x62: {  	_ =	shalt  }
0x63: {  	_ =	shalt  }
0x64: {  	_ =	shalt  }
0x65: {  	_ =	shalt  }
0x66: {  	_ =	shalt  }
0x67: {  	_ =	shalt  }
0x68: {  	_ =	shalt  }
0x69: {  	_ =	shalt  }
0x6a: {  	_ =	shalt  }
0x6b: {  	_ =	shalt  }
0x6c: {  	_ =	shalt  }
0x6d: {  	_ =	shalt  }
0x6e: {  	_ =	shalt  }
0x6f: {  	_ =	shalt  }
0x70: {  	_ =	shalt  }
0x71: {  	_ =	shalt  }
0x72: {  	_ =	shalt  }
0x73: {  	_ =	shalt  }
0x74: {  	_ =	shalt  }
0x75: {  	_ =	shalt  }
0x76: {  	_ =	shalt  }
0x77: {  	_ =	shalt  }
0x78: {  	_ =	shalt  }
0x79: {  	_ =	shalt  }
0x7a: {  	_ =	shalt  }
0x7b: {  	_ =	shalt  }
0x7c: {  	_ =	shalt  }
0x7d: {  	_ =	shalt  }
0x7e: {  	_ =	shalt  }
0x7f: {  	_ =	shalt  }
0x80: {  	_ =	shalt  }
0x81: {  	_ =	shalt  }
0x82: {  	_ =	shalt  }
0x83: {  	_ =	shalt  }
0x84: {  	_ =	shalt  }
0x85: {  	_ =	shalt  }
0x86: {  	_ =	shalt  }
0x87: {  	_ =	shalt  }
.Lfunc_end0:
.L_simem_size_0:
called_computation.3_lowered:
.L_overlay_start_0:
0x88: {  	s2 =	sld [smem:$0x3FD9]  }
0x89: {  	s3 =	sld [smem:$0x3FFE];
	_ =	sdelay $0x1  }
0x8a: {  	s1 =	srdreg.scid  }
0x8b: {  	s0 =	sand.u32 $0x1, s1  }
0x8c: {  	s16 =	sshll.u32 s0, $0xA;
	s2 =	sadd.s32 s3, s2  }
0x8d: {  	s2 =	sadd.s32 s2, s16  }
0x8e: {  	[smem:$0x3FB8] =	sst s2  }
0x8f: {  	_ = 	snop  }
0x90: {  	(tm) =	ssettm $0x1  }
0x91: {  	s17 =	sld [smem:$0x3FFB];
	_ =	sdelay $0x3  }
0x92: {  	_ =	strace s17  }
0x93: {  	s2 =	sld [smem:$0x3FFC];
	_ =	sdelay $0x3  }
0x94: {  	_ =	strace s2  }
0x95: {  	s2 =	sld [smem:$0x3FFD];
	_ =	sdelay $0x3  }
0x96: {  	_ =	strace s2  }
0x97: {  	_ =	strace $0x8FFFFFFF  }
0x98: {  	s18 =	sld [smem:$0x3FDB];
	_ =	sdelay $0x1  }
0x99: {  	s19 =	simm.s32 $_scs_section_size  }
0x9a: {  	s4 =	simm.s32 $_size__tile_overlayer_lowered;
	s5 =	simm.s32 $_tile_overlayer_lowered  }
0x9b: {  	s22 =	simm.s32 $0x1BFF;
	s21 =	sshll.u32 s5, $0x1;
	s2 =	sadd.s32 s19, s18  }
0x9c: {  	s6 =	simm.s32 $0x0;
	s20 =	sshll.u32 s4, $0x1;
	s4 =	sadd.s32 s21, s2  }
0x9d: {  	[timem:s6], [sflag:s22] =	dma.local [hbm:s4], s20  }
0x9e: {  	_ =	swait.ge [sflag:s22], s20  }
0x9f: {  	s3 =	ssub.s32 $0x0, s20;
	[sflag:s22] =	ssyncset.done $0x0  }
0xa0: {  	[sflag:s22] =	ssyncadd.s32 s3;
	_ =	sdelay $0x1  }
0xa1: {  	s23 =	simm.s32 $0x1B8B  }
0xa2: {  	_ =	swait.ge [sflag:s23], $0x1  }
0xa3: {  	[sflag:s23] =	ssyncset.done $0x0  }
0xa4: {  	s25 =	simm.s32 $0x1B8E;
	s24 =	sld [smem:$0x3FFE];
	[sflag:s23] =	ssyncadd.s32 $0xFFFFFFFF  }
0xa5: {  	s26 =	simm.s32 $execute0_lowered;
	[smem:$0x3FD2] =	sst s25  }
0xa6: {  	s4 =	sshll.u32 s26, $0x1;
	_ =	strace $0x8000004F;
	[dreg:$0x1] =	wrdreg $0xFFFFFFFF  }
0xa7: {  	s28 =	simm.s32 $_size_execute0_lowered;
	s2 =	sadd.s32 s2, s4;
	[dreg:$0x0] =	wrdreg $0x0  }
0xa8: {  	s4 =	sshll.u32 s28, $0x1;
	[dreg:$0x2] =	wrdreg s2  }
0xa9: {  	[dreg:$0x3] =	wrdreg s4  }
0xaa: {  	[dreg:$0x4] =	wrdreg $0xC0  }
0xab: {  	_ =	task [dreg:s6], $0x5FFFF  }
0xac: {  	[dreg:$0x1] =	wrdreg $0xFFFFFFFF  }
0xad: {  	[dreg:$0x0] =	wrdreg $0x60  }
0xae: {  	[dreg:$0x2] =	wrdreg s24  }
0xaf: {  	[dreg:$0x3] =	wrdreg $0x46800  }
0xb0: {  	[dreg:$0x4] =	wrdreg $0x9  }
0xb1: {  	_ =	task.clear_ibuf [dreg:s6], $0x5FFFF;
	_ =	strace $0x9000004F  }
0xb2: {  	s29 =	simm.s32 $0x9;
	_ =	strace $0x80000051  }
0xb3: {  	_ =	swait.ge [sflag:s29], $0x1  }
0xb4: {  	[sflag:s29] =	ssyncadd.s32 $0xFFFFFFFF  }
0xb5: {  	_ =	strace $0x90000051  }
0xb6: {  	_ =	sfence  }
0xb7: {  	s30 =	sld [smem:$0x0];
	_ =	sdelay $0x2  }
0xb8: {  	s31 =	sshll.u32 s1, $0xD;
	s1 =	sshrl.u32 s1, $0x2  }
0xb9: {  	s3 =	sand.u32 $0x4000, s31;
	s1 =	sadd.s32 s1, s30  }
0xba: {  	s0 =	sor.u32 s3, s0;
	s1 =	sshll.u32 s1, $0x11  }
0xbb: {  	s0 =	sor.u32 s1, s0  }
0xbc: {  	s0 =	sadd.s32 $0x8F2B, s0  }
0xbd: {  	[sflag:s0] =	ssyncadd.remote.s32 $0x1  }
0xbe: {  	_ =	sfence.sel $0xFFFF  }
0xbf: {  	[dreg:$0x0] =	wrdreg $0xFFFFFFFF;
	(pc) =	sbr.abs _section_cstart, $3  }
0xc0: {  	[dreg:$0x1] =	wrdreg $0xFFFFFFFF  }
0xc1: {  	_ =	task.clear_ibuf [dreg:s6], $0x2FFFF;
	_ =	strace $0x9FFFFFFF  }
0xc2: {  	(tm) =	ssettm $0x7FFFFFFF  }
0xc3: {  	_ =	shalt  }
tec
execute0_lowered:
.L_overlay_start_1:
0x0: {  	(tag) =	ssettag $0x1  }
0x1: {  	s0 =	stileid.u32;
	s5 =	rddreg [dreg:$0x0]  }
0x2: {  	s1 =	srdreg.scid;
	s2 =	rddreg [dreg:$0x1]  }
0x3: {  	s3 =	simm.s32 $0x0;
	s13 =	simm.s32 $0x1;
	s6 =	smul.u32 $0xD000, s0  }
0x4: {  	s14 =	simm.s32 $0x80;
	s15 =	simm.s32 $0x0;
	s8 =	smul.u32 $0x14000, s0  }
0x5: {  	s4 =	sand.u32 $0x1, s1;
	s23 =	sshll.u32 s0, $0x1;
	s11 =	smul.u32 $0x50000, s0  }
0x6: {  	[smem:$0x7FF] =	sst s3;
	s31 =	sshll.u32 s0, $0x6;
	s9 =	smul.u32 $0x140000, s4  }
0x7: {  	s1 =	sor.u32 s4, s23;
	s26 =	ssub.s32 $0x2, s4;
	s30 =	smul.u32 $0x6800, s4  }
0x8: {  	s7 =	smul.u32 $0xD0, s1;
	s1 =	rddreg [dreg:$0x2];
	_ =	strace $0x80000050  }
0x9: {  	s10 =	sadd.s32 s6, s5;
	s25 =	sshrl.u32 s8, $0x3;
	s28 =	sshrl.u32 s26, $0x1  }
0xa: {  	s29 =	sshrl.u32 s11, $0x2;
	s11 =	simm.s32 $0x2;
	s8 =	sadd.s32 s8, s9  }
0xb: {  	s9 =	ssub.s32 s26, s28;
	s12 =	sadd.s32 s29, s2;
	s10 =	sadd.s32 s30, s10  }
0xc: {  	s24 =	sadd.s32 s7, s5;
	s8 =	sshrl.u32 s8, $0x3;
	s7 =	sadd.s32 s25, s5  }
0xd: {  	s8 =	sadd.s32 s8, s5;
	s4 =	sadd.s32 $0x106E00, s7;
	s5 =	sor.u32 $0x1C02, s31  }
0xe: {  	s6 =	sadd.s32 $0x31EE00, s24;
	s7 =	sadd.s32 $0x320800, s8;
	s8 =	smax.u32 s9, $0x1  }
0xf: {  	s9 =	sadd.s32 $0x32200, s10;
	s10 =	sshrl.u32 s12, $0x3;
	s12 =	simm.s32 $0x680  }
.LBB2_1:
0x10: {  	[spmem:s10], [sflag:s5] =	dma.local [hbm:s4], $0x2800  }
0x11: {  	_ =	swait.ge [sflag:s11], $0x2800  }
0x12: {  	[sflag:s11] =	ssyncset.done $0x0  }
0x13: {  	[sflag:s11] =	ssyncadd.s32 $0xFFFFD800  }
0x14: {  	[tilespmem:s3], [sflag:$0x2] =	stream.linear.gather [hbm4b:s6+s3], $0x680, $0x38;
	[tilespmem:$0x18680] =	vst v63  }
0x15: {  	_ =	swait.ge [sflag:s11], $0x680  }
0x16: {  	[sflag:s11] =	ssyncset.done $0x0  }
0x17: {  	[sflag:s11] =	ssyncadd.s32 $0xFFFFF980  }
0x18: {  	[bflag:$0x0] =	sbarrier.arrive $0xFFFF  }
0x19: {  	[tilespmem:s12], [sflag:$0x1] =	stream.linear.gather [hbm4b:s9+s3], $0x4000, $0x38;
	[tilespmem:$0x18680] =	vst v63  }
0x1a: {  	_ =	swait.ge [sflag:s13], $0x4000  }
0x1b: {  	[sflag:s13] =	ssyncset.done $0x0  }
0x1c: {  	s16 =	simm.s32 $0x0;
	[sflag:s13] =	ssyncadd.s32 $0xFFFFC000  }
0x1d: {  	[spmem:s2] =	stream.indirect.scatter.add.f32 [tilespmem:s12], [sflag:$0x2], $0x80, s16, s14, $0xb8;
	[tilespmem:$0x18680] =	vst v63  }
0x1e: {  	_ =	swait.ge [sflag:s11], $0x4000  }
0x1f: {  	s17 =	smov.u32 s9;
	s16 =	simm.s32 $0x200;
	[sflag:s11] =	ssyncset.done $0x0  }
.LBB2_2:
0x20: {  	p0 =	sne.s32 s16, $0x1800;
	[sflag:s11] =	ssyncadd.s32 $0xFFFFC000;
	s17 =	sadd.s32 $0x800, s17  }
0x21: {  	[tilespmem:s12], [sflag:$0x1] =	stream.linear.gather [hbm4b:s17+s3], $0x4000, $0x38;
	[tilespmem:$0x18680] =	vst v63  }
0x22: {  	s18 =	smov.u32 s16;
	s16 =	sadd.s32 $0x200, s16;
	_ =	swait.ge [sflag:s13], $0x4000  }
.Ltmp0:
0x23: {  	[sflag:s13] =	ssyncset.done $0x0;
	(pc) =	sbr.rel @p0 .LBB2_2-.Ltmp0, $4  }
0x24: {  	s18 =	sshra.s32 s18, $0x2;
	[sflag:s13] =	ssyncadd.s32 $0xFFFFC000  }
0x25: {  	[spmem:s2] =	stream.indirect.scatter.add.f32 [tilespmem:s12], [sflag:$0x2], $0x80, s18, s14, $0xb8;
	[tilespmem:$0x18680] =	vst v63  }
0x26: {  	_ =	swait.ge [sflag:s11], $0x4000  }
0x27: {  	[sflag:s11] =	ssyncset.done $0x0  }
0x28: {  	s15 =	sadd.s32 $0x1, s15  }
0x29: {  	[sflag:s11] =	ssyncadd.s32 $0xFFFFC000;
	p0 =	sne.s32 s15, s8  }
.Ltmp1:
0x2a: {  	[bflag:$0x0] =	sbarrier.arrive $0xFFFF;
	(pc) =	sbr.rel @p0 .LBB2_1-.Ltmp1, $4  }
0x2b: {  	[hbm:s7], [sflag:s5] =	dma.local [spmem:s10], $0x2800  }
0x2c: {  	_ =	swait.ge [sflag:s11], $0x2800  }
0x2d: {  	[sflag:s11] =	ssyncset.done $0x0  }
0x2e: {  	[sflag:s11] =	ssyncadd.s32 $0xFFFFD800  }
0x2f: {  	_ =	sfence.sel $0x180000  }
0x30: {  	[bflag:$0x0] =	sbarrier.arrive $0xFFFF  }
0x31: {  	p0 =	sne.s32 s0, $0x0;
	_ =	strace $0x90000050  }
0x32: {  	s0 =	sadd.s32 @!p0 $0x100000, s1;
	[bflag:$0x2] =	sbarrier.arrive $0xFFFF  }
0x33: {  	[sflag:s0] =	ssyncadd.tile.s32 @!p0 $0x1;
	_ =	shalt  }
.Lfunc_end2:
_tile_overlayer_lowered:
.L_overlay_start_2:
0x34: {  	(tag) =	ssettag $0x2  }
0x35: {  	s0 =	rddreg [dreg:$0x0];
	s2 =	stileid.u32  }
0x36: {  	s1 =	rddreg [dreg:$0x1];
	p0 =	sne.s32 s2, $0x0  }
0x37: {  	s3 =	rddreg [dreg:$0x2];
	[bflag:$0x3] =	sbarrier.arrive $0xFFFF;
	s2 =	simm.s32 @!p0 $0x1C02  }
0x38: {  	[timem:s3], [sflag:s2] =	dma.local @!p0 [hbm:s0], s1  }
0x39: {  	s0 =	simm.s32 @!p0 $0x2  }
0x3a: {  	_ =	swait.ge @!p0 [sflag:s0], s1  }
0x3b: {  	s1 =	ssub.s32 @!p0 $0x0, s1;
	[sflag:s0] =	ssyncset.done @!p0 $0x0  }
0x3c: {  	[sflag:s0] =	ssyncadd.s32 @!p0 s1  }
0x3d: {  	[bflag:$0x3] =	sbarrier.arrive $0xFFFF  }
0x3e: {  	_ =	shalt  }

// kernel: kernel.28.cloned.1.call-start
scs
__scs_entry_jumppad:
0x0: {  	(pc) =	sbr.rel $0x88, $3  }
0x1: {  	(tag) =	ssettag $0x0;
	lr =	simm.s32 $0x1  }
0x2: {  	[smem:$0x3F91] =	sst lr;
	_ =	strace $0xD0000000  }
0x3: {  	_ = 	snop  }
0x4: {  	_ = 	snop  }
0x5: {  	_ = 	snop  }
0x6: {  	_ = 	snop  }
0x7: {  	_ = 	snop  }
__scs_overlays_trampoline_lowered:
0x8: {  	[smem:$0x3FA0] =	sst s0  }
0x9: {  	[smem:$0x3FA1] =	sst s1  }
0xa: {  	[smem:$0x3FA2] =	sst s2  }
0xb: {  	[smem:$0x3FA3] =	sst s3  }
0xc: {  	[smem:$0x3FA4] =	sst s4  }
0xd: {  	[smem:$0x3FA5] =	sst s5  }
0xe: {  	[smem:$0x3FA6] =	sst s6  }
0xf: {  	[smem:$0x3FA7] =	sst s7  }
0x10: {  	[smem:$0x3FA8] =	sst s8  }
0x11: {  	[smem:$0x3FA9] =	sst s9;
	s0 =	simm.s32 @!p0 $0x0  }
0x12: {  	s1 =	sld [smem:$0x3F8F];
	s0 =	simm.s32 @p0 $0x1  }
0x13: {  	[smem:$0x3FAA] =	sst s0;
	s0 =	simm.s32 @!p1 $0x0  }
0x14: {  	s2 =	sld [smem:$0x3F8E];
	s0 =	simm.s32 @p1 $0x1  }
0x15: {  	[smem:$0x3FAB] =	sst s0;
	s0 =	simm.s32 @!p2 $0x0  }
0x16: {  	s3 =	sld [smem:$0x3FDB];
	s0 =	simm.s32 @p2 $0x1  }
0x17: {  	s4 =	simm.s32 $0x1BF5;
	[smem:$0x3FAD] =	sst s0  }
0x18: {  	s0 =	sld [smem:$0x3F90];
	_ =	swait.ge [sflag:s4], $0x0  }
0x19: {  	s7 =	sld [smem:$0x3F91]  }
0x1a: {  	s8 =	sadd.s32 $0xFFFFE003, lr  }
0x1b: {  	s9 =	sadd.s32 $0xFFFFFEF7, lr;
	s5 =	simm.s32 $0xFFFFFFFF;
	p2 =	slt.u32 s8, $0xFFFFF086  }
0x1c: {  	p1 =	slt.u32 s9, $0xF7A;
	s5 =	simm.s32 @!p2 $0x0  }
0x1d: {  	s5 =	simm.s32 @p1 $0x1;
	p0 =	seq.s32 s7, s2  }
0x1e: {  	s7 =	smul.u32 @!p0 $0xF7A, s2;
	p2 =	seq.s32 @!p0 s5, $0x0  }
0x1f: {  	s9 =	smul.u32 $0xF7A, s1;
	s8 =	simm.s32 @!p0 $0x1BF5;
	p2 =	por !p2, p0  }
0x20: {  	[sflag:s8] =	ssyncset.s32 @!p0 $0xFFFFF086;
	s6 =	sadd.s32 @!p0 s3, s7;
	s7 =	simm.s32 @!p0 $0x108  }
0x21: {  	s3 =	sadd.s32 s3, s9;
	s6 =	sadd.s32 @!p0 $0x88, s6;
	s7 =	simm.s32 @p2 $0x1082  }
0x22: {  	[simem:s7], [sflag:s8] =	dma.local @!p0 [hbm:s6], $0xF7A  }
0x23: {  	s9 =	sor.u32 $0xD0000000, s2;
	s6 =	simm.s32 $0x108;
	_ =	swait.ge @!p0 [sflag:s8], $0x0  }
0x24: {  	s3 =	sadd.s32 $0x88, s3;
	s6 =	simm.s32 @!p1 $0x1082;
	[sflag:s4] =	ssyncset.s32 $0xFFFFF086  }
0x25: {  	[simem:s6], [sflag:s4] =	dma.local [hbm:s3], $0xF7A  }
0x26: {  	[smem:$0x3F91] =	sst s1;
	(tag) =	ssettag s2;
	_ =	strace s9  }
0x27: {  	s1 =	sld [smem:$0x3FA1]  }
0x28: {  	s2 =	sld [smem:$0x3FA2]  }
0x29: {  	s4 =	sld [smem:$0x3FA4]  }
0x2a: {  	p0 =	seq.s32 s5, $0x0;
	s5 =	sld [smem:$0x3FA5]  }
0x2b: {  	s6 =	sld [smem:$0x3FA6]  }
0x2c: {  	s7 =	sld [smem:$0x3FA7]  }
0x2d: {  	s3 =	simm.s32 $0x108;
	s8 =	sld [smem:$0x3FA8]  }
0x2e: {  	s3 =	simm.s32 @!p0 $0x1082;
	s9 =	sld [smem:$0x3FA9]  }
0x2f: {  	lr =	sadd.s32 s0, s3;
	s0 =	sld [smem:$0x3FA0]  }
0x30: {  	s3 =	sld [smem:$0x3FA3]  }
0x31: {  	[smem:$0x3FAC] =	sst s10  }
0x32: {  	s10 =	sld [smem:$0x3FAA];
	_ =	sdelay $0x3  }
0x33: {  	p0 =	seq.s32 s10, $0x1;
	s10 =	sld [smem:$0x3FAC];
	_ =	sdelay $0x3  }
0x34: {  	[smem:$0x3FAC] =	sst s10  }
0x35: {  	s10 =	sld [smem:$0x3FAB];
	_ =	sdelay $0x3  }
0x36: {  	p1 =	seq.s32 s10, $0x1;
	s10 =	sld [smem:$0x3FAC];
	_ =	sdelay $0x3  }
0x37: {  	[smem:$0x3FAC] =	sst s10  }
0x38: {  	s10 =	sld [smem:$0x3FAD]  }
0x39: {  	_ = 	snop;
	(pc) =	sbr.ind lr, $3  }
0x3a: {  	_ = 	snop  }
0x3b: {  	_ = 	snop  }
0x3c: {  	p2 =	seq.s32 s10, $0x1;
	s10 =	sld [smem:$0x3FAC]  }
0x3d: {  	_ =	shalt  }
0x3e: {  	_ =	shalt  }
0x3f: {  	_ =	shalt  }
0x40: {  	_ =	shalt  }
0x41: {  	_ =	shalt  }
0x42: {  	_ =	shalt  }
0x43: {  	_ =	shalt  }
0x44: {  	_ =	shalt  }
0x45: {  	_ =	shalt  }
0x46: {  	_ =	shalt  }
0x47: {  	_ =	shalt  }
0x48: {  	_ =	shalt  }
0x49: {  	_ =	shalt  }
0x4a: {  	_ =	shalt  }
0x4b: {  	_ =	shalt  }
0x4c: {  	_ =	shalt  }
0x4d: {  	_ =	shalt  }
0x4e: {  	_ =	shalt  }
0x4f: {  	_ =	shalt  }
0x50: {  	_ =	shalt  }
0x51: {  	_ =	shalt  }
0x52: {  	_ =	shalt  }
0x53: {  	_ =	shalt  }
0x54: {  	_ =	shalt  }
0x55: {  	_ =	shalt  }
0x56: {  	_ =	shalt  }
0x57: {  	_ =	shalt  }
0x58: {  	_ =	shalt  }
0x59: {  	_ =	shalt  }
0x5a: {  	_ =	shalt  }
0x5b: {  	_ =	shalt  }
0x5c: {  	_ =	shalt  }
0x5d: {  	_ =	shalt  }
0x5e: {  	_ =	shalt  }
0x5f: {  	_ =	shalt  }
0x60: {  	_ =	shalt  }
0x61: {  	_ =	shalt  }
0x62: {  	_ =	shalt  }
0x63: {  	_ =	shalt  }
0x64: {  	_ =	shalt  }
0x65: {  	_ =	shalt  }
0x66: {  	_ =	shalt  }
0x67: {  	_ =	shalt  }
0x68: {  	_ =	shalt  }
0x69: {  	_ =	shalt  }
0x6a: {  	_ =	shalt  }
0x6b: {  	_ =	shalt  }
0x6c: {  	_ =	shalt  }
0x6d: {  	_ =	shalt  }
0x6e: {  	_ =	shalt  }
0x6f: {  	_ =	shalt  }
0x70: {  	_ =	shalt  }
0x71: {  	_ =	shalt  }
0x72: {  	_ =	shalt  }
0x73: {  	_ =	shalt  }
0x74: {  	_ =	shalt  }
0x75: {  	_ =	shalt  }
0x76: {  	_ =	shalt  }
0x77: {  	_ =	shalt  }
0x78: {  	_ =	shalt  }
0x79: {  	_ =	shalt  }
0x7a: {  	_ =	shalt  }
0x7b: {  	_ =	shalt  }
0x7c: {  	_ =	shalt  }
0x7d: {  	_ =	shalt  }
0x7e: {  	_ =	shalt  }
0x7f: {  	_ =	shalt  }
0x80: {  	_ =	shalt  }
0x81: {  	_ =	shalt  }
0x82: {  	_ =	shalt  }
0x83: {  	_ =	shalt  }
0x84: {  	_ =	shalt  }
0x85: {  	_ =	shalt  }
0x86: {  	_ =	shalt  }
0x87: {  	_ =	shalt  }
.Lfunc_end0:
.L_simem_size_0:
called_computation.4_lowered:
.L_overlay_start_0:
0x88: {  	s2 =	sld [smem:$0x3FD9]  }
0x89: {  	s3 =	sld [smem:$0x3FFE];
	_ =	sdelay $0x1  }
0x8a: {  	s1 =	srdreg.scid  }
0x8b: {  	s0 =	sand.u32 $0x1, s1  }
0x8c: {  	s16 =	sshll.u32 s0, $0xA;
	s2 =	sadd.s32 s3, s2  }
0x8d: {  	s2 =	sadd.s32 s2, s16  }
0x8e: {  	[smem:$0x3FB8] =	sst s2  }
0x8f: {  	_ = 	snop  }
0x90: {  	(tm) =	ssettm $0x1  }
0x91: {  	s17 =	sld [smem:$0x3FFB];
	_ =	sdelay $0x3  }
0x92: {  	_ =	strace s17  }
0x93: {  	s2 =	sld [smem:$0x3FFC];
	_ =	sdelay $0x3  }
0x94: {  	_ =	strace s2  }
0x95: {  	s2 =	sld [smem:$0x3FFD];
	_ =	sdelay $0x3  }
0x96: {  	_ =	strace s2  }
0x97: {  	_ =	strace $0x8FFFFFFF  }
0x98: {  	s18 =	sld [smem:$0x3FDB];
	_ =	sdelay $0x1  }
0x99: {  	s19 =	simm.s32 $_scs_section_size  }
0x9a: {  	s4 =	simm.s32 $_size__tile_overlayer_lowered;
	s5 =	simm.s32 $_tile_overlayer_lowered  }
0x9b: {  	s22 =	simm.s32 $0x1BFF;
	s21 =	sshll.u32 s5, $0x1;
	s2 =	sadd.s32 s19, s18  }
0x9c: {  	s6 =	simm.s32 $0x0;
	s20 =	sshll.u32 s4, $0x1;
	s4 =	sadd.s32 s21, s2  }
0x9d: {  	[timem:s6], [sflag:s22] =	dma.local [hbm:s4], s20  }
0x9e: {  	_ =	swait.ge [sflag:s22], s20  }
0x9f: {  	s3 =	ssub.s32 $0x0, s20;
	[sflag:s22] =	ssyncset.done $0x0  }
0xa0: {  	[sflag:s22] =	ssyncadd.s32 s3;
	_ =	sdelay $0x1  }
0xa1: {  	s23 =	simm.s32 $0x1B8B  }
0xa2: {  	_ =	swait.ge [sflag:s23], $0x1  }
0xa3: {  	[sflag:s23] =	ssyncset.done $0x0  }
0xa4: {  	s25 =	simm.s32 $0x1B8E;
	s24 =	sld [smem:$0x3FFE];
	[sflag:s23] =	ssyncadd.s32 $0xFFFFFFFF  }
0xa5: {  	s26 =	simm.s32 $execute0_lowered;
	[smem:$0x3FD2] =	sst s25  }
0xa6: {  	s4 =	sshll.u32 s26, $0x1;
	_ =	strace $0x80000052;
	[dreg:$0x1] =	wrdreg $0xFFFFFFFF  }
0xa7: {  	s28 =	simm.s32 $_size_execute0_lowered;
	s2 =	sadd.s32 s2, s4;
	[dreg:$0x0] =	wrdreg $0x0  }
0xa8: {  	s4 =	sshll.u32 s28, $0x1;
	[dreg:$0x2] =	wrdreg s2  }
0xa9: {  	[dreg:$0x3] =	wrdreg s4  }
0xaa: {  	[dreg:$0x4] =	wrdreg $0xC0  }
0xab: {  	_ =	task [dreg:s6], $0x5FFFF  }
0xac: {  	[dreg:$0x1] =	wrdreg $0xFFFFFFFF  }
0xad: {  	[dreg:$0x0] =	wrdreg $0x60  }
0xae: {  	[dreg:$0x2] =	wrdreg s24  }
0xaf: {  	[dreg:$0x3] =	wrdreg $0x9  }
0xb0: {  	_ =	task.clear_ibuf [dreg:s6], $0x4FFFF;
	_ =	strace $0x90000052  }
0xb1: {  	s29 =	simm.s32 $0x9;
	_ =	strace $0x80000054  }
0xb2: {  	_ =	swait.ge [sflag:s29], $0x1  }
0xb3: {  	[sflag:s29] =	ssyncadd.s32 $0xFFFFFFFF  }
0xb4: {  	_ =	strace $0x90000054  }
0xb5: {  	_ =	sfence  }
0xb6: {  	s30 =	sld [smem:$0x0];
	_ =	sdelay $0x2  }
0xb7: {  	s31 =	sshll.u32 s1, $0xD;
	s1 =	sshrl.u32 s1, $0x2  }
0xb8: {  	s3 =	sand.u32 $0x4000, s31;
	s1 =	sadd.s32 s1, s30  }
0xb9: {  	s0 =	sor.u32 s3, s0;
	s1 =	sshll.u32 s1, $0x11  }
0xba: {  	s0 =	sor.u32 s1, s0  }
0xbb: {  	s0 =	sadd.s32 $0x8F2B, s0  }
0xbc: {  	[sflag:s0] =	ssyncadd.remote.s32 $0x1  }
0xbd: {  	_ =	sfence.sel $0xFFFF  }
0xbe: {  	[dreg:$0x0] =	wrdreg $0xFFFFFFFF;
	(pc) =	sbr.abs _section_cstart, $3  }
0xbf: {  	[dreg:$0x1] =	wrdreg $0xFFFFFFFF  }
0xc0: {  	_ =	task.clear_ibuf [dreg:s6], $0x2FFFF;
	_ =	strace $0x9FFFFFFF  }
0xc1: {  	(tm) =	ssettm $0x7FFFFFFF  }
tec
execute0_lowered:
.L_overlay_start_1:
0x0: {  	(tag) =	ssettag $0x1  }
0x1: {  	s1 =	srdreg.scid  }
0x2: {  	s0 =	stileid.u32;
	s4 =	rddreg [dreg:$0x0];
	s2 =	simm.s32 $0x0  }
0x3: {  	s11 =	simm.s32 $0x0;
	s5 =	sand.u32 $0x1, s1;
	s1 =	rddreg [dreg:$0x1]  }
0x4: {  	s3 =	sshll.u32 s0, $0x1;
	[smem:$0x7FF] =	sst s2;
	s7 =	smul.u32 $0xD000, s0  }
0x5: {  	s3 =	sor.u32 s5, s3;
	_ =	strace $0x80000053;
	s10 =	smul.u32 $0x6800, s5  }
0x6: {  	s8 =	ssub.s32 $0x2, s5;
	s6 =	smul.u32 $0xD0, s3;
	s3 =	sadd.s32 $0x320800, s4  }
0x7: {  	s9 =	sshrl.u32 s8, $0x1;
	s30 =	sadd.s32 s7, s4;
	s7 =	simm.s32 $0x2  }
0x8: {  	s31 =	ssub.s32 s8, s9;
	s8 =	simm.s32 $0x80;
	s9 =	simm.s32 $0x680  }
0x9: {  	s29 =	sadd.s32 s6, s4;
	s5 =	smax.u32 s31, $0x1;
	s6 =	sadd.s32 s10, s30  }
0xa: {  	s10 =	simm.s32 $0x1;
	s4 =	sadd.s32 $0x6E00, s29;
	s6 =	sadd.s32 $0xA200, s6  }
.LBB2_1:
0xb: {  	[tilespmem:s2], [sflag:$0x2] =	stream.linear.gather [hbm4b:s4+s2], $0x680, $0x38;
	[tilespmem:$0x4680] =	vst v63  }
0xc: {  	_ =	swait.ge [sflag:s7], $0x680  }
0xd: {  	[sflag:s7] =	ssyncset.done $0x0  }
0xe: {  	s12 =	simm.s32 $0x0;
	[sflag:s7] =	ssyncadd.s32 $0xFFFFF980  }
0xf: {  	[tilespmem:s9], [sflag:$0x1] =	stream.indirect.gather [hbm4b:s3+s8], $0x80, s12, s8, $0xb8;
	[tilespmem:$0x4680] =	vst v63  }
0x10: {  	_ =	swait.ge [sflag:s10], $0x4000  }
0x11: {  	[sflag:s10] =	ssyncset.done $0x0  }
0x12: {  	[sflag:s10] =	ssyncadd.s32 $0xFFFFC000  }
0x13: {  	[hbm4b:s6+s2] =	stream.linear.scatter [tilespmem:s9], [sflag:$0x2], $0x4000, $0x38;
	[tilespmem:$0x4680] =	vst v63  }
0x14: {  	s13 =	simm.s32 $0x200;
	_ =	swait.ge [sflag:s7], $0x4000  }
0x15: {  	s14 =	simm.s32 $0x400;
	s12 =	sadd.s32 $0x800, s6;
	[sflag:s7] =	ssyncset.done $0x0  }
.LBB2_2:
0x16: {  	s15 =	sshra.s32 s13, $0x2  }
0x17: {  	[sflag:s7] =	ssyncadd.s32 $0xFFFFC000;
	s13 =	smov.u32 s14;
	s16 =	sadd.s32 $0x200, s14  }
0x18: {  	[tilespmem:s9], [sflag:$0x1] =	stream.indirect.gather [hbm4b:s3+s8], $0x80, s15, s8, $0xb8;
	[tilespmem:$0x4680] =	vst v63  }
0x19: {  	p0 =	sne.s32 s14, $0x1800;
	_ =	swait.ge [sflag:s10], $0x4000  }
.Ltmp0:
0x1a: {  	[sflag:s10] =	ssyncset.done $0x0;
	(pc) =	sbr.rel @p0 .LBB2_2-.Ltmp0, $4  }
0x1b: {  	[sflag:s10] =	ssyncadd.s32 $0xFFFFC000  }
0x1c: {  	[hbm4b:s12+s2] =	stream.linear.scatter [tilespmem:s9], [sflag:$0x2], $0x4000, $0x38;
	[tilespmem:$0x4680] =	vst v63  }
0x1d: {  	_ =	swait.ge [sflag:s7], $0x4000  }
0x1e: {  	s14 =	smov.u32 s16;
	s12 =	sadd.s32 $0x800, s12;
	[sflag:s7] =	ssyncset.done $0x0  }
0x1f: {  	s13 =	sshra.s32 s13, $0x2;
	[sflag:s7] =	ssyncadd.s32 $0xFFFFC000  }
0x20: {  	[tilespmem:s9], [sflag:$0x1] =	stream.indirect.gather [hbm4b:s3+s8], $0x80, s13, s8, $0xb8;
	[tilespmem:$0x4680] =	vst v63  }
0x21: {  	s11 =	sadd.s32 $0x1, s11;
	_ =	swait.ge [sflag:s10], $0x4000  }
0x22: {  	p0 =	sne.s32 s11, s5;
	[sflag:s10] =	ssyncset.done $0x0  }
.Ltmp1:
0x23: {  	[sflag:s10] =	ssyncadd.s32 $0xFFFFC000;
	(pc) =	sbr.rel @p0 .LBB2_1-.Ltmp1, $4  }
0x24: {  	[hbm4b:s12+s2] =	stream.linear.scatter [tilespmem:s9], [sflag:$0x2], $0x4000, $0x38;
	[tilespmem:$0x4680] =	vst v63  }
0x25: {  	_ =	swait.ge [sflag:s7], $0x4000  }
0x26: {  	[sflag:s7] =	ssyncset.done $0x0  }
0x27: {  	[sflag:s7] =	ssyncadd.s32 $0xFFFFC000  }
0x28: {  	_ =	sfence.sel $0x180000  }
0x29: {  	[bflag:$0x0] =	sbarrier.arrive $0xFFFF  }
0x2a: {  	p0 =	sne.s32 s0, $0x0;
	_ =	strace $0x90000053  }
0x2b: {  	s0 =	sadd.s32 @!p0 $0x100000, s1;
	[bflag:$0x2] =	sbarrier.arrive $0xFFFF  }
0x2c: {  	[sflag:s0] =	ssyncadd.tile.s32 @!p0 $0x1;
	_ =	shalt  }
.Lfunc_end2:
_tile_overlayer_lowered:
.L_overlay_start_2:
0x2d: {  	(tag) =	ssettag $0x2  }
0x2e: {  	s0 =	rddreg [dreg:$0x0];
	s2 =	stileid.u32  }
0x2f: {  	s1 =	rddreg [dreg:$0x1];
	p0 =	sne.s32 s2, $0x0  }
0x30: {  	s3 =	rddreg [dreg:$0x2];
	[bflag:$0x3] =	sbarrier.arrive $0xFFFF;
	s2 =	simm.s32 @!p0 $0x1C02  }
0x31: {  	[timem:s3], [sflag:s2] =	dma.local @!p0 [hbm:s0], s1  }
0x32: {  	s0 =	simm.s32 @!p0 $0x2  }
0x33: {  	_ =	swait.ge @!p0 [sflag:s0], s1  }
0x34: {  	s1 =	ssub.s32 @!p0 $0x0, s1;
	[sflag:s0] =	ssyncset.done @!p0 $0x0  }
0x35: {  	[sflag:s0] =	ssyncadd.s32 @!p0 s1  }
0x36: {  	[bflag:$0x3] =	sbarrier.arrive $0xFFFF  }
0x37: {  	_ =	shalt  }

// kernel: kernel.31.cloned.1.call-start
scs
__scs_entry_jumppad:
0x0: {  	(pc) =	sbr.rel $0x88, $3  }
0x1: {  	(tag) =	ssettag $0x0;
	lr =	simm.s32 $0x1  }
0x2: {  	[smem:$0x3F91] =	sst lr;
	_ =	strace $0xD0000000  }
0x3: {  	_ = 	snop  }
0x4: {  	_ = 	snop  }
0x5: {  	_ = 	snop  }
0x6: {  	_ = 	snop  }
0x7: {  	_ = 	snop  }
__scs_overlays_trampoline_lowered:
0x8: {  	[smem:$0x3FA0] =	sst s0  }
0x9: {  	[smem:$0x3FA1] =	sst s1  }
0xa: {  	[smem:$0x3FA2] =	sst s2  }
0xb: {  	[smem:$0x3FA3] =	sst s3  }
0xc: {  	[smem:$0x3FA4] =	sst s4  }
0xd: {  	[smem:$0x3FA5] =	sst s5  }
0xe: {  	[smem:$0x3FA6] =	sst s6  }
0xf: {  	[smem:$0x3FA7] =	sst s7  }
0x10: {  	[smem:$0x3FA8] =	sst s8  }
0x11: {  	[smem:$0x3FA9] =	sst s9;
	s0 =	simm.s32 @!p0 $0x0  }
0x12: {  	s1 =	sld [smem:$0x3F8F];
	s0 =	simm.s32 @p0 $0x1  }
0x13: {  	[smem:$0x3FAA] =	sst s0;
	s0 =	simm.s32 @!p1 $0x0  }
0x14: {  	s2 =	sld [smem:$0x3F8E];
	s0 =	simm.s32 @p1 $0x1  }
0x15: {  	[smem:$0x3FAB] =	sst s0;
	s0 =	simm.s32 @!p2 $0x0  }
0x16: {  	s3 =	sld [smem:$0x3FDB];
	s0 =	simm.s32 @p2 $0x1  }
0x17: {  	s4 =	simm.s32 $0x1BF5;
	[smem:$0x3FAD] =	sst s0  }
0x18: {  	s0 =	sld [smem:$0x3F90];
	_ =	swait.ge [sflag:s4], $0x0  }
0x19: {  	s7 =	sld [smem:$0x3F91]  }
0x1a: {  	s8 =	sadd.s32 $0xFFFFE003, lr  }
0x1b: {  	s9 =	sadd.s32 $0xFFFFFEF7, lr;
	s5 =	simm.s32 $0xFFFFFFFF;
	p2 =	slt.u32 s8, $0xFFFFF086  }
0x1c: {  	p1 =	slt.u32 s9, $0xF7A;
	s5 =	simm.s32 @!p2 $0x0  }
0x1d: {  	s5 =	simm.s32 @p1 $0x1;
	p0 =	seq.s32 s7, s2  }
0x1e: {  	s7 =	smul.u32 @!p0 $0xF7A, s2;
	p2 =	seq.s32 @!p0 s5, $0x0  }
0x1f: {  	s9 =	smul.u32 $0xF7A, s1;
	s8 =	simm.s32 @!p0 $0x1BF5;
	p2 =	por !p2, p0  }
0x20: {  	[sflag:s8] =	ssyncset.s32 @!p0 $0xFFFFF086;
	s6 =	sadd.s32 @!p0 s3, s7;
	s7 =	simm.s32 @!p0 $0x108  }
0x21: {  	s3 =	sadd.s32 s3, s9;
	s6 =	sadd.s32 @!p0 $0x88, s6;
	s7 =	simm.s32 @p2 $0x1082  }
0x22: {  	[simem:s7], [sflag:s8] =	dma.local @!p0 [hbm:s6], $0xF7A  }
0x23: {  	s9 =	sor.u32 $0xD0000000, s2;
	s6 =	simm.s32 $0x108;
	_ =	swait.ge @!p0 [sflag:s8], $0x0  }
0x24: {  	s3 =	sadd.s32 $0x88, s3;
	s6 =	simm.s32 @!p1 $0x1082;
	[sflag:s4] =	ssyncset.s32 $0xFFFFF086  }
0x25: {  	[simem:s6], [sflag:s4] =	dma.local [hbm:s3], $0xF7A  }
0x26: {  	[smem:$0x3F91] =	sst s1;
	(tag) =	ssettag s2;
	_ =	strace s9  }
0x27: {  	s1 =	sld [smem:$0x3FA1]  }
0x28: {  	s2 =	sld [smem:$0x3FA2]  }
0x29: {  	s4 =	sld [smem:$0x3FA4]  }
0x2a: {  	p0 =	seq.s32 s5, $0x0;
	s5 =	sld [smem:$0x3FA5]  }
0x2b: {  	s6 =	sld [smem:$0x3FA6]  }
0x2c: {  	s7 =	sld [smem:$0x3FA7]  }
0x2d: {  	s3 =	simm.s32 $0x108;
	s8 =	sld [smem:$0x3FA8]  }
0x2e: {  	s3 =	simm.s32 @!p0 $0x1082;
	s9 =	sld [smem:$0x3FA9]  }
0x2f: {  	lr =	sadd.s32 s0, s3;
	s0 =	sld [smem:$0x3FA0]  }
0x30: {  	s3 =	sld [smem:$0x3FA3]  }
0x31: {  	[smem:$0x3FAC] =	sst s10  }
0x32: {  	s10 =	sld [smem:$0x3FAA];
	_ =	sdelay $0x3  }
0x33: {  	p0 =	seq.s32 s10, $0x1;
	s10 =	sld [smem:$0x3FAC];
	_ =	sdelay $0x3  }
0x34: {  	[smem:$0x3FAC] =	sst s10  }
0x35: {  	s10 =	sld [smem:$0x3FAB];
	_ =	sdelay $0x3  }
0x36: {  	p1 =	seq.s32 s10, $0x1;
	s10 =	sld [smem:$0x3FAC];
	_ =	sdelay $0x3  }
0x37: {  	[smem:$0x3FAC] =	sst s10  }
0x38: {  	s10 =	sld [smem:$0x3FAD]  }
0x39: {  	_ = 	snop;
	(pc) =	sbr.ind lr, $3  }
0x3a: {  	_ = 	snop  }
0x3b: {  	_ = 	snop  }
0x3c: {  	p2 =	seq.s32 s10, $0x1;
	s10 =	sld [smem:$0x3FAC]  }
0x3d: {  	_ =	shalt  }
0x3e: {  	_ =	shalt  }
0x3f: {  	_ =	shalt  }
0x40: {  	_ =	shalt  }
0x41: {  	_ =	shalt  }
0x42: {  	_ =	shalt  }
0x43: {  	_ =	shalt  }
0x44: {  	_ =	shalt  }
0x45: {  	_ =	shalt  }
0x46: {  	_ =	shalt  }
0x47: {  	_ =	shalt  }
0x48: {  	_ =	shalt  }
0x49: {  	_ =	shalt  }
0x4a: {  	_ =	shalt  }
0x4b: {  	_ =	shalt  }
0x4c: {  	_ =	shalt  }
0x4d: {  	_ =	shalt  }
0x4e: {  	_ =	shalt  }
0x4f: {  	_ =	shalt  }
0x50: {  	_ =	shalt  }
0x51: {  	_ =	shalt  }
0x52: {  	_ =	shalt  }
0x53: {  	_ =	shalt  }
0x54: {  	_ =	shalt  }
0x55: {  	_ =	shalt  }
0x56: {  	_ =	shalt  }
0x57: {  	_ =	shalt  }
0x58: {  	_ =	shalt  }
0x59: {  	_ =	shalt  }
0x5a: {  	_ =	shalt  }
0x5b: {  	_ =	shalt  }
0x5c: {  	_ =	shalt  }
0x5d: {  	_ =	shalt  }
0x5e: {  	_ =	shalt  }
0x5f: {  	_ =	shalt  }
0x60: {  	_ =	shalt  }
0x61: {  	_ =	shalt  }
0x62: {  	_ =	shalt  }
0x63: {  	_ =	shalt  }
0x64: {  	_ =	shalt  }
0x65: {  	_ =	shalt  }
0x66: {  	_ =	shalt  }
0x67: {  	_ =	shalt  }
0x68: {  	_ =	shalt  }
0x69: {  	_ =	shalt  }
0x6a: {  	_ =	shalt  }
0x6b: {  	_ =	shalt  }
0x6c: {  	_ =	shalt  }
0x6d: {  	_ =	shalt  }
0x6e: {  	_ =	shalt  }
0x6f: {  	_ =	shalt  }
0x70: {  	_ =	shalt  }
0x71: {  	_ =	shalt  }
0x72: {  	_ =	shalt  }
0x73: {  	_ =	shalt  }
0x74: {  	_ =	shalt  }
0x75: {  	_ =	shalt  }
0x76: {  	_ =	shalt  }
0x77: {  	_ =	shalt  }
0x78: {  	_ =	shalt  }
0x79: {  	_ =	shalt  }
0x7a: {  	_ =	shalt  }
0x7b: {  	_ =	shalt  }
0x7c: {  	_ =	shalt  }
0x7d: {  	_ =	shalt  }
0x7e: {  	_ =	shalt  }
0x7f: {  	_ =	shalt  }
0x80: {  	_ =	shalt  }
0x81: {  	_ =	shalt  }
0x82: {  	_ =	shalt  }
0x83: {  	_ =	shalt  }
0x84: {  	_ =	shalt  }
0x85: {  	_ =	shalt  }
0x86: {  	_ =	shalt  }
0x87: {  	_ =	shalt  }
.Lfunc_end0:
.L_simem_size_0:
called_computation.5_lowered:
.L_overlay_start_0:
0x88: {  	s2 =	sld [smem:$0x3FD9]  }
0x89: {  	s3 =	sld [smem:$0x3FFE];
	_ =	sdelay $0x1  }
0x8a: {  	s1 =	srdreg.scid  }
0x8b: {  	s0 =	sand.u32 $0x1, s1  }
0x8c: {  	s16 =	sshll.u32 s0, $0xA;
	s2 =	sadd.s32 s3, s2  }
0x8d: {  	s2 =	sadd.s32 s2, s16  }
0x8e: {  	[smem:$0x3FB8] =	sst s2  }
0x8f: {  	_ = 	snop  }
0x90: {  	(tm) =	ssettm $0x1  }
0x91: {  	s17 =	sld [smem:$0x3FFB];
	_ =	sdelay $0x3  }
0x92: {  	_ =	strace s17  }
0x93: {  	s2 =	sld [smem:$0x3FFC];
	_ =	sdelay $0x3  }
0x94: {  	_ =	strace s2  }
0x95: {  	s2 =	sld [smem:$0x3FFD];
	_ =	sdelay $0x3  }
0x96: {  	_ =	strace s2  }
0x97: {  	_ =	strace $0x8FFFFFFF  }
0x98: {  	s18 =	sld [smem:$0x3FDB];
	_ =	sdelay $0x1  }
0x99: {  	s19 =	simm.s32 $_scs_section_size  }
0x9a: {  	s4 =	simm.s32 $_size__tile_overlayer_lowered;
	s5 =	simm.s32 $_tile_overlayer_lowered  }
0x9b: {  	s22 =	simm.s32 $0x1BFF;
	s21 =	sshll.u32 s5, $0x1;
	s2 =	sadd.s32 s19, s18  }
0x9c: {  	s6 =	simm.s32 $0x0;
	s20 =	sshll.u32 s4, $0x1;
	s4 =	sadd.s32 s21, s2  }
0x9d: {  	[timem:s6], [sflag:s22] =	dma.local [hbm:s4], s20  }
0x9e: {  	_ =	swait.ge [sflag:s22], s20  }
0x9f: {  	s3 =	ssub.s32 $0x0, s20;
	[sflag:s22] =	ssyncset.done $0x0  }
0xa0: {  	[sflag:s22] =	ssyncadd.s32 s3;
	_ =	sdelay $0x1  }
0xa1: {  	s23 =	simm.s32 $0x1B8B  }
0xa2: {  	_ =	swait.ge [sflag:s23], $0x1  }
0xa3: {  	[sflag:s23] =	ssyncset.done $0x0  }
0xa4: {  	s25 =	simm.s32 $0x1B8E;
	s24 =	sld [smem:$0x3FFE];
	[sflag:s23] =	ssyncadd.s32 $0xFFFFFFFF  }
0xa5: {  	s26 =	simm.s32 $execute0_lowered;
	[smem:$0x3FD2] =	sst s25  }
0xa6: {  	s4 =	sshll.u32 s26, $0x1;
	_ =	strace $0x80000055;
	[dreg:$0x1] =	wrdreg $0xFFFFFFFF  }
0xa7: {  	s28 =	simm.s32 $_size_execute0_lowered;
	s2 =	sadd.s32 s2, s4;
	[dreg:$0x0] =	wrdreg $0x0  }
0xa8: {  	s4 =	sshll.u32 s28, $0x1;
	[dreg:$0x2] =	wrdreg s2  }
0xa9: {  	[dreg:$0x3] =	wrdreg s4  }
0xaa: {  	[dreg:$0x4] =	wrdreg $0xC0  }
0xab: {  	_ =	task [dreg:s6], $0x5FFFF  }
0xac: {  	[dreg:$0x1] =	wrdreg $0xFFFFFFFF  }
0xad: {  	[dreg:$0x0] =	wrdreg $0x60  }
0xae: {  	[dreg:$0x2] =	wrdreg s24  }
0xaf: {  	[dreg:$0x3] =	wrdreg $0x9  }
0xb0: {  	_ =	task.clear_ibuf [dreg:s6], $0x4FFFF;
	_ =	strace $0x90000055  }
0xb1: {  	s29 =	simm.s32 $0x9;
	_ =	strace $0x80000057  }
0xb2: {  	_ =	swait.ge [sflag:s29], $0x1  }
0xb3: {  	[sflag:s29] =	ssyncadd.s32 $0xFFFFFFFF  }
0xb4: {  	_ =	strace $0x90000057  }
0xb5: {  	_ =	sfence  }
0xb6: {  	s30 =	sld [smem:$0x0];
	_ =	sdelay $0x2  }
0xb7: {  	s31 =	sshll.u32 s1, $0xD;
	s1 =	sshrl.u32 s1, $0x2  }
0xb8: {  	s3 =	sand.u32 $0x4000, s31;
	s1 =	sadd.s32 s1, s30  }
0xb9: {  	s0 =	sor.u32 s3, s0;
	s1 =	sshll.u32 s1, $0x11  }
0xba: {  	s0 =	sor.u32 s1, s0  }
0xbb: {  	s0 =	sadd.s32 $0x8F2B, s0  }
0xbc: {  	[sflag:s0] =	ssyncadd.remote.s32 $0x1  }
0xbd: {  	_ =	sfence.sel $0xFFFF  }
0xbe: {  	[dreg:$0x0] =	wrdreg $0xFFFFFFFF;
	(pc) =	sbr.abs _section_cstart, $3  }
0xbf: {  	[dreg:$0x1] =	wrdreg $0xFFFFFFFF  }
0xc0: {  	_ =	task.clear_ibuf [dreg:s6], $0x2FFFF;
	_ =	strace $0x9FFFFFFF  }
0xc1: {  	(tm) =	ssettm $0x7FFFFFFF  }
tec
execute0_lowered:
.L_overlay_start_1:
0x0: {  	(tag) =	ssettag $0x1  }
0x1: {  	s1 =	srdreg.scid  }
0x2: {  	s0 =	stileid.u32;
	s4 =	rddreg [dreg:$0x0];
	s2 =	simm.s32 $0x0  }
0x3: {  	s11 =	simm.s32 $0x0;
	s5 =	sand.u32 $0x1, s1;
	s1 =	rddreg [dreg:$0x1]  }
0x4: {  	s3 =	sshll.u32 s0, $0x1;
	[smem:$0x7FF] =	sst s2;
	s7 =	smul.u32 $0xD000, s0  }
0x5: {  	s3 =	sor.u32 s5, s3;
	_ =	strace $0x80000056;
	s10 =	smul.u32 $0x6800, s5  }
0x6: {  	s8 =	ssub.s32 $0x2, s5;
	s6 =	smul.u32 $0xD0, s3;
	s3 =	sadd.s32 $0xDA200, s4  }
0x7: {  	s9 =	sshrl.u32 s8, $0x1;
	s30 =	sadd.s32 s7, s4;
	s7 =	simm.s32 $0x2  }
0x8: {  	s31 =	ssub.s32 s8, s9;
	s8 =	simm.s32 $0x80;
	s9 =	simm.s32 $0x680  }
0x9: {  	s29 =	sadd.s32 s6, s4;
	s5 =	smax.u32 s31, $0x1;
	s6 =	sadd.s32 s10, s30  }
0xa: {  	s10 =	simm.s32 $0x1;
	s4 =	sadd.s32 $0x105400, s29;
	s6 =	sadd.s32 $0x12EE00, s6  }
.LBB2_1:
0xb: {  	[tilespmem:s2], [sflag:$0x2] =	stream.linear.gather [hbm4b:s4+s2], $0x680, $0x38;
	[tilespmem:$0x4680] =	vst v63  }
0xc: {  	_ =	swait.ge [sflag:s7], $0x680  }
0xd: {  	[sflag:s7] =	ssyncset.done $0x0  }
0xe: {  	s12 =	simm.s32 $0x0;
	[sflag:s7] =	ssyncadd.s32 $0xFFFFF980  }
0xf: {  	[tilespmem:s9], [sflag:$0x1] =	stream.indirect.gather [hbm4b:s3+s8], $0x80, s12, s8, $0xb8;
	[tilespmem:$0x4680] =	vst v63  }
0x10: {  	_ =	swait.ge [sflag:s10], $0x4000  }
0x11: {  	[sflag:s10] =	ssyncset.done $0x0  }
0x12: {  	[sflag:s10] =	ssyncadd.s32 $0xFFFFC000  }
0x13: {  	[hbm4b:s6+s2] =	stream.linear.scatter [tilespmem:s9], [sflag:$0x2], $0x4000, $0x38;
	[tilespmem:$0x4680] =	vst v63  }
0x14: {  	s13 =	simm.s32 $0x200;
	_ =	swait.ge [sflag:s7], $0x4000  }
0x15: {  	s14 =	simm.s32 $0x400;
	s12 =	sadd.s32 $0x800, s6;
	[sflag:s7] =	ssyncset.done $0x0  }
.LBB2_2:
0x16: {  	s15 =	sshra.s32 s13, $0x2  }
0x17: {  	[sflag:s7] =	ssyncadd.s32 $0xFFFFC000;
	s13 =	smov.u32 s14;
	s16 =	sadd.s32 $0x200, s14  }
0x18: {  	[tilespmem:s9], [sflag:$0x1] =	stream.indirect.gather [hbm4b:s3+s8], $0x80, s15, s8, $0xb8;
	[tilespmem:$0x4680] =	vst v63  }
0x19: {  	p0 =	sne.s32 s14, $0x1800;
	_ =	swait.ge [sflag:s10], $0x4000  }
.Ltmp0:
0x1a: {  	[sflag:s10] =	ssyncset.done $0x0;
	(pc) =	sbr.rel @p0 .LBB2_2-.Ltmp0, $4  }
0x1b: {  	[sflag:s10] =	ssyncadd.s32 $0xFFFFC000  }
0x1c: {  	[hbm4b:s12+s2] =	stream.linear.scatter [tilespmem:s9], [sflag:$0x2], $0x4000, $0x38;
	[tilespmem:$0x4680] =	vst v63  }
0x1d: {  	_ =	swait.ge [sflag:s7], $0x4000  }
0x1e: {  	s14 =	smov.u32 s16;
	s12 =	sadd.s32 $0x800, s12;
	[sflag:s7] =	ssyncset.done $0x0  }
0x1f: {  	s13 =	sshra.s32 s13, $0x2;
	[sflag:s7] =	ssyncadd.s32 $0xFFFFC000  }
0x20: {  	[tilespmem:s9], [sflag:$0x1] =	stream.indirect.gather [hbm4b:s3+s8], $0x80, s13, s8, $0xb8;
	[tilespmem:$0x4680] =	vst v63  }
0x21: {  	s11 =	sadd.s32 $0x1, s11;
	_ =	swait.ge [sflag:s10], $0x4000  }
0x22: {  	p0 =	sne.s32 s11, s5;
	[sflag:s10] =	ssyncset.done $0x0  }
.Ltmp1:
0x23: {  	[sflag:s10] =	ssyncadd.s32 $0xFFFFC000;
	(pc) =	sbr.rel @p0 .LBB2_1-.Ltmp1, $4  }
0x24: {  	[hbm4b:s12+s2] =	stream.linear.scatter [tilespmem:s9], [sflag:$0x2], $0x4000, $0x38;
	[tilespmem:$0x4680] =	vst v63  }
0x25: {  	_ =	swait.ge [sflag:s7], $0x4000  }
0x26: {  	[sflag:s7] =	ssyncset.done $0x0  }
0x27: {  	[sflag:s7] =	ssyncadd.s32 $0xFFFFC000  }
0x28: {  	_ =	sfence.sel $0x180000  }
0x29: {  	[bflag:$0x0] =	sbarrier.arrive $0xFFFF  }
0x2a: {  	p0 =	sne.s32 s0, $0x0;
	_ =	strace $0x90000056  }
0x2b: {  	s0 =	sadd.s32 @!p0 $0x100000, s1;
	[bflag:$0x2] =	sbarrier.arrive $0xFFFF  }
0x2c: {  	[sflag:s0] =	ssyncadd.tile.s32 @!p0 $0x1;
	_ =	shalt  }
.Lfunc_end2:
_tile_overlayer_lowered:
.L_overlay_start_2:
0x2d: {  	(tag) =	ssettag $0x2  }
0x2e: {  	s0 =	rddreg [dreg:$0x0];
	s2 =	stileid.u32  }
0x2f: {  	s1 =	rddreg [dreg:$0x1];
	p0 =	sne.s32 s2, $0x0  }
0x30: {  	s3 =	rddreg [dreg:$0x2];
	[bflag:$0x3] =	sbarrier.arrive $0xFFFF;
	s2 =	simm.s32 @!p0 $0x1C02  }
0x31: {  	[timem:s3], [sflag:s2] =	dma.local @!p0 [hbm:s0], s1  }
0x32: {  	s0 =	simm.s32 @!p0 $0x2  }
0x33: {  	_ =	swait.ge @!p0 [sflag:s0], s1  }
0x34: {  	s1 =	ssub.s32 @!p0 $0x0, s1;
	[sflag:s0] =	ssyncset.done @!p0 $0x0  }
0x35: {  	[sflag:s0] =	ssyncadd.s32 @!p0 s1  }
0x36: {  	[bflag:$0x3] =	sbarrier.arrive $0xFFFF  }
0x37: {  	_ =	shalt  }

// kernel: kernel.34.cloned.1.call-start
scs
__scs_entry_jumppad:
0x0: {  	(pc) =	sbr.rel $0x88, $3  }
0x1: {  	(tag) =	ssettag $0x0;
	lr =	simm.s32 $0x1  }
0x2: {  	[smem:$0x3F91] =	sst lr;
	_ =	strace $0xD0000000  }
0x3: {  	_ = 	snop  }
0x4: {  	_ = 	snop  }
0x5: {  	_ = 	snop  }
0x6: {  	_ = 	snop  }
0x7: {  	_ = 	snop  }
__scs_overlays_trampoline_lowered:
0x8: {  	[smem:$0x3FA0] =	sst s0  }
0x9: {  	[smem:$0x3FA1] =	sst s1  }
0xa: {  	[smem:$0x3FA2] =	sst s2  }
0xb: {  	[smem:$0x3FA3] =	sst s3  }
0xc: {  	[smem:$0x3FA4] =	sst s4  }
0xd: {  	[smem:$0x3FA5] =	sst s5  }
0xe: {  	[smem:$0x3FA6] =	sst s6  }
0xf: {  	[smem:$0x3FA7] =	sst s7  }
0x10: {  	[smem:$0x3FA8] =	sst s8  }
0x11: {  	[smem:$0x3FA9] =	sst s9;
	s0 =	simm.s32 @!p0 $0x0  }
0x12: {  	s1 =	sld [smem:$0x3F8F];
	s0 =	simm.s32 @p0 $0x1  }
0x13: {  	[smem:$0x3FAA] =	sst s0;
	s0 =	simm.s32 @!p1 $0x0  }
0x14: {  	s2 =	sld [smem:$0x3F8E];
	s0 =	simm.s32 @p1 $0x1  }
0x15: {  	[smem:$0x3FAB] =	sst s0;
	s0 =	simm.s32 @!p2 $0x0  }
0x16: {  	s3 =	sld [smem:$0x3FDB];
	s0 =	simm.s32 @p2 $0x1  }
0x17: {  	s4 =	simm.s32 $0x1BF5;
	[smem:$0x3FAD] =	sst s0  }
0x18: {  	s0 =	sld [smem:$0x3F90];
	_ =	swait.ge [sflag:s4], $0x0  }
0x19: {  	s7 =	sld [smem:$0x3F91]  }
0x1a: {  	s8 =	sadd.s32 $0xFFFFE003, lr  }
0x1b: {  	s9 =	sadd.s32 $0xFFFFFEF7, lr;
	s5 =	simm.s32 $0xFFFFFFFF;
	p2 =	slt.u32 s8, $0xFFFFF086  }
0x1c: {  	p1 =	slt.u32 s9, $0xF7A;
	s5 =	simm.s32 @!p2 $0x0  }
0x1d: {  	s5 =	simm.s32 @p1 $0x1;
	p0 =	seq.s32 s7, s2  }
0x1e: {  	s7 =	smul.u32 @!p0 $0xF7A, s2;
	p2 =	seq.s32 @!p0 s5, $0x0  }
0x1f: {  	s9 =	smul.u32 $0xF7A, s1;
	s8 =	simm.s32 @!p0 $0x1BF5;
	p2 =	por !p2, p0  }
0x20: {  	[sflag:s8] =	ssyncset.s32 @!p0 $0xFFFFF086;
	s6 =	sadd.s32 @!p0 s3, s7;
	s7 =	simm.s32 @!p0 $0x108  }
0x21: {  	s3 =	sadd.s32 s3, s9;
	s6 =	sadd.s32 @!p0 $0x88, s6;
	s7 =	simm.s32 @p2 $0x1082  }
0x22: {  	[simem:s7], [sflag:s8] =	dma.local @!p0 [hbm:s6], $0xF7A  }
0x23: {  	s9 =	sor.u32 $0xD0000000, s2;
	s6 =	simm.s32 $0x108;
	_ =	swait.ge @!p0 [sflag:s8], $0x0  }
0x24: {  	s3 =	sadd.s32 $0x88, s3;
	s6 =	simm.s32 @!p1 $0x1082;
	[sflag:s4] =	ssyncset.s32 $0xFFFFF086  }
0x25: {  	[simem:s6], [sflag:s4] =	dma.local [hbm:s3], $0xF7A  }
0x26: {  	[smem:$0x3F91] =	sst s1;
	(tag) =	ssettag s2;
	_ =	strace s9  }
0x27: {  	s1 =	sld [smem:$0x3FA1]  }
0x28: {  	s2 =	sld [smem:$0x3FA2]  }
0x29: {  	s4 =	sld [smem:$0x3FA4]  }
0x2a: {  	p0 =	seq.s32 s5, $0x0;
	s5 =	sld [smem:$0x3FA5]  }
0x2b: {  	s6 =	sld [smem:$0x3FA6]  }
0x2c: {  	s7 =	sld [smem:$0x3FA7]  }
0x2d: {  	s3 =	simm.s32 $0x108;
	s8 =	sld [smem:$0x3FA8]  }
0x2e: {  	s3 =	simm.s32 @!p0 $0x1082;
	s9 =	sld [smem:$0x3FA9]  }
0x2f: {  	lr =	sadd.s32 s0, s3;
	s0 =	sld [smem:$0x3FA0]  }
0x30: {  	s3 =	sld [smem:$0x3FA3]  }
0x31: {  	[smem:$0x3FAC] =	sst s10  }
0x32: {  	s10 =	sld [smem:$0x3FAA];
	_ =	sdelay $0x3  }
0x33: {  	p0 =	seq.s32 s10, $0x1;
	s10 =	sld [smem:$0x3FAC];
	_ =	sdelay $0x3  }
0x34: {  	[smem:$0x3FAC] =	sst s10  }
0x35: {  	s10 =	sld [smem:$0x3FAB];
	_ =	sdelay $0x3  }
0x36: {  	p1 =	seq.s32 s10, $0x1;
	s10 =	sld [smem:$0x3FAC];
	_ =	sdelay $0x3  }
0x37: {  	[smem:$0x3FAC] =	sst s10  }
0x38: {  	s10 =	sld [smem:$0x3FAD]  }
0x39: {  	_ = 	snop;
	(pc) =	sbr.ind lr, $3  }
0x3a: {  	_ = 	snop  }
0x3b: {  	_ = 	snop  }
0x3c: {  	p2 =	seq.s32 s10, $0x1;
	s10 =	sld [smem:$0x3FAC]  }
0x3d: {  	_ =	shalt  }
0x3e: {  	_ =	shalt  }
0x3f: {  	_ =	shalt  }
0x40: {  	_ =	shalt  }
0x41: {  	_ =	shalt  }
0x42: {  	_ =	shalt  }
0x43: {  	_ =	shalt  }
0x44: {  	_ =	shalt  }
0x45: {  	_ =	shalt  }
0x46: {  	_ =	shalt  }
0x47: {  	_ =	shalt  }
0x48: {  	_ =	shalt  }
0x49: {  	_ =	shalt  }
0x4a: {  	_ =	shalt  }
0x4b: {  	_ =	shalt  }
0x4c: {  	_ =	shalt  }
0x4d: {  	_ =	shalt  }
0x4e: {  	_ =	shalt  }
0x4f: {  	_ =	shalt  }
0x50: {  	_ =	shalt  }
0x51: {  	_ =	shalt  }
0x52: {  	_ =	shalt  }
0x53: {  	_ =	shalt  }
0x54: {  	_ =	shalt  }
0x55: {  	_ =	shalt  }
0x56: {  	_ =	shalt  }
0x57: {  	_ =	shalt  }
0x58: {  	_ =	shalt  }
0x59: {  	_ =	shalt  }
0x5a: {  	_ =	shalt  }
0x5b: {  	_ =	shalt  }
0x5c: {  	_ =	shalt  }
0x5d: {  	_ =	shalt  }
0x5e: {  	_ =	shalt  }
0x5f: {  	_ =	shalt  }
0x60: {  	_ =	shalt  }
0x61: {  	_ =	shalt  }
0x62: {  	_ =	shalt  }
0x63: {  	_ =	shalt  }
0x64: {  	_ =	shalt  }
0x65: {  	_ =	shalt  }
0x66: {  	_ =	shalt  }
0x67: {  	_ =	shalt  }
0x68: {  	_ =	shalt  }
0x69: {  	_ =	shalt  }
0x6a: {  	_ =	shalt  }
0x6b: {  	_ =	shalt  }
0x6c: {  	_ =	shalt  }
0x6d: {  	_ =	shalt  }
0x6e: {  	_ =	shalt  }
0x6f: {  	_ =	shalt  }
0x70: {  	_ =	shalt  }
0x71: {  	_ =	shalt  }
0x72: {  	_ =	shalt  }
0x73: {  	_ =	shalt  }
0x74: {  	_ =	shalt  }
0x75: {  	_ =	shalt  }
0x76: {  	_ =	shalt  }
0x77: {  	_ =	shalt  }
0x78: {  	_ =	shalt  }
0x79: {  	_ =	shalt  }
0x7a: {  	_ =	shalt  }
0x7b: {  	_ =	shalt  }
0x7c: {  	_ =	shalt  }
0x7d: {  	_ =	shalt  }
0x7e: {  	_ =	shalt  }
0x7f: {  	_ =	shalt  }
0x80: {  	_ =	shalt  }
0x81: {  	_ =	shalt  }
0x82: {  	_ =	shalt  }
0x83: {  	_ =	shalt  }
0x84: {  	_ =	shalt  }
0x85: {  	_ =	shalt  }
0x86: {  	_ =	shalt  }
0x87: {  	_ =	shalt  }
.Lfunc_end0:
.L_simem_size_0:
called_computation.6_lowered:
.L_overlay_start_0:
0x88: {  	s2 =	sld [smem:$0x3FD9]  }
0x89: {  	s3 =	sld [smem:$0x3FFE];
	_ =	sdelay $0x1  }
0x8a: {  	s1 =	srdreg.scid  }
0x8b: {  	s0 =	sand.u32 $0x1, s1  }
0x8c: {  	s16 =	sshll.u32 s0, $0xA;
	s2 =	sadd.s32 s3, s2  }
0x8d: {  	s2 =	sadd.s32 s2, s16  }
0x8e: {  	[smem:$0x3FB8] =	sst s2  }
0x8f: {  	_ = 	snop  }
0x90: {  	(tm) =	ssettm $0x1  }
0x91: {  	s17 =	sld [smem:$0x3FFB];
	_ =	sdelay $0x3  }
0x92: {  	_ =	strace s17  }
0x93: {  	s2 =	sld [smem:$0x3FFC];
	_ =	sdelay $0x3  }
0x94: {  	_ =	strace s2  }
0x95: {  	s2 =	sld [smem:$0x3FFD];
	_ =	sdelay $0x3  }
0x96: {  	_ =	strace s2  }
0x97: {  	_ =	strace $0x8FFFFFFF  }
0x98: {  	s18 =	sld [smem:$0x3FDB];
	_ =	sdelay $0x1  }
0x99: {  	s19 =	simm.s32 $_scs_section_size  }
0x9a: {  	s4 =	simm.s32 $_size__tile_overlayer_lowered;
	s5 =	simm.s32 $_tile_overlayer_lowered  }
0x9b: {  	s22 =	simm.s32 $0x1BFF;
	s21 =	sshll.u32 s5, $0x1;
	s2 =	sadd.s32 s19, s18  }
0x9c: {  	s6 =	simm.s32 $0x0;
	s20 =	sshll.u32 s4, $0x1;
	s4 =	sadd.s32 s21, s2  }
0x9d: {  	[timem:s6], [sflag:s22] =	dma.local [hbm:s4], s20  }
0x9e: {  	_ =	swait.ge [sflag:s22], s20  }
0x9f: {  	s3 =	ssub.s32 $0x0, s20;
	[sflag:s22] =	ssyncset.done $0x0  }
0xa0: {  	[sflag:s22] =	ssyncadd.s32 s3;
	_ =	sdelay $0x1  }
0xa1: {  	s23 =	simm.s32 $0x1B8B  }
0xa2: {  	_ =	swait.ge [sflag:s23], $0x1  }
0xa3: {  	[sflag:s23] =	ssyncset.done $0x0  }
0xa4: {  	s25 =	simm.s32 $0x1B8E;
	s24 =	sld [smem:$0x3FFE];
	[sflag:s23] =	ssyncadd.s32 $0xFFFFFFFF  }
0xa5: {  	s26 =	simm.s32 $execute0_lowered;
	[smem:$0x3FD2] =	sst s25  }
0xa6: {  	s4 =	sshll.u32 s26, $0x1;
	_ =	strace $0x80000058;
	[dreg:$0x1] =	wrdreg $0xFFFFFFFF  }
0xa7: {  	s28 =	simm.s32 $_size_execute0_lowered;
	s2 =	sadd.s32 s2, s4;
	[dreg:$0x0] =	wrdreg $0x0  }
0xa8: {  	s4 =	sshll.u32 s28, $0x1;
	[dreg:$0x2] =	wrdreg s2  }
0xa9: {  	[dreg:$0x3] =	wrdreg s4  }
0xaa: {  	[dreg:$0x4] =	wrdreg $0xC0  }
0xab: {  	_ =	task [dreg:s6], $0x5FFFF  }
0xac: {  	[dreg:$0x1] =	wrdreg $0xFFFFFFFF  }
0xad: {  	[dreg:$0x0] =	wrdreg $0x60  }
0xae: {  	[dreg:$0x2] =	wrdreg s24  }
0xaf: {  	[dreg:$0x3] =	wrdreg $0x46800  }
0xb0: {  	[dreg:$0x4] =	wrdreg $0x9  }
0xb1: {  	_ =	task.clear_ibuf [dreg:s6], $0x5FFFF;
	_ =	strace $0x90000058  }
0xb2: {  	s29 =	simm.s32 $0x9;
	_ =	strace $0x8000005A  }
0xb3: {  	_ =	swait.ge [sflag:s29], $0x1  }
0xb4: {  	[sflag:s29] =	ssyncadd.s32 $0xFFFFFFFF  }
0xb5: {  	_ =	strace $0x9000005A  }
0xb6: {  	_ =	sfence  }
0xb7: {  	s30 =	sld [smem:$0x0];
	_ =	sdelay $0x2  }
0xb8: {  	s31 =	sshll.u32 s1, $0xD;
	s1 =	sshrl.u32 s1, $0x2  }
0xb9: {  	s3 =	sand.u32 $0x4000, s31;
	s1 =	sadd.s32 s1, s30  }
0xba: {  	s0 =	sor.u32 s3, s0;
	s1 =	sshll.u32 s1, $0x11  }
0xbb: {  	s0 =	sor.u32 s1, s0  }
0xbc: {  	s0 =	sadd.s32 $0x8F2B, s0  }
0xbd: {  	[sflag:s0] =	ssyncadd.remote.s32 $0x1  }
0xbe: {  	_ =	sfence.sel $0xFFFF  }
0xbf: {  	[dreg:$0x0] =	wrdreg $0xFFFFFFFF;
	(pc) =	sbr.abs _section_cstart, $3  }
0xc0: {  	[dreg:$0x1] =	wrdreg $0xFFFFFFFF  }
0xc1: {  	_ =	task.clear_ibuf [dreg:s6], $0x2FFFF;
	_ =	strace $0x9FFFFFFF  }
0xc2: {  	(tm) =	ssettm $0x7FFFFFFF  }
0xc3: {  	_ =	shalt  }
tec
execute0_lowered:
.L_overlay_start_1:
0x0: {  	(tag) =	ssettag $0x1  }
0x1: {  	s0 =	stileid.u32;
	s5 =	rddreg [dreg:$0x0]  }
0x2: {  	s1 =	srdreg.scid;
	s2 =	rddreg [dreg:$0x1]  }
0x3: {  	s3 =	simm.s32 $0x0;
	s13 =	simm.s32 $0x1;
	s6 =	smul.u32 $0xD000, s0  }
0x4: {  	s14 =	simm.s32 $0x80;
	s15 =	simm.s32 $0x0;
	s8 =	smul.u32 $0x14000, s0  }
0x5: {  	s4 =	sand.u32 $0x1, s1;
	s23 =	sshll.u32 s0, $0x1;
	s11 =	smul.u32 $0x50000, s0  }
0x6: {  	[smem:$0x7FF] =	sst s3;
	s31 =	sshll.u32 s0, $0x6;
	s9 =	smul.u32 $0x140000, s4  }
0x7: {  	s1 =	sor.u32 s4, s23;
	s26 =	ssub.s32 $0x2, s4;
	s30 =	smul.u32 $0x6800, s4  }
0x8: {  	s7 =	smul.u32 $0xD0, s1;
	s1 =	rddreg [dreg:$0x2];
	_ =	strace $0x80000059  }
0x9: {  	s10 =	sadd.s32 s6, s5;
	s25 =	sshrl.u32 s8, $0x3;
	s28 =	sshrl.u32 s26, $0x1  }
0xa: {  	s29 =	sshrl.u32 s11, $0x2;
	s11 =	simm.s32 $0x2;
	s8 =	sadd.s32 s8, s9  }
0xb: {  	s9 =	ssub.s32 s26, s28;
	s12 =	sadd.s32 s29, s2;
	s10 =	sadd.s32 s30, s10  }
0xc: {  	s24 =	sadd.s32 s7, s5;
	s8 =	sshrl.u32 s8, $0x3;
	s7 =	sadd.s32 s25, s5  }
0xd: {  	s8 =	sadd.s32 s8, s5;
	s4 =	sadd.s32 $0x106E00, s7;
	s5 =	sor.u32 $0x1C02, s31  }
0xe: {  	s6 =	sadd.s32 $0x8800, s24;
	s7 =	sadd.s32 $0x2CEE00, s8;
	s8 =	smax.u32 s9, $0x1  }
0xf: {  	s9 =	sadd.s32 $0x1FEE00, s10;
	s10 =	sshrl.u32 s12, $0x3;
	s12 =	simm.s32 $0x680  }
.LBB2_1:
0x10: {  	[spmem:s10], [sflag:s5] =	dma.local [hbm:s4], $0x2800  }
0x11: {  	_ =	swait.ge [sflag:s11], $0x2800  }
0x12: {  	[sflag:s11] =	ssyncset.done $0x0  }
0x13: {  	[sflag:s11] =	ssyncadd.s32 $0xFFFFD800  }
0x14: {  	[tilespmem:s3], [sflag:$0x2] =	stream.linear.gather [hbm4b:s6+s3], $0x680, $0x38;
	[tilespmem:$0x18680] =	vst v63  }
0x15: {  	_ =	swait.ge [sflag:s11], $0x680  }
0x16: {  	[sflag:s11] =	ssyncset.done $0x0  }
0x17: {  	[sflag:s11] =	ssyncadd.s32 $0xFFFFF980  }
0x18: {  	[bflag:$0x0] =	sbarrier.arrive $0xFFFF  }
0x19: {  	[tilespmem:s12], [sflag:$0x1] =	stream.linear.gather [hbm4b:s9+s3], $0x4000, $0x38;
	[tilespmem:$0x18680] =	vst v63  }
0x1a: {  	_ =	swait.ge [sflag:s13], $0x4000  }
0x1b: {  	[sflag:s13] =	ssyncset.done $0x0  }
0x1c: {  	s16 =	simm.s32 $0x0;
	[sflag:s13] =	ssyncadd.s32 $0xFFFFC000  }
0x1d: {  	[spmem:s2] =	stream.indirect.scatter.add.f32 [tilespmem:s12], [sflag:$0x2], $0x80, s16, s14, $0xb8;
	[tilespmem:$0x18680] =	vst v63  }
0x1e: {  	_ =	swait.ge [sflag:s11], $0x4000  }
0x1f: {  	s17 =	smov.u32 s9;
	s16 =	simm.s32 $0x200;
	[sflag:s11] =	ssyncset.done $0x0  }
.LBB2_2:
0x20: {  	p0 =	sne.s32 s16, $0x1800;
	[sflag:s11] =	ssyncadd.s32 $0xFFFFC000;
	s17 =	sadd.s32 $0x800, s17  }
0x21: {  	[tilespmem:s12], [sflag:$0x1] =	stream.linear.gather [hbm4b:s17+s3], $0x4000, $0x38;
	[tilespmem:$0x18680] =	vst v63  }
0x22: {  	s18 =	smov.u32 s16;
	s16 =	sadd.s32 $0x200, s16;
	_ =	swait.ge [sflag:s13], $0x4000  }
.Ltmp0:
0x23: {  	[sflag:s13] =	ssyncset.done $0x0;
	(pc) =	sbr.rel @p0 .LBB2_2-.Ltmp0, $4  }
0x24: {  	s18 =	sshra.s32 s18, $0x2;
	[sflag:s13] =	ssyncadd.s32 $0xFFFFC000  }
0x25: {  	[spmem:s2] =	stream.indirect.scatter.add.f32 [tilespmem:s12], [sflag:$0x2], $0x80, s18, s14, $0xb8;
	[tilespmem:$0x18680] =	vst v63  }
0x26: {  	_ =	swait.ge [sflag:s11], $0x4000  }
0x27: {  	[sflag:s11] =	ssyncset.done $0x0  }
0x28: {  	s15 =	sadd.s32 $0x1, s15  }
0x29: {  	[sflag:s11] =	ssyncadd.s32 $0xFFFFC000;
	p0 =	sne.s32 s15, s8  }
.Ltmp1:
0x2a: {  	[bflag:$0x0] =	sbarrier.arrive $0xFFFF;
	(pc) =	sbr.rel @p0 .LBB2_1-.Ltmp1, $4  }
0x2b: {  	[hbm:s7], [sflag:s5] =	dma.local [spmem:s10], $0x2800  }
0x2c: {  	_ =	swait.ge [sflag:s11], $0x2800  }
0x2d: {  	[sflag:s11] =	ssyncset.done $0x0  }
0x2e: {  	[sflag:s11] =	ssyncadd.s32 $0xFFFFD800  }
0x2f: {  	_ =	sfence.sel $0x180000  }
0x30: {  	[bflag:$0x0] =	sbarrier.arrive $0xFFFF  }
0x31: {  	p0 =	sne.s32 s0, $0x0;
	_ =	strace $0x90000059  }
0x32: {  	s0 =	sadd.s32 @!p0 $0x100000, s1;
	[bflag:$0x2] =	sbarrier.arrive $0xFFFF  }
0x33: {  	[sflag:s0] =	ssyncadd.tile.s32 @!p0 $0x1;
	_ =	shalt  }
.Lfunc_end2:
_tile_overlayer_lowered:
.L_overlay_start_2:
0x34: {  	(tag) =	ssettag $0x2  }
0x35: {  	s0 =	rddreg [dreg:$0x0];
	s2 =	stileid.u32  }
0x36: {  	s1 =	rddreg [dreg:$0x1];
	p0 =	sne.s32 s2, $0x0  }
0x37: {  	s3 =	rddreg [dreg:$0x2];
	[bflag:$0x3] =	sbarrier.arrive $0xFFFF;
	s2 =	simm.s32 @!p0 $0x1C02  }
0x38: {  	[timem:s3], [sflag:s2] =	dma.local @!p0 [hbm:s0], s1  }
0x39: {  	s0 =	simm.s32 @!p0 $0x2  }
0x3a: {  	_ =	swait.ge @!p0 [sflag:s0], s1  }
0x3b: {  	s1 =	ssub.s32 @!p0 $0x0, s1;
	[sflag:s0] =	ssyncset.done @!p0 $0x0  }
0x3c: {  	[sflag:s0] =	ssyncadd.s32 @!p0 s1  }
0x3d: {  	[bflag:$0x3] =	sbarrier.arrive $0xFFFF  }
0x3e: {  	_ =	shalt  }

// kernel: kernel.37.cloned.1.call-start
scs
__scs_entry_jumppad:
0x0: {  	(pc) =	sbr.rel $0x88, $3  }
0x1: {  	(tag) =	ssettag $0x0;
	lr =	simm.s32 $0x1  }
0x2: {  	[smem:$0x3F91] =	sst lr;
	_ =	strace $0xD0000000  }
0x3: {  	_ = 	snop  }
0x4: {  	_ = 	snop  }
0x5: {  	_ = 	snop  }
0x6: {  	_ = 	snop  }
0x7: {  	_ = 	snop  }
__scs_overlays_trampoline_lowered:
0x8: {  	[smem:$0x3FA0] =	sst s0  }
0x9: {  	[smem:$0x3FA1] =	sst s1  }
0xa: {  	[smem:$0x3FA2] =	sst s2  }
0xb: {  	[smem:$0x3FA3] =	sst s3  }
0xc: {  	[smem:$0x3FA4] =	sst s4  }
0xd: {  	[smem:$0x3FA5] =	sst s5  }
0xe: {  	[smem:$0x3FA6] =	sst s6  }
0xf: {  	[smem:$0x3FA7] =	sst s7  }
0x10: {  	[smem:$0x3FA8] =	sst s8  }
0x11: {  	[smem:$0x3FA9] =	sst s9;
	s0 =	simm.s32 @!p0 $0x0  }
0x12: {  	s1 =	sld [smem:$0x3F8F];
	s0 =	simm.s32 @p0 $0x1  }
0x13: {  	[smem:$0x3FAA] =	sst s0;
	s0 =	simm.s32 @!p1 $0x0  }
0x14: {  	s2 =	sld [smem:$0x3F8E];
	s0 =	simm.s32 @p1 $0x1  }
0x15: {  	[smem:$0x3FAB] =	sst s0;
	s0 =	simm.s32 @!p2 $0x0  }
0x16: {  	s3 =	sld [smem:$0x3FDB];
	s0 =	simm.s32 @p2 $0x1  }
0x17: {  	s4 =	simm.s32 $0x1BF5;
	[smem:$0x3FAD] =	sst s0  }
0x18: {  	s0 =	sld [smem:$0x3F90];
	_ =	swait.ge [sflag:s4], $0x0  }
0x19: {  	s7 =	sld [smem:$0x3F91]  }
0x1a: {  	s8 =	sadd.s32 $0xFFFFE003, lr  }
0x1b: {  	s9 =	sadd.s32 $0xFFFFFEF7, lr;
	s5 =	simm.s32 $0xFFFFFFFF;
	p2 =	slt.u32 s8, $0xFFFFF086  }
0x1c: {  	p1 =	slt.u32 s9, $0xF7A;
	s5 =	simm.s32 @!p2 $0x0  }
0x1d: {  	s5 =	simm.s32 @p1 $0x1;
	p0 =	seq.s32 s7, s2  }
0x1e: {  	s7 =	smul.u32 @!p0 $0xF7A, s2;
	p2 =	seq.s32 @!p0 s5, $0x0  }
0x1f: {  	s9 =	smul.u32 $0xF7A, s1;
	s8 =	simm.s32 @!p0 $0x1BF5;
	p2 =	por !p2, p0  }
0x20: {  	[sflag:s8] =	ssyncset.s32 @!p0 $0xFFFFF086;
	s6 =	sadd.s32 @!p0 s3, s7;
	s7 =	simm.s32 @!p0 $0x108  }
0x21: {  	s3 =	sadd.s32 s3, s9;
	s6 =	sadd.s32 @!p0 $0x88, s6;
	s7 =	simm.s32 @p2 $0x1082  }
0x22: {  	[simem:s7], [sflag:s8] =	dma.local @!p0 [hbm:s6], $0xF7A  }
0x23: {  	s9 =	sor.u32 $0xD0000000, s2;
	s6 =	simm.s32 $0x108;
	_ =	swait.ge @!p0 [sflag:s8], $0x0  }
0x24: {  	s3 =	sadd.s32 $0x88, s3;
	s6 =	simm.s32 @!p1 $0x1082;
	[sflag:s4] =	ssyncset.s32 $0xFFFFF086  }
0x25: {  	[simem:s6], [sflag:s4] =	dma.local [hbm:s3], $0xF7A  }
0x26: {  	[smem:$0x3F91] =	sst s1;
	(tag) =	ssettag s2;
	_ =	strace s9  }
0x27: {  	s1 =	sld [smem:$0x3FA1]  }
0x28: {  	s2 =	sld [smem:$0x3FA2]  }
0x29: {  	s4 =	sld [smem:$0x3FA4]  }
0x2a: {  	p0 =	seq.s32 s5, $0x0;
	s5 =	sld [smem:$0x3FA5]  }
0x2b: {  	s6 =	sld [smem:$0x3FA6]  }
0x2c: {  	s7 =	sld [smem:$0x3FA7]  }
0x2d: {  	s3 =	simm.s32 $0x108;
	s8 =	sld [smem:$0x3FA8]  }
0x2e: {  	s3 =	simm.s32 @!p0 $0x1082;
	s9 =	sld [smem:$0x3FA9]  }
0x2f: {  	lr =	sadd.s32 s0, s3;
	s0 =	sld [smem:$0x3FA0]  }
0x30: {  	s3 =	sld [smem:$0x3FA3]  }
0x31: {  	[smem:$0x3FAC] =	sst s10  }
0x32: {  	s10 =	sld [smem:$0x3FAA];
	_ =	sdelay $0x3  }
0x33: {  	p0 =	seq.s32 s10, $0x1;
	s10 =	sld [smem:$0x3FAC];
	_ =	sdelay $0x3  }
0x34: {  	[smem:$0x3FAC] =	sst s10  }
0x35: {  	s10 =	sld [smem:$0x3FAB];
	_ =	sdelay $0x3  }
0x36: {  	p1 =	seq.s32 s10, $0x1;
	s10 =	sld [smem:$0x3FAC];
	_ =	sdelay $0x3  }
0x37: {  	[smem:$0x3FAC] =	sst s10  }
0x38: {  	s10 =	sld [smem:$0x3FAD]  }
0x39: {  	_ = 	snop;
	(pc) =	sbr.ind lr, $3  }
0x3a: {  	_ = 	snop  }
0x3b: {  	_ = 	snop  }
0x3c: {  	p2 =	seq.s32 s10, $0x1;
	s10 =	sld [smem:$0x3FAC]  }
0x3d: {  	_ =	shalt  }
0x3e: {  	_ =	shalt  }
0x3f: {  	_ =	shalt  }
0x40: {  	_ =	shalt  }
0x41: {  	_ =	shalt  }
0x42: {  	_ =	shalt  }
0x43: {  	_ =	shalt  }
0x44: {  	_ =	shalt  }
0x45: {  	_ =	shalt  }
0x46: {  	_ =	shalt  }
0x47: {  	_ =	shalt  }
0x48: {  	_ =	shalt  }
0x49: {  	_ =	shalt  }
0x4a: {  	_ =	shalt  }
0x4b: {  	_ =	shalt  }
0x4c: {  	_ =	shalt  }
0x4d: {  	_ =	shalt  }
0x4e: {  	_ =	shalt  }
0x4f: {  	_ =	shalt  }
0x50: {  	_ =	shalt  }
0x51: {  	_ =	shalt  }
0x52: {  	_ =	shalt  }
0x53: {  	_ =	shalt  }
0x54: {  	_ =	shalt  }
0x55: {  	_ =	shalt  }
0x56: {  	_ =	shalt  }
0x57: {  	_ =	shalt  }
0x58: {  	_ =	shalt  }
0x59: {  	_ =	shalt  }
0x5a: {  	_ =	shalt  }
0x5b: {  	_ =	shalt  }
0x5c: {  	_ =	shalt  }
0x5d: {  	_ =	shalt  }
0x5e: {  	_ =	shalt  }
0x5f: {  	_ =	shalt  }
0x60: {  	_ =	shalt  }
0x61: {  	_ =	shalt  }
0x62: {  	_ =	shalt  }
0x63: {  	_ =	shalt  }
0x64: {  	_ =	shalt  }
0x65: {  	_ =	shalt  }
0x66: {  	_ =	shalt  }
0x67: {  	_ =	shalt  }
0x68: {  	_ =	shalt  }
0x69: {  	_ =	shalt  }
0x6a: {  	_ =	shalt  }
0x6b: {  	_ =	shalt  }
0x6c: {  	_ =	shalt  }
0x6d: {  	_ =	shalt  }
0x6e: {  	_ =	shalt  }
0x6f: {  	_ =	shalt  }
0x70: {  	_ =	shalt  }
0x71: {  	_ =	shalt  }
0x72: {  	_ =	shalt  }
0x73: {  	_ =	shalt  }
0x74: {  	_ =	shalt  }
0x75: {  	_ =	shalt  }
0x76: {  	_ =	shalt  }
0x77: {  	_ =	shalt  }
0x78: {  	_ =	shalt  }
0x79: {  	_ =	shalt  }
0x7a: {  	_ =	shalt  }
0x7b: {  	_ =	shalt  }
0x7c: {  	_ =	shalt  }
0x7d: {  	_ =	shalt  }
0x7e: {  	_ =	shalt  }
0x7f: {  	_ =	shalt  }
0x80: {  	_ =	shalt  }
0x81: {  	_ =	shalt  }
0x82: {  	_ =	shalt  }
0x83: {  	_ =	shalt  }
0x84: {  	_ =	shalt  }
0x85: {  	_ =	shalt  }
0x86: {  	_ =	shalt  }
0x87: {  	_ =	shalt  }
.Lfunc_end0:
.L_simem_size_0:
called_computation.7_lowered:
.L_overlay_start_0:
0x88: {  	s2 =	sld [smem:$0x3FD9]  }
0x89: {  	s3 =	sld [smem:$0x3FFE];
	_ =	sdelay $0x1  }
0x8a: {  	s1 =	srdreg.scid  }
0x8b: {  	s0 =	sand.u32 $0x1, s1  }
0x8c: {  	s16 =	sshll.u32 s0, $0xA;
	s2 =	sadd.s32 s3, s2  }
0x8d: {  	s2 =	sadd.s32 s2, s16  }
0x8e: {  	[smem:$0x3FB8] =	sst s2  }
0x8f: {  	_ = 	snop  }
0x90: {  	(tm) =	ssettm $0x1  }
0x91: {  	s17 =	sld [smem:$0x3FFB];
	_ =	sdelay $0x3  }
0x92: {  	_ =	strace s17  }
0x93: {  	s2 =	sld [smem:$0x3FFC];
	_ =	sdelay $0x3  }
0x94: {  	_ =	strace s2  }
0x95: {  	s2 =	sld [smem:$0x3FFD];
	_ =	sdelay $0x3  }
0x96: {  	_ =	strace s2  }
0x97: {  	_ =	strace $0x8FFFFFFF  }
0x98: {  	s18 =	sld [smem:$0x3FDB];
	_ =	sdelay $0x1  }
0x99: {  	s19 =	simm.s32 $_scs_section_size  }
0x9a: {  	s4 =	simm.s32 $_size__tile_overlayer_lowered;
	s5 =	simm.s32 $_tile_overlayer_lowered  }
0x9b: {  	s22 =	simm.s32 $0x1BFF;
	s21 =	sshll.u32 s5, $0x1;
	s2 =	sadd.s32 s19, s18  }
0x9c: {  	s6 =	simm.s32 $0x0;
	s20 =	sshll.u32 s4, $0x1;
	s4 =	sadd.s32 s21, s2  }
0x9d: {  	[timem:s6], [sflag:s22] =	dma.local [hbm:s4], s20  }
0x9e: {  	_ =	swait.ge [sflag:s22], s20  }
0x9f: {  	s3 =	ssub.s32 $0x0, s20;
	[sflag:s22] =	ssyncset.done $0x0  }
0xa0: {  	[sflag:s22] =	ssyncadd.s32 s3;
	_ =	sdelay $0x1  }
0xa1: {  	s23 =	simm.s32 $0x1B8B  }
0xa2: {  	_ =	swait.ge [sflag:s23], $0x1  }
0xa3: {  	[sflag:s23] =	ssyncset.done $0x0  }
0xa4: {  	s25 =	simm.s32 $0x1B8E;
	s24 =	sld [smem:$0x3FFE];
	[sflag:s23] =	ssyncadd.s32 $0xFFFFFFFF  }
0xa5: {  	s26 =	simm.s32 $execute0_lowered;
	[smem:$0x3FD2] =	sst s25  }
0xa6: {  	s4 =	sshll.u32 s26, $0x1;
	_ =	strace $0x8000005B;
	[dreg:$0x1] =	wrdreg $0xFFFFFFFF  }
0xa7: {  	s28 =	simm.s32 $_size_execute0_lowered;
	s2 =	sadd.s32 s2, s4;
	[dreg:$0x0] =	wrdreg $0x0  }
0xa8: {  	s4 =	sshll.u32 s28, $0x1;
	[dreg:$0x2] =	wrdreg s2  }
0xa9: {  	[dreg:$0x3] =	wrdreg s4  }
0xaa: {  	[dreg:$0x4] =	wrdreg $0xC0  }
0xab: {  	_ =	task [dreg:s6], $0x5FFFF  }
0xac: {  	[dreg:$0x1] =	wrdreg $0xFFFFFFFF  }
0xad: {  	[dreg:$0x0] =	wrdreg $0x60  }
0xae: {  	[dreg:$0x2] =	wrdreg s24  }
0xaf: {  	[dreg:$0x3] =	wrdreg $0x46800  }
0xb0: {  	[dreg:$0x4] =	wrdreg $0x9  }
0xb1: {  	_ =	task.clear_ibuf [dreg:s6], $0x5FFFF;
	_ =	strace $0x9000005B  }
0xb2: {  	s29 =	simm.s32 $0x9;
	_ =	strace $0x8000005D  }
0xb3: {  	_ =	swait.ge [sflag:s29], $0x1  }
0xb4: {  	[sflag:s29] =	ssyncadd.s32 $0xFFFFFFFF  }
0xb5: {  	_ =	strace $0x9000005D  }
0xb6: {  	_ =	sfence  }
0xb7: {  	s30 =	sld [smem:$0x0];
	_ =	sdelay $0x2  }
0xb8: {  	s31 =	sshll.u32 s1, $0xD;
	s1 =	sshrl.u32 s1, $0x2  }
0xb9: {  	s3 =	sand.u32 $0x4000, s31;
	s1 =	sadd.s32 s1, s30  }
0xba: {  	s0 =	sor.u32 s3, s0;
	s1 =	sshll.u32 s1, $0x11  }
0xbb: {  	s0 =	sor.u32 s1, s0  }
0xbc: {  	s0 =	sadd.s32 $0x8F2B, s0  }
0xbd: {  	[sflag:s0] =	ssyncadd.remote.s32 $0x1  }
0xbe: {  	_ =	sfence.sel $0xFFFF  }
0xbf: {  	[dreg:$0x0] =	wrdreg $0xFFFFFFFF;
	(pc) =	sbr.abs _section_cstart, $3  }
0xc0: {  	[dreg:$0x1] =	wrdreg $0xFFFFFFFF  }
0xc1: {  	_ =	task.clear_ibuf [dreg:s6], $0x2FFFF;
	_ =	strace $0x9FFFFFFF  }
0xc2: {  	(tm) =	ssettm $0x7FFFFFFF  }
0xc3: {  	_ =	shalt  }
tec
execute0_lowered:
.L_overlay_start_1:
0x0: {  	(tag) =	ssettag $0x1  }
0x1: {  	s0 =	stileid.u32;
	s5 =	rddreg [dreg:$0x0]  }
0x2: {  	s1 =	srdreg.scid;
	s2 =	rddreg [dreg:$0x1]  }
0x3: {  	s3 =	simm.s32 $0x0;
	s13 =	simm.s32 $0x1;
	s6 =	smul.u32 $0xD000, s0  }
0x4: {  	s14 =	simm.s32 $0x80;
	s15 =	simm.s32 $0x0;
	s8 =	smul.u32 $0x14000, s0  }
0x5: {  	s4 =	sand.u32 $0x1, s1;
	s23 =	sshll.u32 s0, $0x1;
	s11 =	smul.u32 $0x50000, s0  }
0x6: {  	[smem:$0x7FF] =	sst s3;
	s31 =	sshll.u32 s0, $0x6;
	s9 =	smul.u32 $0x140000, s4  }
0x7: {  	s1 =	sor.u32 s4, s23;
	s26 =	ssub.s32 $0x2, s4;
	s30 =	smul.u32 $0x6800, s4  }
0x8: {  	s7 =	smul.u32 $0xD0, s1;
	s1 =	rddreg [dreg:$0x2];
	_ =	strace $0x8000005C  }
0x9: {  	s10 =	sadd.s32 s6, s5;
	s25 =	sshrl.u32 s8, $0x3;
	s28 =	sshrl.u32 s26, $0x1  }
0xa: {  	s29 =	sshrl.u32 s11, $0x2;
	s11 =	simm.s32 $0x2;
	s8 =	sadd.s32 s8, s9  }
0xb: {  	s9 =	ssub.s32 s26, s28;
	s12 =	sadd.s32 s29, s2;
	s10 =	sadd.s32 s30, s10  }
0xc: {  	s24 =	sadd.s32 s7, s5;
	s8 =	sshrl.u32 s8, $0x3;
	s7 =	sadd.s32 s25, s5  }
0xd: {  	s8 =	sadd.s32 s8, s5;
	s4 =	sadd.s32 $0x106E00, s7;
	s5 =	sor.u32 $0x1C02, s31  }
0xe: {  	s6 =	sadd.s32 $0x31EE00, s24;
	s7 =	sadd.s32 $0x12EE00, s8;
	s8 =	smax.u32 s9, $0x1  }
0xf: {  	s9 =	sadd.s32 $0xA200, s10;
	s10 =	sshrl.u32 s12, $0x3;
	s12 =	simm.s32 $0x680  }
.LBB2_1:
0x10: {  	[spmem:s10], [sflag:s5] =	dma.local [hbm:s4], $0x2800  }
0x11: {  	_ =	swait.ge [sflag:s11], $0x2800  }
0x12: {  	[sflag:s11] =	ssyncset.done $0x0  }
0x13: {  	[sflag:s11] =	ssyncadd.s32 $0xFFFFD800  }
0x14: {  	[tilespmem:s3], [sflag:$0x2] =	stream.linear.gather [hbm4b:s6+s3], $0x680, $0x38;
	[tilespmem:$0x18680] =	vst v63  }
0x15: {  	_ =	swait.ge [sflag:s11], $0x680  }
0x16: {  	[sflag:s11] =	ssyncset.done $0x0  }
0x17: {  	[sflag:s11] =	ssyncadd.s32 $0xFFFFF980  }
0x18: {  	[bflag:$0x0] =	sbarrier.arrive $0xFFFF  }
0x19: {  	[tilespmem:s12], [sflag:$0x1] =	stream.linear.gather [hbm4b:s9+s3], $0x4000, $0x38;
	[tilespmem:$0x18680] =	vst v63  }
0x1a: {  	_ =	swait.ge [sflag:s13], $0x4000  }
0x1b: {  	[sflag:s13] =	ssyncset.done $0x0  }
0x1c: {  	s16 =	simm.s32 $0x0;
	[sflag:s13] =	ssyncadd.s32 $0xFFFFC000  }
0x1d: {  	[spmem:s2] =	stream.indirect.scatter.add.f32 [tilespmem:s12], [sflag:$0x2], $0x80, s16, s14, $0xb8;
	[tilespmem:$0x18680] =	vst v63  }
0x1e: {  	_ =	swait.ge [sflag:s11], $0x4000  }
0x1f: {  	s17 =	smov.u32 s9;
	s16 =	simm.s32 $0x200;
	[sflag:s11] =	ssyncset.done $0x0  }
.LBB2_2:
0x20: {  	p0 =	sne.s32 s16, $0x1800;
	[sflag:s11] =	ssyncadd.s32 $0xFFFFC000;
	s17 =	sadd.s32 $0x800, s17  }
0x21: {  	[tilespmem:s12], [sflag:$0x1] =	stream.linear.gather [hbm4b:s17+s3], $0x4000, $0x38;
	[tilespmem:$0x18680] =	vst v63  }
0x22: {  	s18 =	smov.u32 s16;
	s16 =	sadd.s32 $0x200, s16;
	_ =	swait.ge [sflag:s13], $0x4000  }
.Ltmp0:
0x23: {  	[sflag:s13] =	ssyncset.done $0x0;
	(pc) =	sbr.rel @p0 .LBB2_2-.Ltmp0, $4  }
0x24: {  	s18 =	sshra.s32 s18, $0x2;
	[sflag:s13] =	ssyncadd.s32 $0xFFFFC000  }
0x25: {  	[spmem:s2] =	stream.indirect.scatter.add.f32 [tilespmem:s12], [sflag:$0x2], $0x80, s18, s14, $0xb8;
	[tilespmem:$0x18680] =	vst v63  }
0x26: {  	_ =	swait.ge [sflag:s11], $0x4000  }
0x27: {  	[sflag:s11] =	ssyncset.done $0x0  }
0x28: {  	s15 =	sadd.s32 $0x1, s15  }
0x29: {  	[sflag:s11] =	ssyncadd.s32 $0xFFFFC000;
	p0 =	sne.s32 s15, s8  }
.Ltmp1:
0x2a: {  	[bflag:$0x0] =	sbarrier.arrive $0xFFFF;
	(pc) =	sbr.rel @p0 .LBB2_1-.Ltmp1, $4  }
0x2b: {  	[hbm:s7], [sflag:s5] =	dma.local [spmem:s10], $0x2800  }
0x2c: {  	_ =	swait.ge [sflag:s11], $0x2800  }
0x2d: {  	[sflag:s11] =	ssyncset.done $0x0  }
0x2e: {  	[sflag:s11] =	ssyncadd.s32 $0xFFFFD800  }
0x2f: {  	_ =	sfence.sel $0x180000  }
0x30: {  	[bflag:$0x0] =	sbarrier.arrive $0xFFFF  }
0x31: {  	p0 =	sne.s32 s0, $0x0;
	_ =	strace $0x9000005C  }
0x32: {  	s0 =	sadd.s32 @!p0 $0x100000, s1;
	[bflag:$0x2] =	sbarrier.arrive $0xFFFF  }
0x33: {  	[sflag:s0] =	ssyncadd.tile.s32 @!p0 $0x1;
	_ =	shalt  }
.Lfunc_end2:
_tile_overlayer_lowered:
.L_overlay_start_2:
0x34: {  	(tag) =	ssettag $0x2  }
0x35: {  	s0 =	rddreg [dreg:$0x0];
	s2 =	stileid.u32  }
0x36: {  	s1 =	rddreg [dreg:$0x1];
	p0 =	sne.s32 s2, $0x0  }
0x37: {  	s3 =	rddreg [dreg:$0x2];
	[bflag:$0x3] =	sbarrier.arrive $0xFFFF;
	s2 =	simm.s32 @!p0 $0x1C02  }
0x38: {  	[timem:s3], [sflag:s2] =	dma.local @!p0 [hbm:s0], s1  }
0x39: {  	s0 =	simm.s32 @!p0 $0x2  }
0x3a: {  	_ =	swait.ge @!p0 [sflag:s0], s1  }
0x3b: {  	s1 =	ssub.s32 @!p0 $0x0, s1;
	[sflag:s0] =	ssyncset.done @!p0 $0x0  }
0x3c: {  	[sflag:s0] =	ssyncadd.s32 @!p0 s1  }
0x3d: {  	[bflag:$0x3] =	sbarrier.arrive $0xFFFF  }
0x3e: {  	_ =	shalt  }

</sc_bundles>
